<compile_context>
chip_gen: v7x
topology: tpu7x:2x2x1
jax: 0.10.2.dev20260603
libtpu: 0.0.44.dev20260713+nightly
codegen_flags: <defaults>
</compile_context>

<pallas_src>
import functools

import jax
import jax.numpy as jnp
from jax import lax
from jax.experimental import pallas as pl
from jax.experimental.pallas import tpu as pltpu
from jax.experimental.pallas import tpu_sc as plsc

BATCH = 16384
HIDDEN = 64
FEAT_DIM = 20

_NC = 2
_NS = 16
_NW = _NC * _NS
_BPW = BATCH // _NW
_HB = _BPW // 2


def _sc_gather_body(uid_hbm, mid_hbm, utab_hbm, mtab_hbm,
                    uout_hbm, mout_hbm,
                    uid_v, mid_v, rows_v, gsem, wsem):
    wid = lax.axis_index("s") * _NC + lax.axis_index("c")
    base = wid * _BPW
    pltpu.sync_copy(uid_hbm.at[pl.ds(base, _BPW)], uid_v)
    pltpu.sync_copy(mid_hbm.at[pl.ds(base, _BPW)], mid_v)

    def phase(ids_ref, tab_hbm, out_hbm, half, par, first):
        buf = rows_v.at[par]

        def fire(g, carry):
            vec = ids_ref[pl.ds(half * _HB + g * 16, 16)]
            for j in range(16):
                pltpu.make_async_copy(
                    tab_hbm.at[pl.ds(vec[j], 1)],
                    buf.at[pl.ds(g * 16 + j, 1)],
                    gsem,
                ).start()
            return carry

        if not first:
            pltpu.make_async_copy(
                out_hbm.at[pl.ds(0, _HB)], buf, wsem).wait()
        lax.fori_loop(0, _HB // 16, fire, 0)
        pltpu.make_async_copy(tab_hbm.at[pl.ds(0, _HB)], buf, gsem).wait()
        pltpu.make_async_copy(
            buf, out_hbm.at[pl.ds(base + half * _HB, _HB)], wsem
        ).start()

    phase(uid_v, utab_hbm, uout_hbm, 0, 0, True)
    phase(uid_v, utab_hbm, uout_hbm, 1, 1, True)
    phase(mid_v, mtab_hbm, mout_hbm, 0, 0, False)
    phase(mid_v, mtab_hbm, mout_hbm, 1, 1, False)
    pltpu.make_async_copy(mout_hbm.at[pl.ds(0, _HB)], rows_v.at[0], wsem).wait()
    pltpu.make_async_copy(mout_hbm.at[pl.ds(0, _HB)], rows_v.at[1], wsem).wait()


@functools.cache
def _sc_gather():
    return pl.kernel(
        _sc_gather_body,
        out_type=(
            jax.ShapeDtypeStruct((BATCH, HIDDEN), jnp.float32),
            jax.ShapeDtypeStruct((BATCH, HIDDEN), jnp.float32),
        ),
        mesh=plsc.VectorSubcoreMesh(core_axis_name="c", subcore_axis_name="s"),
        scratch_types=[
            pltpu.VMEM((_BPW,), jnp.int32),
            pltpu.VMEM((_BPW,), jnp.int32),
            pltpu.VMEM((2, _HB, HIDDEN), jnp.float32),
            pltpu.SemaphoreType.DMA,
            pltpu.SemaphoreType.DMA,
        ],
    )


def _tc_combine_body(feat_ref, u_ref, m_ref, w_ref, b_ref, out_ref):
    proj = jnp.dot(feat_ref[...], w_ref[...],
                   preferred_element_type=jnp.float32) + b_ref[...]
    out_ref[...] = jnp.sum(u_ref[...] * (m_ref[...] + proj),
                           axis=1).reshape(out_ref.shape)


_TC_ROWS = 2048


def _tc_combine(movie_features, user_emb, movie_emb, W, b2d):
    grid = (BATCH // _TC_ROWS,)
    out = pl.pallas_call(
        _tc_combine_body,
        grid=grid,
        in_specs=[
            pl.BlockSpec((_TC_ROWS, FEAT_DIM), lambda i: (i, 0)),
            pl.BlockSpec((_TC_ROWS, HIDDEN), lambda i: (i, 0)),
            pl.BlockSpec((_TC_ROWS, HIDDEN), lambda i: (i, 0)),
            pl.BlockSpec((FEAT_DIM, HIDDEN), lambda i: (0, 0)),
            pl.BlockSpec((1, HIDDEN), lambda i: (0, 0)),
        ],
        out_specs=pl.BlockSpec((_TC_ROWS,), lambda i: (i,)),
        out_shape=jax.ShapeDtypeStruct((BATCH,), jnp.float32),
    )(movie_features, user_emb, movie_emb, W, b2d)
    return out


@jax.jit
def kernel(user_ids, movie_ids, movie_features, user_table, movie_table, W, b):
    uids = user_ids.astype(jnp.int32)
    mids = movie_ids.astype(jnp.int32)
    user_emb, movie_emb = _sc_gather()(uids, mids, user_table, movie_table)
    return _tc_combine(movie_features, user_emb, movie_emb, W,
                       b.reshape(1, HIDDEN))

# --- scband reference (transcript-rebuilt; emitter-appended) ---
"""Pipeline reference for scband-regularized-recommender-23313082483290 (READ-ONLY COPY).

The authoritative reference and input builder live on the scoring server;
editing this copy changes nothing except your own understanding.
"""

import jax, jax.numpy as jnp
import numpy as np

NUM_USERS = 1000000
NUM_MOVIES = 100000
FEAT_DIM = 20
HIDDEN = 64
BATCH = 16384

def setup_inputs(seed: int = 0) -> dict:
    key = jax.random.key(seed)
    k1, k2, k3, k4, k5, k6 = jax.random.split(key, 6)
    user_ids = jax.random.randint(k1, (BATCH,), 0, NUM_USERS, dtype=jnp.int64 if jax.config.jax_enable_x64 else jnp.int32)
    movie_ids = jax.random.randint(k2, (BATCH,), 0, NUM_MOVIES, dtype=jnp.int64 if jax.config.jax_enable_x64 else jnp.int32)
    movie_features = jax.random.uniform(k3, (BATCH, FEAT_DIM), dtype=jnp.float32)
    # learned params
    user_table = jax.random.normal(k4, (NUM_USERS, HIDDEN), dtype=jnp.float32) * 0.01
    movie_table = jax.random.normal(k5, (NUM_MOVIES, HIDDEN), dtype=jnp.float32) * 0.01
    bound = 1.0 / np.sqrt(FEAT_DIM)
    W = jax.random.uniform(k6, (FEAT_DIM, HIDDEN), dtype=jnp.float32, minval=-bound, maxval=bound)
    b = jnp.zeros((HIDDEN,), dtype=jnp.float32)
    return {"user_ids": user_ids, "movie_ids": movie_ids, "movie_features": movie_features,
            "user_table": user_table, "movie_table": movie_table, "W": W, "b": b}

def reference(user_ids, movie_ids, movie_features, user_table, movie_table, W, b):
    # eval mode: dropout is identity
    user_emb = jnp.take(user_table, user_ids, axis=0)
    movie_emb = jnp.take(movie_table, movie_ids, axis=0) + (movie_features @ W + b)
    return (user_emb * movie_emb).sum(axis=-1)

if __name__ == "__main__":
    import jax
    _d = setup_inputs()
    print(jax.jit(kernel)(*tuple(_d.values())))

</pallas_src>

<mosaic_0001>
#map = affine_map<(d0, d1) -> (0)>
#map1 = affine_map<(d0, d1) -> (0, 0)>
module attributes {stable_mosaic.version = 14 : i64} {
  func.func @_sc_gather_body(%arg0: i32, %arg1: i32, %arg2: memref<16384xi32, #tpu.memory_space<hbm>>, %arg3: memref<16384xi32, #tpu.memory_space<hbm>>, %arg4: memref<1000000x64xf32, #tpu.memory_space<hbm>>, %arg5: memref<100000x64xf32, #tpu.memory_space<hbm>>, %arg6: memref<16384x64xf32, #tpu.memory_space<hbm>>, %arg7: memref<16384x64xf32, #tpu.memory_space<hbm>>, %arg8: memref<512xi32, #tpu.memory_space<vmem>>, %arg9: memref<512xi32, #tpu.memory_space<vmem>>, %arg10: memref<2x256x64xf32, #tpu.memory_space<vmem>>, %arg11: memref<!tpu.dma_semaphore, #tpu.memory_space<semaphore_mem>>, %arg12: memref<!tpu.dma_semaphore, #tpu.memory_space<semaphore_mem>>) attributes {dimension_semantics = [#tpu.dimension_semantics<core_parallel>, #tpu.dimension_semantics<subcore_parallel>], iteration_bounds = array<i64: 2, 16>, scalar_prefetch = 0 : i64, scratch_operands = 5 : i64, tpu.core_type = #tpu.core_type<sc_vector_subcore>, window_params = [{transform_indices = #map}, {transform_indices = #map}, {transform_indices = #map1}, {transform_indices = #map1}, {transform_indices = #map1}, {transform_indices = #map1}]} {
    %mul3A = arith.constant 2 : i32
    %mul3A_0 = arith.muli %arg1, %mul3A : i32
    %add3A = arith.addi %mul3A_0, %arg0 : i32
    %mul3A_1 = arith.constant 512 : i32
    %mul3A_2 = arith.muli %add3A, %mul3A_1 : i32
    "tpu.region"() ({
      %run_scoped3A = tpu.sem_alloc : memref<!tpu.dma_semaphore, #tpu.memory_space<semaphore_mem>>
      %dma_start3A_208 = tpu.memref_slice %arg2[%mul3A_2] : memref<16384xi32, #tpu.memory_space<hbm>> -> memref<512xi32, #tpu.memory_space<hbm>>
      %dma_start3A_209 = tpu.memref_slice %arg2[%mul3A_2] : memref<16384xi32, #tpu.memory_space<hbm>> -> memref<512xi32, #tpu.memory_space<hbm>>
      tpu.enqueue_dma source(%dma_start3A_209 : memref<512xi32, #tpu.memory_space<hbm>>) target(%arg8 : memref<512xi32, #tpu.memory_space<vmem>>) target_semaphore(%run_scoped3A : memref<!tpu.dma_semaphore, #tpu.memory_space<semaphore_mem>>)
      %dma_wait3A_210 = tpu.memref_slice %arg2[%mul3A_2] : memref<16384xi32, #tpu.memory_space<hbm>> -> memref<512xi32, #tpu.memory_space<hbm>>
      %dma_wait3A_211 = tpu.memref_slice %arg2[%mul3A_2] : memref<16384xi32, #tpu.memory_space<hbm>> -> memref<512xi32, #tpu.memory_space<hbm>>
      tpu.wait_dma2 semaphore(%run_scoped3A : memref<!tpu.dma_semaphore, #tpu.memory_space<semaphore_mem>>) src(%dma_wait3A_211 : memref<512xi32, #tpu.memory_space<hbm>>) dst(%arg8 : memref<512xi32, #tpu.memory_space<vmem>>)
      tpu.yield
    }) : () -> ()
    "tpu.region"() ({
      %run_scoped3A = tpu.sem_alloc : memref<!tpu.dma_semaphore, #tpu.memory_space<semaphore_mem>>
      %dma_start3A_208 = tpu.memref_slice %arg3[%mul3A_2] : memref<16384xi32, #tpu.memory_space<hbm>> -> memref<512xi32, #tpu.memory_space<hbm>>
      %dma_start3A_209 = tpu.memref_slice %arg3[%mul3A_2] : memref<16384xi32, #tpu.memory_space<hbm>> -> memref<512xi32, #tpu.memory_space<hbm>>
      tpu.enqueue_dma source(%dma_start3A_209 : memref<512xi32, #tpu.memory_space<hbm>>) target(%arg9 : memref<512xi32, #tpu.memory_space<vmem>>) target_semaphore(%run_scoped3A : memref<!tpu.dma_semaphore, #tpu.memory_space<semaphore_mem>>)
      %dma_wait3A_210 = tpu.memref_slice %arg3[%mul3A_2] : memref<16384xi32, #tpu.memory_space<hbm>> -> memref<512xi32, #tpu.memory_space<hbm>>
      %dma_wait3A_211 = tpu.memref_slice %arg3[%mul3A_2] : memref<16384xi32, #tpu.memory_space<hbm>> -> memref<512xi32, #tpu.memory_space<hbm>>
      tpu.wait_dma2 semaphore(%run_scoped3A : memref<!tpu.dma_semaphore, #tpu.memory_space<semaphore_mem>>) src(%dma_wait3A_211 : memref<512xi32, #tpu.memory_space<hbm>>) dst(%arg9 : memref<512xi32, #tpu.memory_space<vmem>>)
      tpu.yield
    }) : () -> ()
    %scan3A = arith.constant 0 : i32
    %scan3A_3 = arith.constant 0 : i32
    %scan3A_4 = arith.constant 0 : i32
    %scan3A_5 = arith.constant 16 : i32
    %scan3A_6 = arith.addi %scan3A_4, %scan3A_5 : i32
    %scan3A_7 = arith.constant 1 : i32
    scf.for %scan3A_208 = %scan3A_4 to %scan3A_6 step %scan3A_7  : i32 {
      %mul3A_209 = arith.constant 16 : i32
      %mul3A_210 = arith.muli %scan3A_208, %mul3A_209 : i32
      %add3A_211 = arith.constant 0 : i32
      %add3A_212 = arith.addi %add3A_211, %mul3A_210 : i32
      %get3A = arith.index_cast %add3A_212 : i32 to index
      %get3A_213 = tpu.vector_load %arg8[%get3A] {strides = array<i32>} : memref<512xi32, #tpu.memory_space<vmem>>, vector<16xi32>,
      %get3A_214 = vector.shape_cast %get3A_213 : vector<16xi32> to vector<16xi32>
      %slice3A = vector.extract_strided_slice %get3A_214 {offsets = [0], sizes = [1], strides = [1]} : vector<16xi32> to vector<1xi32>
      %squeeze3A = vector.extract %slice3A[0] : i32 from vector<1xi32>
      %mul3A_215 = arith.constant 16 : i32
      %mul3A_216 = arith.muli %scan3A_208, %mul3A_215 : i32
      %add3A_217 = arith.constant 0 : i32
      %add3A_218 = arith.addi %mul3A_216, %add3A_217 : i32
      %dma_start3A_219 = arith.constant 0 : i32
      %dma_start3A_220 = arith.constant 0 : i32
      %dma_start3A_221 = tpu.memref_slice %arg10[%scan3A_3, %dma_start3A_219, %dma_start3A_220] : memref<2x256x64xf32, #tpu.memory_space<vmem>> -> memref<1x256x64xf32, #tpu.memory_space<vmem>>
      %dma_start3A_222 = tpu.memref_squeeze %dma_start3A_221 : memref<1x256x64xf32, #tpu.memory_space<vmem>> -> memref<256x64xf32, #tpu.memory_space<vmem>>
      %dma_start3A_223 = arith.constant 0 : i32
      %dma_start3A_224 = tpu.memref_slice %dma_start3A_222[%add3A_218, %dma_start3A_223] : memref<256x64xf32, #tpu.memory_space<vmem>> -> memref<1x64xf32, #tpu.memory_space<vmem>>
      %dma_start3A_225 = arith.constant 0 : i32
      %dma_start3A_226 = tpu.memref_slice %arg4[%squeeze3A, %dma_start3A_225] : memref<1000000x64xf32, #tpu.memory_space<hbm>> -> memref<1x64xf32, #tpu.memory_space<hbm>>
      %dma_start3A_227 = arith.constant 0 : i32
      %dma_start3A_228 = arith.constant 0 : i32
      %dma_start3A_229 = tpu.memref_slice %arg10[%scan3A_3, %dma_start3A_227, %dma_start3A_228] : memref<2x256x64xf32, #tpu.memory_space<vmem>> -> memref<1x256x64xf32, #tpu.memory_space<vmem>>
      %dma_start3A_230 = tpu.memref_squeeze %dma_start3A_229 : memref<1x256x64xf32, #tpu.memory_space<vmem>> -> memref<256x64xf32, #tpu.memory_space<vmem>>
      %dma_start3A_231 = arith.constant 0 : i32
      %dma_start3A_232 = tpu.memref_slice %dma_start3A_230[%add3A_218, %dma_start3A_231] : memref<256x64xf32, #tpu.memory_space<vmem>> -> memref<1x64xf32, #tpu.memory_space<vmem>>
      %dma_start3A_233 = arith.constant 0 : i32
      %dma_start3A_234 = tpu.memref_slice %arg4[%squeeze3A, %dma_start3A_233] : memref<1000000x64xf32, #tpu.memory_space<hbm>> -> memref<1x64xf32, #tpu.memory_space<hbm>>
      tpu.enqueue_dma source(%dma_start3A_234 : memref<1x64xf32, #tpu.memory_space<hbm>>) target(%dma_start3A_232 : memref<1x64xf32, #tpu.memory_space<vmem>>) target_semaphore(%arg11 : memref<!tpu.dma_semaphore, #tpu.memory_space<semaphore_mem>>)
      %slice3A_235 = vector.extract_strided_slice %get3A_214 {offsets = [1], sizes = [1], strides = [1]} : vector<16xi32> to vector<1xi32>
      %squeeze3A_236 = vector.extract %slice3A_235[0] : i32 from vector<1xi32>
      %mul3A_237 = arith.constant 16 : i32
      %mul3A_238 = arith.muli %scan3A_208, %mul3A_237 : i32
      %add3A_239 = arith.constant 1 : i32
      %add3A_240 = arith.addi %mul3A_238, %add3A_239 : i32
      %dma_start3A_241 = arith.constant 0 : i32
      %dma_start3A_242 = arith.constant 0 : i32
      %dma_start3A_243 = tpu.memref_slice %arg10[%scan3A_3, %dma_start3A_241, %dma_start3A_242] : memref<2x256x64xf32, #tpu.memory_space<vmem>> -> memref<1x256x64xf32, #tpu.memory_space<vmem>>
      %dma_start3A_244 = tpu.memref_squeeze %dma_start3A_243 : memref<1x256x64xf32, #tpu.memory_space<vmem>> -> memref<256x64xf32, #tpu.memory_space<vmem>>
      %dma_start3A_245 = arith.constant 0 : i32
      %dma_start3A_246 = tpu.memref_slice %dma_start3A_244[%add3A_240, %dma_start3A_245] : memref<256x64xf32, #tpu.memory_space<vmem>> -> memref<1x64xf32, #tpu.memory_space<vmem>>
      %dma_start3A_247 = arith.constant 0 : i32
      %dma_start3A_248 = tpu.memref_slice %arg4[%squeeze3A_236, %dma_start3A_247] : memref<1000000x64xf32, #tpu.memory_space<hbm>> -> memref<1x64xf32, #tpu.memory_space<hbm>>
      %dma_start3A_249 = arith.constant 0 : i32
      %dma_start3A_250 = arith.constant 0 : i32
      %dma_start3A_251 = tpu.memref_slice %arg10[%scan3A_3, %dma_start3A_249, %dma_start3A_250] : memref<2x256x64xf32, #tpu.memory_space<vmem>> -> memref<1x256x64xf32, #tpu.memory_space<vmem>>
      %dma_start3A_252 = tpu.memref_squeeze %dma_start3A_251 : memref<1x256x64xf32, #tpu.memory_space<vmem>> -> memref<256x64xf32, #tpu.memory_space<vmem>>
      %dma_start3A_253 = arith.constant 0 : i32
      %dma_start3A_254 = tpu.memref_slice %dma_start3A_252[%add3A_240, %dma_start3A_253] : memref<256x64xf32, #tpu.memory_space<vmem>> -> memref<1x64xf32, #tpu.memory_space<vmem>>
      %dma_start3A_255 = arith.constant 0 : i32
      %dma_start3A_256 = tpu.memref_slice %arg4[%squeeze3A_236, %dma_start3A_255] : memref<1000000x64xf32, #tpu.memory_space<hbm>> -> memref<1x64xf32, #tpu.memory_space<hbm>>
      tpu.enqueue_dma source(%dma_start3A_256 : memref<1x64xf32, #tpu.memory_space<hbm>>) target(%dma_start3A_254 : memref<1x64xf32, #tpu.memory_space<vmem>>) target_semaphore(%arg11 : memref<!tpu.dma_semaphore, #tpu.memory_space<semaphore_mem>>)
      %slice3A_257 = vector.extract_strided_slice %get3A_214 {offsets = [2], sizes = [1], strides = [1]} : vector<16xi32> to vector<1xi32>
      %squeeze3A_258 = vector.extract %slice3A_257[0] : i32 from vector<1xi32>
      %mul3A_259 = arith.constant 16 : i32
      %mul3A_260 = arith.muli %scan3A_208, %mul3A_259 : i32
      %add3A_261 = arith.constant 2 : i32
      %add3A_262 = arith.addi %mul3A_260, %add3A_261 : i32
      %dma_start3A_263 = arith.constant 0 : i32
      %dma_start3A_264 = arith.constant 0 : i32
      %dma_start3A_265 = tpu.memref_slice %arg10[%scan3A_3, %dma_start3A_263, %dma_start3A_264] : memref<2x256x64xf32, #tpu.memory_space<vmem>> -> memref<1x256x64xf32, #tpu.memory_space<vmem>>
      %dma_start3A_266 = tpu.memref_squeeze %dma_start3A_265 : memref<1x256x64xf32, #tpu.memory_space<vmem>> -> memref<256x64xf32, #tpu.memory_space<vmem>>
      %dma_start3A_267 = arith.constant 0 : i32
      %dma_start3A_268 = tpu.memref_slice %dma_start3A_266[%add3A_262, %dma_start3A_267] : memref<256x64xf32, #tpu.memory_space<vmem>> -> memref<1x64xf32, #tpu.memory_space<vmem>>
      %dma_start3A_269 = arith.constant 0 : i32
      %dma_start3A_270 = tpu.memref_slice %arg4[%squeeze3A_258, %dma_start3A_269] : memref<1000000x64xf32, #tpu.memory_space<hbm>> -> memref<1x64xf32, #tpu.memory_space<hbm>>
      %dma_start3A_271 = arith.constant 0 : i32
      %dma_start3A_272 = arith.constant 0 : i32
      %dma_start3A_273 = tpu.memref_slice %arg10[%scan3A_3, %dma_start3A_271, %dma_start3A_272] : memref<2x256x64xf32, #tpu.memory_space<vmem>> -> memref<1x256x64xf32, #tpu.memory_space<vmem>>
      %dma_start3A_274 = tpu.memref_squeeze %dma_start3A_273 : memref<1x256x64xf32, #tpu.memory_space<vmem>> -> memref<256x64xf32, #tpu.memory_space<vmem>>
      %dma_start3A_275 = arith.constant 0 : i32
      %dma_start3A_276 = tpu.memref_slice %dma_start3A_274[%add3A_262, %dma_start3A_275] : memref<256x64xf32, #tpu.memory_space<vmem>> -> memref<1x64xf32, #tpu.memory_space<vmem>>
      %dma_start3A_277 = arith.constant 0 : i32
      %dma_start3A_278 = tpu.memref_slice %arg4[%squeeze3A_258, %dma_start3A_277] : memref<1000000x64xf32, #tpu.memory_space<hbm>> -> memref<1x64xf32, #tpu.memory_space<hbm>>
      tpu.enqueue_dma source(%dma_start3A_278 : memref<1x64xf32, #tpu.memory_space<hbm>>) target(%dma_start3A_276 : memref<1x64xf32, #tpu.memory_space<vmem>>) target_semaphore(%arg11 : memref<!tpu.dma_semaphore, #tpu.memory_space<semaphore_mem>>)
      %slice3A_279 = vector.extract_strided_slice %get3A_214 {offsets = [3], sizes = [1], strides = [1]} : vector<16xi32> to vector<1xi32>
      %squeeze3A_280 = vector.extract %slice3A_279[0] : i32 from vector<1xi32>
      %mul3A_281 = arith.constant 16 : i32
      %mul3A_282 = arith.muli %scan3A_208, %mul3A_281 : i32
      %add3A_283 = arith.constant 3 : i32
      %add3A_284 = arith.addi %mul3A_282, %add3A_283 : i32
      %dma_start3A_285 = arith.constant 0 : i32
      %dma_start3A_286 = arith.constant 0 : i32
      %dma_start3A_287 = tpu.memref_slice %arg10[%scan3A_3, %dma_start3A_285, %dma_start3A_286] : memref<2x256x64xf32, #tpu.memory_space<vmem>> -> memref<1x256x64xf32, #tpu.memory_space<vmem>>
      %dma_start3A_288 = tpu.memref_squeeze %dma_start3A_287 : memref<1x256x64xf32, #tpu.memory_space<vmem>> -> memref<256x64xf32, #tpu.memory_space<vmem>>
      %dma_start3A_289 = arith.constant 0 : i32
      %dma_start3A_290 = tpu.memref_slice %dma_start3A_288[%add3A_284, %dma_start3A_289] : memref<256x64xf32, #tpu.memory_space<vmem>> -> memref<1x64xf32, #tpu.memory_space<vmem>>
      %dma_start3A_291 = arith.constant 0 : i32
      %dma_start3A_292 = tpu.memref_slice %arg4[%squeeze3A_280, %dma_start3A_291] : memref<1000000x64xf32, #tpu.memory_space<hbm>> -> memref<1x64xf32, #tpu.memory_space<hbm>>
      %dma_start3A_293 = arith.constant 0 : i32
      %dma_start3A_294 = arith.constant 0 : i32
      %dma_start3A_295 = tpu.memref_slice %arg10[%scan3A_3, %dma_start3A_293, %dma_start3A_294] : memref<2x256x64xf32, #tpu.memory_space<vmem>> -> memref<1x256x64xf32, #tpu.memory_space<vmem>>
      %dma_start3A_296 = tpu.memref_squeeze %dma_start3A_295 : memref<1x256x64xf32, #tpu.memory_space<vmem>> -> memref<256x64xf32, #tpu.memory_space<vmem>>
      %dma_start3A_297 = arith.constant 0 : i32
      %dma_start3A_298 = tpu.memref_slice %dma_start3A_296[%add3A_284, %dma_start3A_297] : memref<256x64xf32, #tpu.memory_space<vmem>> -> memref<1x64xf32, #tpu.memory_space<vmem>>
      %dma_start3A_299 = arith.constant 0 : i32
      %dma_start3A_300 = tpu.memref_slice %arg4[%squeeze3A_280, %dma_start3A_299] : memref<1000000x64xf32, #tpu.memory_space<hbm>> -> memref<1x64xf32, #tpu.memory_space<hbm>>
      tpu.enqueue_dma source(%dma_start3A_300 : memref<1x64xf32, #tpu.memory_space<hbm>>) target(%dma_start3A_298 : memref<1x64xf32, #tpu.memory_space<vmem>>) target_semaphore(%arg11 : memref<!tpu.dma_semaphore, #tpu.memory_space<semaphore_mem>>)
      %slice3A_301 = vector.extract_strided_slice %get3A_214 {offsets = [4], sizes = [1], strides = [1]} : vector<16xi32> to vector<1xi32>
      %squeeze3A_302 = vector.extract %slice3A_301[0] : i32 from vector<1xi32>
      %mul3A_303 = arith.constant 16 : i32
      %mul3A_304 = arith.muli %scan3A_208, %mul3A_303 : i32
      %add3A_305 = arith.constant 4 : i32
      %add3A_306 = arith.addi %mul3A_304, %add3A_305 : i32
      %dma_start3A_307 = arith.constant 0 : i32
      %dma_start3A_308 = arith.constant 0 : i32
      %dma_start3A_309 = tpu.memref_slice %arg10[%scan3A_3, %dma_start3A_307, %dma_start3A_308] : memref<2x256x64xf32, #tpu.memory_space<vmem>> -> memref<1x256x64xf32, #tpu.memory_space<vmem>>
      %dma_start3A_310 = tpu.memref_squeeze %dma_start3A_309 : memref<1x256x64xf32, #tpu.memory_space<vmem>> -> memref<256x64xf32, #tpu.memory_space<vmem>>
      %dma_start3A_311 = arith.constant 0 : i32
      %dma_start3A_312 = tpu.memref_slice %dma_start3A_310[%add3A_306, %dma_start3A_311] : memref<256x64xf32, #tpu.memory_space<vmem>> -> memref<1x64xf32, #tpu.memory_space<vmem>>
      %dma_start3A_313 = arith.constant 0 : i32
      %dma_start3A_314 = tpu.memref_slice %arg4[%squeeze3A_302, %dma_start3A_313] : memref<1000000x64xf32, #tpu.memory_space<hbm>> -> memref<1x64xf32, #tpu.memory_space<hbm>>
      %dma_start3A_315 = arith.constant 0 : i32
      %dma_start3A_316 = arith.constant 0 : i32
      %dma_start3A_317 = tpu.memref_slice %arg10[%scan3A_3, %dma_start3A_315, %dma_start3A_316] : memref<2x256x64xf32, #tpu.memory_space<vmem>> -> memref<1x256x64xf32, #tpu.memory_space<vmem>>
      %dma_start3A_318 = tpu.memref_squeeze %dma_start3A_317 : memref<1x256x64xf32, #tpu.memory_space<vmem>> -> memref<256x64xf32, #tpu.memory_space<vmem>>
      %dma_start3A_319 = arith.constant 0 : i32
      %dma_start3A_320 = tpu.memref_slice %dma_start3A_318[%add3A_306, %dma_start3A_319] : memref<256x64xf32, #tpu.memory_space<vmem>> -> memref<1x64xf32, #tpu.memory_space<vmem>>
      %dma_start3A_321 = arith.constant 0 : i32
      %dma_start3A_322 = tpu.memref_slice %arg4[%squeeze3A_302, %dma_start3A_321] : memref<1000000x64xf32, #tpu.memory_space<hbm>> -> memref<1x64xf32, #tpu.memory_space<hbm>>
      tpu.enqueue_dma source(%dma_start3A_322 : memref<1x64xf32, #tpu.memory_space<hbm>>) target(%dma_start3A_320 : memref<1x64xf32, #tpu.memory_space<vmem>>) target_semaphore(%arg11 : memref<!tpu.dma_semaphore, #tpu.memory_space<semaphore_mem>>)
      %slice3A_323 = vector.extract_strided_slice %get3A_214 {offsets = [5], sizes = [1], strides = [1]} : vector<16xi32> to vector<1xi32>
      %squeeze3A_324 = vector.extract %slice3A_323[0] : i32 from vector<1xi32>
      %mul3A_325 = arith.constant 16 : i32
      %mul3A_326 = arith.muli %scan3A_208, %mul3A_325 : i32
      %add3A_327 = arith.constant 5 : i32
      %add3A_328 = arith.addi %mul3A_326, %add3A_327 : i32
      %dma_start3A_329 = arith.constant 0 : i32
      %dma_start3A_330 = arith.constant 0 : i32
      %dma_start3A_331 = tpu.memref_slice %arg10[%scan3A_3, %dma_start3A_329, %dma_start3A_330] : memref<2x256x64xf32, #tpu.memory_space<vmem>> -> memref<1x256x64xf32, #tpu.memory_space<vmem>>
      %dma_start3A_332 = tpu.memref_squeeze %dma_start3A_331 : memref<1x256x64xf32, #tpu.memory_space<vmem>> -> memref<256x64xf32, #tpu.memory_space<vmem>>
      %dma_start3A_333 = arith.constant 0 : i32
      %dma_start3A_334 = tpu.memref_slice %dma_start3A_332[%add3A_328, %dma_start3A_333] : memref<256x64xf32, #tpu.memory_space<vmem>> -> memref<1x64xf32, #tpu.memory_space<vmem>>
      %dma_start3A_335 = arith.constant 0 : i32
      %dma_start3A_336 = tpu.memref_slice %arg4[%squeeze3A_324, %dma_start3A_335] : memref<1000000x64xf32, #tpu.memory_space<hbm>> -> memref<1x64xf32, #tpu.memory_space<hbm>>
      %dma_start3A_337 = arith.constant 0 : i32
      %dma_start3A_338 = arith.constant 0 : i32
      %dma_start3A_339 = tpu.memref_slice %arg10[%scan3A_3, %dma_start3A_337, %dma_start3A_338] : memref<2x256x64xf32, #tpu.memory_space<vmem>> -> memref<1x256x64xf32, #tpu.memory_space<vmem>>
      %dma_start3A_340 = tpu.memref_squeeze %dma_start3A_339 : memref<1x256x64xf32, #tpu.memory_space<vmem>> -> memref<256x64xf32, #tpu.memory_space<vmem>>
      %dma_start3A_341 = arith.constant 0 : i32
      %dma_start3A_342 = tpu.memref_slice %dma_start3A_340[%add3A_328, %dma_start3A_341] : memref<256x64xf32, #tpu.memory_space<vmem>> -> memref<1x64xf32, #tpu.memory_space<vmem>>
      %dma_start3A_343 = arith.constant 0 : i32
      %dma_start3A_344 = tpu.memref_slice %arg4[%squeeze3A_324, %dma_start3A_343] : memref<1000000x64xf32, #tpu.memory_space<hbm>> -> memref<1x64xf32, #tpu.memory_space<hbm>>
      tpu.enqueue_dma source(%dma_start3A_344 : memref<1x64xf32, #tpu.memory_space<hbm>>) target(%dma_start3A_342 : memref<1x64xf32, #tpu.memory_space<vmem>>) target_semaphore(%arg11 : memref<!tpu.dma_semaphore, #tpu.memory_space<semaphore_mem>>)
      %slice3A_345 = vector.extract_strided_slice %get3A_214 {offsets = [6], sizes = [1], strides = [1]} : vector<16xi32> to vector<1xi32>
      %squeeze3A_346 = vector.extract %slice3A_345[0] : i32 from vector<1xi32>
      %mul3A_347 = arith.constant 16 : i32
      %mul3A_348 = arith.muli %scan3A_208, %mul3A_347 : i32
      %add3A_349 = arith.constant 6 : i32
      %add3A_350 = arith.addi %mul3A_348, %add3A_349 : i32
      %dma_start3A_351 = arith.constant 0 : i32
      %dma_start3A_352 = arith.constant 0 : i32
      %dma_start3A_353 = tpu.memref_slice %arg10[%scan3A_3, %dma_start3A_351, %dma_start3A_352] : memref<2x256x64xf32, #tpu.memory_space<vmem>> -> memref<1x256x64xf32, #tpu.memory_space<vmem>>
      %dma_start3A_354 = tpu.memref_squeeze %dma_start3A_353 : memref<1x256x64xf32, #tpu.memory_space<vmem>> -> memref<256x64xf32, #tpu.memory_space<vmem>>
      %dma_start3A_355 = arith.constant 0 : i32
      %dma_start3A_356 = tpu.memref_slice %dma_start3A_354[%add3A_350, %dma_start3A_355] : memref<256x64xf32, #tpu.memory_space<vmem>> -> memref<1x64xf32, #tpu.memory_space<vmem>>
      %dma_start3A_357 = arith.constant 0 : i32
      %dma_start3A_358 = tpu.memref_slice %arg4[%squeeze3A_346, %dma_start3A_357] : memref<1000000x64xf32, #tpu.memory_space<hbm>> -> memref<1x64xf32, #tpu.memory_space<hbm>>
      %dma_start3A_359 = arith.constant 0 : i32
      %dma_start3A_360 = arith.constant 0 : i32
      %dma_start3A_361 = tpu.memref_slice %arg10[%scan3A_3, %dma_start3A_359, %dma_start3A_360] : memref<2x256x64xf32, #tpu.memory_space<vmem>> -> memref<1x256x64xf32, #tpu.memory_space<vmem>>
      %dma_start3A_362 = tpu.memref_squeeze %dma_start3A_361 : memref<1x256x64xf32, #tpu.memory_space<vmem>> -> memref<256x64xf32, #tpu.memory_space<vmem>>
      %dma_start3A_363 = arith.constant 0 : i32
      %dma_start3A_364 = tpu.memref_slice %dma_start3A_362[%add3A_350, %dma_start3A_363] : memref<256x64xf32, #tpu.memory_space<vmem>> -> memref<1x64xf32, #tpu.memory_space<vmem>>
      %dma_start3A_365 = arith.constant 0 : i32
      %dma_start3A_366 = tpu.memref_slice %arg4[%squeeze3A_346, %dma_start3A_365] : memref<1000000x64xf32, #tpu.memory_space<hbm>> -> memref<1x64xf32, #tpu.memory_space<hbm>>
      tpu.enqueue_dma source(%dma_start3A_366 : memref<1x64xf32, #tpu.memory_space<hbm>>) target(%dma_start3A_364 : memref<1x64xf32, #tpu.memory_space<vmem>>) target_semaphore(%arg11 : memref<!tpu.dma_semaphore, #tpu.memory_space<semaphore_mem>>)
      %slice3A_367 = vector.extract_strided_slice %get3A_214 {offsets = [7], sizes = [1], strides = [1]} : vector<16xi32> to vector<1xi32>
      %squeeze3A_368 = vector.extract %slice3A_367[0] : i32 from vector<1xi32>
      %mul3A_369 = arith.constant 16 : i32
      %mul3A_370 = arith.muli %scan3A_208, %mul3A_369 : i32
      %add3A_371 = arith.constant 7 : i32
      %add3A_372 = arith.addi %mul3A_370, %add3A_371 : i32
      %dma_start3A_373 = arith.constant 0 : i32
      %dma_start3A_374 = arith.constant 0 : i32
      %dma_start3A_375 = tpu.memref_slice %arg10[%scan3A_3, %dma_start3A_373, %dma_start3A_374] : memref<2x256x64xf32, #tpu.memory_space<vmem>> -> memref<1x256x64xf32, #tpu.memory_space<vmem>>
      %dma_start3A_376 = tpu.memref_squeeze %dma_start3A_375 : memref<1x256x64xf32, #tpu.memory_space<vmem>> -> memref<256x64xf32, #tpu.memory_space<vmem>>
      %dma_start3A_377 = arith.constant 0 : i32
      %dma_start3A_378 = tpu.memref_slice %dma_start3A_376[%add3A_372, %dma_start3A_377] : memref<256x64xf32, #tpu.memory_space<vmem>> -> memref<1x64xf32, #tpu.memory_space<vmem>>
      %dma_start3A_379 = arith.constant 0 : i32
      %dma_start3A_380 = tpu.memref_slice %arg4[%squeeze3A_368, %dma_start3A_379] : memref<1000000x64xf32, #tpu.memory_space<hbm>> -> memref<1x64xf32, #tpu.memory_space<hbm>>
      %dma_start3A_381 = arith.constant 0 : i32
      %dma_start3A_382 = arith.constant 0 : i32
      %dma_start3A_383 = tpu.memref_slice %arg10[%scan3A_3, %dma_start3A_381, %dma_start3A_382] : memref<2x256x64xf32, #tpu.memory_space<vmem>> -> memref<1x256x64xf32, #tpu.memory_space<vmem>>
      %dma_start3A_384 = tpu.memref_squeeze %dma_start3A_383 : memref<1x256x64xf32, #tpu.memory_space<vmem>> -> memref<256x64xf32, #tpu.memory_space<vmem>>
      %dma_start3A_385 = arith.constant 0 : i32
      %dma_start3A_386 = tpu.memref_slice %dma_start3A_384[%add3A_372, %dma_start3A_385] : memref<256x64xf32, #tpu.memory_space<vmem>> -> memref<1x64xf32, #tpu.memory_space<vmem>>
      %dma_start3A_387 = arith.constant 0 : i32
      %dma_start3A_388 = tpu.memref_slice %arg4[%squeeze3A_368, %dma_start3A_387] : memref<1000000x64xf32, #tpu.memory_space<hbm>> -> memref<1x64xf32, #tpu.memory_space<hbm>>
      tpu.enqueue_dma source(%dma_start3A_388 : memref<1x64xf32, #tpu.memory_space<hbm>>) target(%dma_start3A_386 : memref<1x64xf32, #tpu.memory_space<vmem>>) target_semaphore(%arg11 : memref<!tpu.dma_semaphore, #tpu.memory_space<semaphore_mem>>)
      %slice3A_389 = vector.extract_strided_slice %get3A_214 {offsets = [8], sizes = [1], strides = [1]} : vector<16xi32> to vector<1xi32>
      %squeeze3A_390 = vector.extract %slice3A_389[0] : i32 from vector<1xi32>
      %mul3A_391 = arith.constant 16 : i32
      %mul3A_392 = arith.muli %scan3A_208, %mul3A_391 : i32
      %add3A_393 = arith.constant 8 : i32
      %add3A_394 = arith.addi %mul3A_392, %add3A_393 : i32
      %dma_start3A_395 = arith.constant 0 : i32
      %dma_start3A_396 = arith.constant 0 : i32
      %dma_start3A_397 = tpu.memref_slice %arg10[%scan3A_3, %dma_start3A_395, %dma_start3A_396] : memref<2x256x64xf32, #tpu.memory_space<vmem>> -> memref<1x256x64xf32, #tpu.memory_space<vmem>>
      %dma_start3A_398 = tpu.memref_squeeze %dma_start3A_397 : memref<1x256x64xf32, #tpu.memory_space<vmem>> -> memref<256x64xf32, #tpu.memory_space<vmem>>
      %dma_start3A_399 = arith.constant 0 : i32
      %dma_start3A_400 = tpu.memref_slice %dma_start3A_398[%add3A_394, %dma_start3A_399] : memref<256x64xf32, #tpu.memory_space<vmem>> -> memref<1x64xf32, #tpu.memory_space<vmem>>
      %dma_start3A_401 = arith.constant 0 : i32
      %dma_start3A_402 = tpu.memref_slice %arg4[%squeeze3A_390, %dma_start3A_401] : memref<1000000x64xf32, #tpu.memory_space<hbm>> -> memref<1x64xf32, #tpu.memory_space<hbm>>
      %dma_start3A_403 = arith.constant 0 : i32
      %dma_start3A_404 = arith.constant 0 : i32
      %dma_start3A_405 = tpu.memref_slice %arg10[%scan3A_3, %dma_start3A_403, %dma_start3A_404] : memref<2x256x64xf32, #tpu.memory_space<vmem>> -> memref<1x256x64xf32, #tpu.memory_space<vmem>>
      %dma_start3A_406 = tpu.memref_squeeze %dma_start3A_405 : memref<1x256x64xf32, #tpu.memory_space<vmem>> -> memref<256x64xf32, #tpu.memory_space<vmem>>
      %dma_start3A_407 = arith.constant 0 : i32
      %dma_start3A_408 = tpu.memref_slice %dma_start3A_406[%add3A_394, %dma_start3A_407] : memref<256x64xf32, #tpu.memory_space<vmem>> -> memref<1x64xf32, #tpu.memory_space<vmem>>
      %dma_start3A_409 = arith.constant 0 : i32
      %dma_start3A_410 = tpu.memref_slice %arg4[%squeeze3A_390, %dma_start3A_409] : memref<1000000x64xf32, #tpu.memory_space<hbm>> -> memref<1x64xf32, #tpu.memory_space<hbm>>
      tpu.enqueue_dma source(%dma_start3A_410 : memref<1x64xf32, #tpu.memory_space<hbm>>) target(%dma_start3A_408 : memref<1x64xf32, #tpu.memory_space<vmem>>) target_semaphore(%arg11 : memref<!tpu.dma_semaphore, #tpu.memory_space<semaphore_mem>>)
      %slice3A_411 = vector.extract_strided_slice %get3A_214 {offsets = [9], sizes = [1], strides = [1]} : vector<16xi32> to vector<1xi32>
      %squeeze3A_412 = vector.extract %slice3A_411[0] : i32 from vector<1xi32>
      %mul3A_413 = arith.constant 16 : i32
      %mul3A_414 = arith.muli %scan3A_208, %mul3A_413 : i32
      %add3A_415 = arith.constant 9 : i32
      %add3A_416 = arith.addi %mul3A_414, %add3A_415 : i32
      %dma_start3A_417 = arith.constant 0 : i32
      %dma_start3A_418 = arith.constant 0 : i32
      %dma_start3A_419 = tpu.memref_slice %arg10[%scan3A_3, %dma_start3A_417, %dma_start3A_418] : memref<2x256x64xf32, #tpu.memory_space<vmem>> -> memref<1x256x64xf32, #tpu.memory_space<vmem>>
      %dma_start3A_420 = tpu.memref_squeeze %dma_start3A_419 : memref<1x256x64xf32, #tpu.memory_space<vmem>> -> memref<256x64xf32, #tpu.memory_space<vmem>>
      %dma_start3A_421 = arith.constant 0 : i32
      %dma_start3A_422 = tpu.memref_slice %dma_start3A_420[%add3A_416, %dma_start3A_421] : memref<256x64xf32, #tpu.memory_space<vmem>> -> memref<1x64xf32, #tpu.memory_space<vmem>>
      %dma_start3A_423 = arith.constant 0 : i32
      %dma_start3A_424 = tpu.memref_slice %arg4[%squeeze3A_412, %dma_start3A_423] : memref<1000000x64xf32, #tpu.memory_space<hbm>> -> memref<1x64xf32, #tpu.memory_space<hbm>>
      %dma_start3A_425 = arith.constant 0 : i32
      %dma_start3A_426 = arith.constant 0 : i32
      %dma_start3A_427 = tpu.memref_slice %arg10[%scan3A_3, %dma_start3A_425, %dma_start3A_426] : memref<2x256x64xf32, #tpu.memory_space<vmem>> -> memref<1x256x64xf32, #tpu.memory_space<vmem>>
      %dma_start3A_428 = tpu.memref_squeeze %dma_start3A_427 : memref<1x256x64xf32, #tpu.memory_space<vmem>> -> memref<256x64xf32, #tpu.memory_space<vmem>>
      %dma_start3A_429 = arith.constant 0 : i32
      %dma_start3A_430 = tpu.memref_slice %dma_start3A_428[%add3A_416, %dma_start3A_429] : memref<256x64xf32, #tpu.memory_space<vmem>> -> memref<1x64xf32, #tpu.memory_space<vmem>>
      %dma_start3A_431 = arith.constant 0 : i32
      %dma_start3A_432 = tpu.memref_slice %arg4[%squeeze3A_412, %dma_start3A_431] : memref<1000000x64xf32, #tpu.memory_space<hbm>> -> memref<1x64xf32, #tpu.memory_space<hbm>>
      tpu.enqueue_dma source(%dma_start3A_432 : memref<1x64xf32, #tpu.memory_space<hbm>>) target(%dma_start3A_430 : memref<1x64xf32, #tpu.memory_space<vmem>>) target_semaphore(%arg11 : memref<!tpu.dma_semaphore, #tpu.memory_space<semaphore_mem>>)
      %slice3A_433 = vector.extract_strided_slice %get3A_214 {offsets = [10], sizes = [1], strides = [1]} : vector<16xi32> to vector<1xi32>
      %squeeze3A_434 = vector.extract %slice3A_433[0] : i32 from vector<1xi32>
      %mul3A_435 = arith.constant 16 : i32
      %mul3A_436 = arith.muli %scan3A_208, %mul3A_435 : i32
      %add3A_437 = arith.constant 10 : i32
      %add3A_438 = arith.addi %mul3A_436, %add3A_437 : i32
      %dma_start3A_439 = arith.constant 0 : i32
      %dma_start3A_440 = arith.constant 0 : i32
      %dma_start3A_441 = tpu.memref_slice %arg10[%scan3A_3, %dma_start3A_439, %dma_start3A_440] : memref<2x256x64xf32, #tpu.memory_space<vmem>> -> memref<1x256x64xf32, #tpu.memory_space<vmem>>
      %dma_start3A_442 = tpu.memref_squeeze %dma_start3A_441 : memref<1x256x64xf32, #tpu.memory_space<vmem>> -> memref<256x64xf32, #tpu.memory_space<vmem>>
      %dma_start3A_443 = arith.constant 0 : i32
      %dma_start3A_444 = tpu.memref_slice %dma_start3A_442[%add3A_438, %dma_start3A_443] : memref<256x64xf32, #tpu.memory_space<vmem>> -> memref<1x64xf32, #tpu.memory_space<vmem>>
      %dma_start3A_445 = arith.constant 0 : i32
      %dma_start3A_446 = tpu.memref_slice %arg4[%squeeze3A_434, %dma_start3A_445] : memref<1000000x64xf32, #tpu.memory_space<hbm>> -> memref<1x64xf32, #tpu.memory_space<hbm>>
      %dma_start3A_447 = arith.constant 0 : i32
      %dma_start3A_448 = arith.constant 0 : i32
      %dma_start3A_449 = tpu.memref_slice %arg10[%scan3A_3, %dma_start3A_447, %dma_start3A_448] : memref<2x256x64xf32, #tpu.memory_space<vmem>> -> memref<1x256x64xf32, #tpu.memory_space<vmem>>
      %dma_start3A_450 = tpu.memref_squeeze %dma_start3A_449 : memref<1x256x64xf32, #tpu.memory_space<vmem>> -> memref<256x64xf32, #tpu.memory_space<vmem>>
      %dma_start3A_451 = arith.constant 0 : i32
      %dma_start3A_452 = tpu.memref_slice %dma_start3A_450[%add3A_438, %dma_start3A_451] : memref<256x64xf32, #tpu.memory_space<vmem>> -> memref<1x64xf32, #tpu.memory_space<vmem>>
      %dma_start3A_453 = arith.constant 0 : i32
      %dma_start3A_454 = tpu.memref_slice %arg4[%squeeze3A_434, %dma_start3A_453] : memref<1000000x64xf32, #tpu.memory_space<hbm>> -> memref<1x64xf32, #tpu.memory_space<hbm>>
      tpu.enqueue_dma source(%dma_start3A_454 : memref<1x64xf32, #tpu.memory_space<hbm>>) target(%dma_start3A_452 : memref<1x64xf32, #tpu.memory_space<vmem>>) target_semaphore(%arg11 : memref<!tpu.dma_semaphore, #tpu.memory_space<semaphore_mem>>)
      %slice3A_455 = vector.extract_strided_slice %get3A_214 {offsets = [11], sizes = [1], strides = [1]} : vector<16xi32> to vector<1xi32>
      %squeeze3A_456 = vector.extract %slice3A_455[0] : i32 from vector<1xi32>
      %mul3A_457 = arith.constant 16 : i32
      %mul3A_458 = arith.muli %scan3A_208, %mul3A_457 : i32
      %add3A_459 = arith.constant 11 : i32
      %add3A_460 = arith.addi %mul3A_458, %add3A_459 : i32
      %dma_start3A_461 = arith.constant 0 : i32
      %dma_start3A_462 = arith.constant 0 : i32
      %dma_start3A_463 = tpu.memref_slice %arg10[%scan3A_3, %dma_start3A_461, %dma_start3A_462] : memref<2x256x64xf32, #tpu.memory_space<vmem>> -> memref<1x256x64xf32, #tpu.memory_space<vmem>>
      %dma_start3A_464 = tpu.memref_squeeze %dma_start3A_463 : memref<1x256x64xf32, #tpu.memory_space<vmem>> -> memref<256x64xf32, #tpu.memory_space<vmem>>
      %dma_start3A_465 = arith.constant 0 : i32
      %dma_start3A_466 = tpu.memref_slice %dma_start3A_464[%add3A_460, %dma_start3A_465] : memref<256x64xf32, #tpu.memory_space<vmem>> -> memref<1x64xf32, #tpu.memory_space<vmem>>
      %dma_start3A_467 = arith.constant 0 : i32
      %dma_start3A_468 = tpu.memref_slice %arg4[%squeeze3A_456, %dma_start3A_467] : memref<1000000x64xf32, #tpu.memory_space<hbm>> -> memref<1x64xf32, #tpu.memory_space<hbm>>
      %dma_start3A_469 = arith.constant 0 : i32
      %dma_start3A_470 = arith.constant 0 : i32
      %dma_start3A_471 = tpu.memref_slice %arg10[%scan3A_3, %dma_start3A_469, %dma_start3A_470] : memref<2x256x64xf32, #tpu.memory_space<vmem>> -> memref<1x256x64xf32, #tpu.memory_space<vmem>>
      %dma_start3A_472 = tpu.memref_squeeze %dma_start3A_471 : memref<1x256x64xf32, #tpu.memory_space<vmem>> -> memref<256x64xf32, #tpu.memory_space<vmem>>
      %dma_start3A_473 = arith.constant 0 : i32
      %dma_start3A_474 = tpu.memref_slice %dma_start3A_472[%add3A_460, %dma_start3A_473] : memref<256x64xf32, #tpu.memory_space<vmem>> -> memref<1x64xf32, #tpu.memory_space<vmem>>
      %dma_start3A_475 = arith.constant 0 : i32
      %dma_start3A_476 = tpu.memref_slice %arg4[%squeeze3A_456, %dma_start3A_475] : memref<1000000x64xf32, #tpu.memory_space<hbm>> -> memref<1x64xf32, #tpu.memory_space<hbm>>
      tpu.enqueue_dma source(%dma_start3A_476 : memref<1x64xf32, #tpu.memory_space<hbm>>) target(%dma_start3A_474 : memref<1x64xf32, #tpu.memory_space<vmem>>) target_semaphore(%arg11 : memref<!tpu.dma_semaphore, #tpu.memory_space<semaphore_mem>>)
      %slice3A_477 = vector.extract_strided_slice %get3A_214 {offsets = [12], sizes = [1], strides = [1]} : vector<16xi32> to vector<1xi32>
      %squeeze3A_478 = vector.extract %slice3A_477[0] : i32 from vector<1xi32>
      %mul3A_479 = arith.constant 16 : i32
      %mul3A_480 = arith.muli %scan3A_208, %mul3A_479 : i32
      %add3A_481 = arith.constant 12 : i32
      %add3A_482 = arith.addi %mul3A_480, %add3A_481 : i32
      %dma_start3A_483 = arith.constant 0 : i32
      %dma_start3A_484 = arith.constant 0 : i32
      %dma_start3A_485 = tpu.memref_slice %arg10[%scan3A_3, %dma_start3A_483, %dma_start3A_484] : memref<2x256x64xf32, #tpu.memory_space<vmem>> -> memref<1x256x64xf32, #tpu.memory_space<vmem>>
      %dma_start3A_486 = tpu.memref_squeeze %dma_start3A_485 : memref<1x256x64xf32, #tpu.memory_space<vmem>> -> memref<256x64xf32, #tpu.memory_space<vmem>>
      %dma_start3A_487 = arith.constant 0 : i32
      %dma_start3A_488 = tpu.memref_slice %dma_start3A_486[%add3A_482, %dma_start3A_487] : memref<256x64xf32, #tpu.memory_space<vmem>> -> memref<1x64xf32, #tpu.memory_space<vmem>>
      %dma_start3A_489 = arith.constant 0 : i32
      %dma_start3A_490 = tpu.memref_slice %arg4[%squeeze3A_478, %dma_start3A_489] : memref<1000000x64xf32, #tpu.memory_space<hbm>> -> memref<1x64xf32, #tpu.memory_space<hbm>>
      %dma_start3A_491 = arith.constant 0 : i32
      %dma_start3A_492 = arith.constant 0 : i32
      %dma_start3A_493 = tpu.memref_slice %arg10[%scan3A_3, %dma_start3A_491, %dma_start3A_492] : memref<2x256x64xf32, #tpu.memory_space<vmem>> -> memref<1x256x64xf32, #tpu.memory_space<vmem>>
      %dma_start3A_494 = tpu.memref_squeeze %dma_start3A_493 : memref<1x256x64xf32, #tpu.memory_space<vmem>> -> memref<256x64xf32, #tpu.memory_space<vmem>>
      %dma_start3A_495 = arith.constant 0 : i32
      %dma_start3A_496 = tpu.memref_slice %dma_start3A_494[%add3A_482, %dma_start3A_495] : memref<256x64xf32, #tpu.memory_space<vmem>> -> memref<1x64xf32, #tpu.memory_space<vmem>>
      %dma_start3A_497 = arith.constant 0 : i32
      %dma_start3A_498 = tpu.memref_slice %arg4[%squeeze3A_478, %dma_start3A_497] : memref<1000000x64xf32, #tpu.memory_space<hbm>> -> memref<1x64xf32, #tpu.memory_space<hbm>>
      tpu.enqueue_dma source(%dma_start3A_498 : memref<1x64xf32, #tpu.memory_space<hbm>>) target(%dma_start3A_496 : memref<1x64xf32, #tpu.memory_space<vmem>>) target_semaphore(%arg11 : memref<!tpu.dma_semaphore, #tpu.memory_space<semaphore_mem>>)
      %slice3A_499 = vector.extract_strided_slice %get3A_214 {offsets = [13], sizes = [1], strides = [1]} : vector<16xi32> to vector<1xi32>
      %squeeze3A_500 = vector.extract %slice3A_499[0] : i32 from vector<1xi32>
      %mul3A_501 = arith.constant 16 : i32
      %mul3A_502 = arith.muli %scan3A_208, %mul3A_501 : i32
      %add3A_503 = arith.constant 13 : i32
      %add3A_504 = arith.addi %mul3A_502, %add3A_503 : i32
      %dma_start3A_505 = arith.constant 0 : i32
      %dma_start3A_506 = arith.constant 0 : i32
      %dma_start3A_507 = tpu.memref_slice %arg10[%scan3A_3, %dma_start3A_505, %dma_start3A_506] : memref<2x256x64xf32, #tpu.memory_space<vmem>> -> memref<1x256x64xf32, #tpu.memory_space<vmem>>
      %dma_start3A_508 = tpu.memref_squeeze %dma_start3A_507 : memref<1x256x64xf32, #tpu.memory_space<vmem>> -> memref<256x64xf32, #tpu.memory_space<vmem>>
      %dma_start3A_509 = arith.constant 0 : i32
      %dma_start3A_510 = tpu.memref_slice %dma_start3A_508[%add3A_504, %dma_start3A_509] : memref<256x64xf32, #tpu.memory_space<vmem>> -> memref<1x64xf32, #tpu.memory_space<vmem>>
      %dma_start3A_511 = arith.constant 0 : i32
      %dma_start3A_512 = tpu.memref_slice %arg4[%squeeze3A_500, %dma_start3A_511] : memref<1000000x64xf32, #tpu.memory_space<hbm>> -> memref<1x64xf32, #tpu.memory_space<hbm>>
      %dma_start3A_513 = arith.constant 0 : i32
      %dma_start3A_514 = arith.constant 0 : i32
      %dma_start3A_515 = tpu.memref_slice %arg10[%scan3A_3, %dma_start3A_513, %dma_start3A_514] : memref<2x256x64xf32, #tpu.memory_space<vmem>> -> memref<1x256x64xf32, #tpu.memory_space<vmem>>
      %dma_start3A_516 = tpu.memref_squeeze %dma_start3A_515 : memref<1x256x64xf32, #tpu.memory_space<vmem>> -> memref<256x64xf32, #tpu.memory_space<vmem>>
      %dma_start3A_517 = arith.constant 0 : i32
      %dma_start3A_518 = tpu.memref_slice %dma_start3A_516[%add3A_504, %dma_start3A_517] : memref<256x64xf32, #tpu.memory_space<vmem>> -> memref<1x64xf32, #tpu.memory_space<vmem>>
      %dma_start3A_519 = arith.constant 0 : i32
      %dma_start3A_520 = tpu.memref_slice %arg4[%squeeze3A_500, %dma_start3A_519] : memref<1000000x64xf32, #tpu.memory_space<hbm>> -> memref<1x64xf32, #tpu.memory_space<hbm>>
      tpu.enqueue_dma source(%dma_start3A_520 : memref<1x64xf32, #tpu.memory_space<hbm>>) target(%dma_start3A_518 : memref<1x64xf32, #tpu.memory_space<vmem>>) target_semaphore(%arg11 : memref<!tpu.dma_semaphore, #tpu.memory_space<semaphore_mem>>)
      %slice3A_521 = vector.extract_strided_slice %get3A_214 {offsets = [14], sizes = [1], strides = [1]} : vector<16xi32> to vector<1xi32>
      %squeeze3A_522 = vector.extract %slice3A_521[0] : i32 from vector<1xi32>
      %mul3A_523 = arith.constant 16 : i32
      %mul3A_524 = arith.muli %scan3A_208, %mul3A_523 : i32
      %add3A_525 = arith.constant 14 : i32
      %add3A_526 = arith.addi %mul3A_524, %add3A_525 : i32
      %dma_start3A_527 = arith.constant 0 : i32
      %dma_start3A_528 = arith.constant 0 : i32
      %dma_start3A_529 = tpu.memref_slice %arg10[%scan3A_3, %dma_start3A_527, %dma_start3A_528] : memref<2x256x64xf32, #tpu.memory_space<vmem>> -> memref<1x256x64xf32, #tpu.memory_space<vmem>>
      %dma_start3A_530 = tpu.memref_squeeze %dma_start3A_529 : memref<1x256x64xf32, #tpu.memory_space<vmem>> -> memref<256x64xf32, #tpu.memory_space<vmem>>
      %dma_start3A_531 = arith.constant 0 : i32
      %dma_start3A_532 = tpu.memref_slice %dma_start3A_530[%add3A_526, %dma_start3A_531] : memref<256x64xf32, #tpu.memory_space<vmem>> -> memref<1x64xf32, #tpu.memory_space<vmem>>
      %dma_start3A_533 = arith.constant 0 : i32
      %dma_start3A_534 = tpu.memref_slice %arg4[%squeeze3A_522, %dma_start3A_533] : memref<1000000x64xf32, #tpu.memory_space<hbm>> -> memref<1x64xf32, #tpu.memory_space<hbm>>
      %dma_start3A_535 = arith.constant 0 : i32
      %dma_start3A_536 = arith.constant 0 : i32
      %dma_start3A_537 = tpu.memref_slice %arg10[%scan3A_3, %dma_start3A_535, %dma_start3A_536] : memref<2x256x64xf32, #tpu.memory_space<vmem>> -> memref<1x256x64xf32, #tpu.memory_space<vmem>>
      %dma_start3A_538 = tpu.memref_squeeze %dma_start3A_537 : memref<1x256x64xf32, #tpu.memory_space<vmem>> -> memref<256x64xf32, #tpu.memory_space<vmem>>
      %dma_start3A_539 = arith.constant 0 : i32
      %dma_start3A_540 = tpu.memref_slice %dma_start3A_538[%add3A_526, %dma_start3A_539] : memref<256x64xf32, #tpu.memory_space<vmem>> -> memref<1x64xf32, #tpu.memory_space<vmem>>
      %dma_start3A_541 = arith.constant 0 : i32
      %dma_start3A_542 = tpu.memref_slice %arg4[%squeeze3A_522, %dma_start3A_541] : memref<1000000x64xf32, #tpu.memory_space<hbm>> -> memref<1x64xf32, #tpu.memory_space<hbm>>
      tpu.enqueue_dma source(%dma_start3A_542 : memref<1x64xf32, #tpu.memory_space<hbm>>) target(%dma_start3A_540 : memref<1x64xf32, #tpu.memory_space<vmem>>) target_semaphore(%arg11 : memref<!tpu.dma_semaphore, #tpu.memory_space<semaphore_mem>>)
      %slice3A_543 = vector.extract_strided_slice %get3A_214 {offsets = [15], sizes = [1], strides = [1]} : vector<16xi32> to vector<1xi32>
      %squeeze3A_544 = vector.extract %slice3A_543[0] : i32 from vector<1xi32>
      %mul3A_545 = arith.constant 16 : i32
      %mul3A_546 = arith.muli %scan3A_208, %mul3A_545 : i32
      %add3A_547 = arith.constant 15 : i32
      %add3A_548 = arith.addi %mul3A_546, %add3A_547 : i32
      %dma_start3A_549 = arith.constant 0 : i32
      %dma_start3A_550 = arith.constant 0 : i32
      %dma_start3A_551 = tpu.memref_slice %arg10[%scan3A_3, %dma_start3A_549, %dma_start3A_550] : memref<2x256x64xf32, #tpu.memory_space<vmem>> -> memref<1x256x64xf32, #tpu.memory_space<vmem>>
      %dma_start3A_552 = tpu.memref_squeeze %dma_start3A_551 : memref<1x256x64xf32, #tpu.memory_space<vmem>> -> memref<256x64xf32, #tpu.memory_space<vmem>>
      %dma_start3A_553 = arith.constant 0 : i32
      %dma_start3A_554 = tpu.memref_slice %dma_start3A_552[%add3A_548, %dma_start3A_553] : memref<256x64xf32, #tpu.memory_space<vmem>> -> memref<1x64xf32, #tpu.memory_space<vmem>>
      %dma_start3A_555 = arith.constant 0 : i32
      %dma_start3A_556 = tpu.memref_slice %arg4[%squeeze3A_544, %dma_start3A_555] : memref<1000000x64xf32, #tpu.memory_space<hbm>> -> memref<1x64xf32, #tpu.memory_space<hbm>>
      %dma_start3A_557 = arith.constant 0 : i32
      %dma_start3A_558 = arith.constant 0 : i32
      %dma_start3A_559 = tpu.memref_slice %arg10[%scan3A_3, %dma_start3A_557, %dma_start3A_558] : memref<2x256x64xf32, #tpu.memory_space<vmem>> -> memref<1x256x64xf32, #tpu.memory_space<vmem>>
      %dma_start3A_560 = tpu.memref_squeeze %dma_start3A_559 : memref<1x256x64xf32, #tpu.memory_space<vmem>> -> memref<256x64xf32, #tpu.memory_space<vmem>>
      %dma_start3A_561 = arith.constant 0 : i32
      %dma_start3A_562 = tpu.memref_slice %dma_start3A_560[%add3A_548, %dma_start3A_561] : memref<256x64xf32, #tpu.memory_space<vmem>> -> memref<1x64xf32, #tpu.memory_space<vmem>>
      %dma_start3A_563 = arith.constant 0 : i32
      %dma_start3A_564 = tpu.memref_slice %arg4[%squeeze3A_544, %dma_start3A_563] : memref<1000000x64xf32, #tpu.memory_space<hbm>> -> memref<1x64xf32, #tpu.memory_space<hbm>>
      tpu.enqueue_dma source(%dma_start3A_564 : memref<1x64xf32, #tpu.memory_space<hbm>>) target(%dma_start3A_562 : memref<1x64xf32, #tpu.memory_space<vmem>>) target_semaphore(%arg11 : memref<!tpu.dma_semaphore, #tpu.memory_space<semaphore_mem>>)
    }
    %scan3A_8 = arith.constant 16 : i32
    %dma_wait3A = arith.constant 0 : i32
    %dma_wait3A_9 = arith.constant 0 : i32
    %dma_wait3A_10 = arith.constant 0 : i32
    %dma_wait3A_11 = tpu.memref_slice %arg10[%dma_wait3A, %dma_wait3A_9, %dma_wait3A_10] : memref<2x256x64xf32, #tpu.memory_space<vmem>> -> memref<1x256x64xf32, #tpu.memory_space<vmem>>
    %dma_wait3A_12 = tpu.memref_squeeze %dma_wait3A_11 : memref<1x256x64xf32, #tpu.memory_space<vmem>> -> memref<256x64xf32, #tpu.memory_space<vmem>>
    %dma_wait3A_13 = arith.constant 0 : i32
    %dma_wait3A_14 = arith.constant 0 : i32
    %dma_wait3A_15 = tpu.memref_slice %arg4[%dma_wait3A_13, %dma_wait3A_14] : memref<1000000x64xf32, #tpu.memory_space<hbm>> -> memref<256x64xf32, #tpu.memory_space<hbm>>
    %dma_wait3A_16 = arith.constant 0 : i32
    %dma_wait3A_17 = arith.constant 0 : i32
    %dma_wait3A_18 = tpu.memref_slice %arg10[%dma_wait3A, %dma_wait3A_16, %dma_wait3A_17] : memref<2x256x64xf32, #tpu.memory_space<vmem>> -> memref<1x256x64xf32, #tpu.memory_space<vmem>>
    %dma_wait3A_19 = tpu.memref_squeeze %dma_wait3A_18 : memref<1x256x64xf32, #tpu.memory_space<vmem>> -> memref<256x64xf32, #tpu.memory_space<vmem>>
    %dma_wait3A_20 = arith.constant 0 : i32
    %dma_wait3A_21 = arith.constant 0 : i32
    %dma_wait3A_22 = tpu.memref_slice %arg4[%dma_wait3A_20, %dma_wait3A_21] : memref<1000000x64xf32, #tpu.memory_space<hbm>> -> memref<256x64xf32, #tpu.memory_space<hbm>>
    tpu.wait_dma2 semaphore(%arg11 : memref<!tpu.dma_semaphore, #tpu.memory_space<semaphore_mem>>) src(%dma_wait3A_22 : memref<256x64xf32, #tpu.memory_space<hbm>>) dst(%dma_wait3A_19 : memref<256x64xf32, #tpu.memory_space<vmem>>)
    %add3A_23 = arith.constant 0 : i32
    %add3A_24 = arith.addi %mul3A_2, %add3A_23 : i32
    %dma_start3A = arith.constant 0 : i32
    %dma_start3A_25 = arith.constant 0 : i32
    %dma_start3A_26 = arith.constant 0 : i32
    %dma_start3A_27 = tpu.memref_slice %arg10[%dma_start3A, %dma_start3A_25, %dma_start3A_26] : memref<2x256x64xf32, #tpu.memory_space<vmem>> -> memref<1x256x64xf32, #tpu.memory_space<vmem>>
    %dma_start3A_28 = tpu.memref_squeeze %dma_start3A_27 : memref<1x256x64xf32, #tpu.memory_space<vmem>> -> memref<256x64xf32, #tpu.memory_space<vmem>>
    %dma_start3A_29 = arith.constant 0 : i32
    %dma_start3A_30 = tpu.memref_slice %arg6[%add3A_24, %dma_start3A_29] : memref<16384x64xf32, #tpu.memory_space<hbm>> -> memref<256x64xf32, #tpu.memory_space<hbm>>
    %dma_start3A_31 = arith.constant 0 : i32
    %dma_start3A_32 = tpu.memref_slice %arg6[%add3A_24, %dma_start3A_31] : memref<16384x64xf32, #tpu.memory_space<hbm>> -> memref<256x64xf32, #tpu.memory_space<hbm>>
    %dma_start3A_33 = arith.constant 0 : i32
    %dma_start3A_34 = arith.constant 0 : i32
    %dma_start3A_35 = tpu.memref_slice %arg10[%dma_start3A, %dma_start3A_33, %dma_start3A_34] : memref<2x256x64xf32, #tpu.memory_space<vmem>> -> memref<1x256x64xf32, #tpu.memory_space<vmem>>
    %dma_start3A_36 = tpu.memref_squeeze %dma_start3A_35 : memref<1x256x64xf32, #tpu.memory_space<vmem>> -> memref<256x64xf32, #tpu.memory_space<vmem>>
    tpu.enqueue_dma source(%dma_start3A_36 : memref<256x64xf32, #tpu.memory_space<vmem>>) target(%dma_start3A_32 : memref<256x64xf32, #tpu.memory_space<hbm>>) target_semaphore(%arg12 : memref<!tpu.dma_semaphore, #tpu.memory_space<semaphore_mem>>)
    %scan3A_37 = arith.constant 0 : i32
    %scan3A_38 = arith.constant 1 : i32
    %scan3A_39 = arith.constant 0 : i32
    %scan3A_40 = arith.constant 16 : i32
    %scan3A_41 = arith.addi %scan3A_39, %scan3A_40 : i32
    %scan3A_42 = arith.constant 1 : i32
    scf.for %scan3A_208 = %scan3A_39 to %scan3A_41 step %scan3A_42  : i32 {
      %mul3A_209 = arith.constant 16 : i32
      %mul3A_210 = arith.muli %scan3A_208, %mul3A_209 : i32
      %add3A_211 = arith.constant 256 : i32
      %add3A_212 = arith.addi %add3A_211, %mul3A_210 : i32
      %get3A = arith.index_cast %add3A_212 : i32 to index
      %get3A_213 = tpu.vector_load %arg8[%get3A] {strides = array<i32>} : memref<512xi32, #tpu.memory_space<vmem>>, vector<16xi32>,
      %get3A_214 = vector.shape_cast %get3A_213 : vector<16xi32> to vector<16xi32>
      %slice3A = vector.extract_strided_slice %get3A_214 {offsets = [0], sizes = [1], strides = [1]} : vector<16xi32> to vector<1xi32>
      %squeeze3A = vector.extract %slice3A[0] : i32 from vector<1xi32>
      %mul3A_215 = arith.constant 16 : i32
      %mul3A_216 = arith.muli %scan3A_208, %mul3A_215 : i32
      %add3A_217 = arith.constant 0 : i32
      %add3A_218 = arith.addi %mul3A_216, %add3A_217 : i32
      %dma_start3A_219 = arith.constant 0 : i32
      %dma_start3A_220 = arith.constant 0 : i32
      %dma_start3A_221 = tpu.memref_slice %arg10[%scan3A_38, %dma_start3A_219, %dma_start3A_220] : memref<2x256x64xf32, #tpu.memory_space<vmem>> -> memref<1x256x64xf32, #tpu.memory_space<vmem>>
      %dma_start3A_222 = tpu.memref_squeeze %dma_start3A_221 : memref<1x256x64xf32, #tpu.memory_space<vmem>> -> memref<256x64xf32, #tpu.memory_space<vmem>>
      %dma_start3A_223 = arith.constant 0 : i32
      %dma_start3A_224 = tpu.memref_slice %dma_start3A_222[%add3A_218, %dma_start3A_223] : memref<256x64xf32, #tpu.memory_space<vmem>> -> memref<1x64xf32, #tpu.memory_space<vmem>>
      %dma_start3A_225 = arith.constant 0 : i32
      %dma_start3A_226 = tpu.memref_slice %arg4[%squeeze3A, %dma_start3A_225] : memref<1000000x64xf32, #tpu.memory_space<hbm>> -> memref<1x64xf32, #tpu.memory_space<hbm>>
      %dma_start3A_227 = arith.constant 0 : i32
      %dma_start3A_228 = arith.constant 0 : i32
      %dma_start3A_229 = tpu.memref_slice %arg10[%scan3A_38, %dma_start3A_227, %dma_start3A_228] : memref<2x256x64xf32, #tpu.memory_space<vmem>> -> memref<1x256x64xf32, #tpu.memory_space<vmem>>
      %dma_start3A_230 = tpu.memref_squeeze %dma_start3A_229 : memref<1x256x64xf32, #tpu.memory_space<vmem>> -> memref<256x64xf32, #tpu.memory_space<vmem>>
      %dma_start3A_231 = arith.constant 0 : i32
      %dma_start3A_232 = tpu.memref_slice %dma_start3A_230[%add3A_218, %dma_start3A_231] : memref<256x64xf32, #tpu.memory_space<vmem>> -> memref<1x64xf32, #tpu.memory_space<vmem>>
      %dma_start3A_233 = arith.constant 0 : i32
      %dma_start3A_234 = tpu.memref_slice %arg4[%squeeze3A, %dma_start3A_233] : memref<1000000x64xf32, #tpu.memory_space<hbm>> -> memref<1x64xf32, #tpu.memory_space<hbm>>
      tpu.enqueue_dma source(%dma_start3A_234 : memref<1x64xf32, #tpu.memory_space<hbm>>) target(%dma_start3A_232 : memref<1x64xf32, #tpu.memory_space<vmem>>) target_semaphore(%arg11 : memref<!tpu.dma_semaphore, #tpu.memory_space<semaphore_mem>>)
      %slice3A_235 = vector.extract_strided_slice %get3A_214 {offsets = [1], sizes = [1], strides = [1]} : vector<16xi32> to vector<1xi32>
      %squeeze3A_236 = vector.extract %slice3A_235[0] : i32 from vector<1xi32>
      %mul3A_237 = arith.constant 16 : i32
      %mul3A_238 = arith.muli %scan3A_208, %mul3A_237 : i32
      %add3A_239 = arith.constant 1 : i32
      %add3A_240 = arith.addi %mul3A_238, %add3A_239 : i32
      %dma_start3A_241 = arith.constant 0 : i32
      %dma_start3A_242 = arith.constant 0 : i32
      %dma_start3A_243 = tpu.memref_slice %arg10[%scan3A_38, %dma_start3A_241, %dma_start3A_242] : memref<2x256x64xf32, #tpu.memory_space<vmem>> -> memref<1x256x64xf32, #tpu.memory_space<vmem>>
      %dma_start3A_244 = tpu.memref_squeeze %dma_start3A_243 : memref<1x256x64xf32, #tpu.memory_space<vmem>> -> memref<256x64xf32, #tpu.memory_space<vmem>>
      %dma_start3A_245 = arith.constant 0 : i32
      %dma_start3A_246 = tpu.memref_slice %dma_start3A_244[%add3A_240, %dma_start3A_245] : memref<256x64xf32, #tpu.memory_space<vmem>> -> memref<1x64xf32, #tpu.memory_space<vmem>>
      %dma_start3A_247 = arith.constant 0 : i32
      %dma_start3A_248 = tpu.memref_slice %arg4[%squeeze3A_236, %dma_start3A_247] : memref<1000000x64xf32, #tpu.memory_space<hbm>> -> memref<1x64xf32, #tpu.memory_space<hbm>>
      %dma_start3A_249 = arith.constant 0 : i32
      %dma_start3A_250 = arith.constant 0 : i32
      %dma_start3A_251 = tpu.memref_slice %arg10[%scan3A_38, %dma_start3A_249, %dma_start3A_250] : memref<2x256x64xf32, #tpu.memory_space<vmem>> -> memref<1x256x64xf32, #tpu.memory_space<vmem>>
      %dma_start3A_252 = tpu.memref_squeeze %dma_start3A_251 : memref<1x256x64xf32, #tpu.memory_space<vmem>> -> memref<256x64xf32, #tpu.memory_space<vmem>>
      %dma_start3A_253 = arith.constant 0 : i32
      %dma_start3A_254 = tpu.memref_slice %dma_start3A_252[%add3A_240, %dma_start3A_253] : memref<256x64xf32, #tpu.memory_space<vmem>> -> memref<1x64xf32, #tpu.memory_space<vmem>>
      %dma_start3A_255 = arith.constant 0 : i32
      %dma_start3A_256 = tpu.memref_slice %arg4[%squeeze3A_236, %dma_start3A_255] : memref<1000000x64xf32, #tpu.memory_space<hbm>> -> memref<1x64xf32, #tpu.memory_space<hbm>>
      tpu.enqueue_dma source(%dma_start3A_256 : memref<1x64xf32, #tpu.memory_space<hbm>>) target(%dma_start3A_254 : memref<1x64xf32, #tpu.memory_space<vmem>>) target_semaphore(%arg11 : memref<!tpu.dma_semaphore, #tpu.memory_space<semaphore_mem>>)
      %slice3A_257 = vector.extract_strided_slice %get3A_214 {offsets = [2], sizes = [1], strides = [1]} : vector<16xi32> to vector<1xi32>
      %squeeze3A_258 = vector.extract %slice3A_257[0] : i32 from vector<1xi32>
      %mul3A_259 = arith.constant 16 : i32
      %mul3A_260 = arith.muli %scan3A_208, %mul3A_259 : i32
      %add3A_261 = arith.constant 2 : i32
      %add3A_262 = arith.addi %mul3A_260, %add3A_261 : i32
      %dma_start3A_263 = arith.constant 0 : i32
      %dma_start3A_264 = arith.constant 0 : i32
      %dma_start3A_265 = tpu.memref_slice %arg10[%scan3A_38, %dma_start3A_263, %dma_start3A_264] : memref<2x256x64xf32, #tpu.memory_space<vmem>> -> memref<1x256x64xf32, #tpu.memory_space<vmem>>
      %dma_start3A_266 = tpu.memref_squeeze %dma_start3A_265 : memref<1x256x64xf32, #tpu.memory_space<vmem>> -> memref<256x64xf32, #tpu.memory_space<vmem>>
      %dma_start3A_267 = arith.constant 0 : i32
      %dma_start3A_268 = tpu.memref_slice %dma_start3A_266[%add3A_262, %dma_start3A_267] : memref<256x64xf32, #tpu.memory_space<vmem>> -> memref<1x64xf32, #tpu.memory_space<vmem>>
      %dma_start3A_269 = arith.constant 0 : i32
      %dma_start3A_270 = tpu.memref_slice %arg4[%squeeze3A_258, %dma_start3A_269] : memref<1000000x64xf32, #tpu.memory_space<hbm>> -> memref<1x64xf32, #tpu.memory_space<hbm>>
      %dma_start3A_271 = arith.constant 0 : i32
      %dma_start3A_272 = arith.constant 0 : i32
      %dma_start3A_273 = tpu.memref_slice %arg10[%scan3A_38, %dma_start3A_271, %dma_start3A_272] : memref<2x256x64xf32, #tpu.memory_space<vmem>> -> memref<1x256x64xf32, #tpu.memory_space<vmem>>
      %dma_start3A_274 = tpu.memref_squeeze %dma_start3A_273 : memref<1x256x64xf32, #tpu.memory_space<vmem>> -> memref<256x64xf32, #tpu.memory_space<vmem>>
      %dma_start3A_275 = arith.constant 0 : i32
      %dma_start3A_276 = tpu.memref_slice %dma_start3A_274[%add3A_262, %dma_start3A_275] : memref<256x64xf32, #tpu.memory_space<vmem>> -> memref<1x64xf32, #tpu.memory_space<vmem>>
      %dma_start3A_277 = arith.constant 0 : i32
      %dma_start3A_278 = tpu.memref_slice %arg4[%squeeze3A_258, %dma_start3A_277] : memref<1000000x64xf32, #tpu.memory_space<hbm>> -> memref<1x64xf32, #tpu.memory_space<hbm>>
      tpu.enqueue_dma source(%dma_start3A_278 : memref<1x64xf32, #tpu.memory_space<hbm>>) target(%dma_start3A_276 : memref<1x64xf32, #tpu.memory_space<vmem>>) target_semaphore(%arg11 : memref<!tpu.dma_semaphore, #tpu.memory_space<semaphore_mem>>)
      %slice3A_279 = vector.extract_strided_slice %get3A_214 {offsets = [3], sizes = [1], strides = [1]} : vector<16xi32> to vector<1xi32>
      %squeeze3A_280 = vector.extract %slice3A_279[0] : i32 from vector<1xi32>
      %mul3A_281 = arith.constant 16 : i32
      %mul3A_282 = arith.muli %scan3A_208, %mul3A_281 : i32
      %add3A_283 = arith.constant 3 : i32
      %add3A_284 = arith.addi %mul3A_282, %add3A_283 : i32
      %dma_start3A_285 = arith.constant 0 : i32
      %dma_start3A_286 = arith.constant 0 : i32
      %dma_start3A_287 = tpu.memref_slice %arg10[%scan3A_38, %dma_start3A_285, %dma_start3A_286] : memref<2x256x64xf32, #tpu.memory_space<vmem>> -> memref<1x256x64xf32, #tpu.memory_space<vmem>>
      %dma_start3A_288 = tpu.memref_squeeze %dma_start3A_287 : memref<1x256x64xf32, #tpu.memory_space<vmem>> -> memref<256x64xf32, #tpu.memory_space<vmem>>
      %dma_start3A_289 = arith.constant 0 : i32
      %dma_start3A_290 = tpu.memref_slice %dma_start3A_288[%add3A_284, %dma_start3A_289] : memref<256x64xf32, #tpu.memory_space<vmem>> -> memref<1x64xf32, #tpu.memory_space<vmem>>
      %dma_start3A_291 = arith.constant 0 : i32
      %dma_start3A_292 = tpu.memref_slice %arg4[%squeeze3A_280, %dma_start3A_291] : memref<1000000x64xf32, #tpu.memory_space<hbm>> -> memref<1x64xf32, #tpu.memory_space<hbm>>
      %dma_start3A_293 = arith.constant 0 : i32
      %dma_start3A_294 = arith.constant 0 : i32
      %dma_start3A_295 = tpu.memref_slice %arg10[%scan3A_38, %dma_start3A_293, %dma_start3A_294] : memref<2x256x64xf32, #tpu.memory_space<vmem>> -> memref<1x256x64xf32, #tpu.memory_space<vmem>>
      %dma_start3A_296 = tpu.memref_squeeze %dma_start3A_295 : memref<1x256x64xf32, #tpu.memory_space<vmem>> -> memref<256x64xf32, #tpu.memory_space<vmem>>
      %dma_start3A_297 = arith.constant 0 : i32
      %dma_start3A_298 = tpu.memref_slice %dma_start3A_296[%add3A_284, %dma_start3A_297] : memref<256x64xf32, #tpu.memory_space<vmem>> -> memref<1x64xf32, #tpu.memory_space<vmem>>
      %dma_start3A_299 = arith.constant 0 : i32
      %dma_start3A_300 = tpu.memref_slice %arg4[%squeeze3A_280, %dma_start3A_299] : memref<1000000x64xf32, #tpu.memory_space<hbm>> -> memref<1x64xf32, #tpu.memory_space<hbm>>
      tpu.enqueue_dma source(%dma_start3A_300 : memref<1x64xf32, #tpu.memory_space<hbm>>) target(%dma_start3A_298 : memref<1x64xf32, #tpu.memory_space<vmem>>) target_semaphore(%arg11 : memref<!tpu.dma_semaphore, #tpu.memory_space<semaphore_mem>>)
      %slice3A_301 = vector.extract_strided_slice %get3A_214 {offsets = [4], sizes = [1], strides = [1]} : vector<16xi32> to vector<1xi32>
      %squeeze3A_302 = vector.extract %slice3A_301[0] : i32 from vector<1xi32>
      %mul3A_303 = arith.constant 16 : i32
      %mul3A_304 = arith.muli %scan3A_208, %mul3A_303 : i32
      %add3A_305 = arith.constant 4 : i32
      %add3A_306 = arith.addi %mul3A_304, %add3A_305 : i32
      %dma_start3A_307 = arith.constant 0 : i32
      %dma_start3A_308 = arith.constant 0 : i32
      %dma_start3A_309 = tpu.memref_slice %arg10[%scan3A_38, %dma_start3A_307, %dma_start3A_308] : memref<2x256x64xf32, #tpu.memory_space<vmem>> -> memref<1x256x64xf32, #tpu.memory_space<vmem>>
      %dma_start3A_310 = tpu.memref_squeeze %dma_start3A_309 : memref<1x256x64xf32, #tpu.memory_space<vmem>> -> memref<256x64xf32, #tpu.memory_space<vmem>>
      %dma_start3A_311 = arith.constant 0 : i32
      %dma_start3A_312 = tpu.memref_slice %dma_start3A_310[%add3A_306, %dma_start3A_311] : memref<256x64xf32, #tpu.memory_space<vmem>> -> memref<1x64xf32, #tpu.memory_space<vmem>>
      %dma_start3A_313 = arith.constant 0 : i32
      %dma_start3A_314 = tpu.memref_slice %arg4[%squeeze3A_302, %dma_start3A_313] : memref<1000000x64xf32, #tpu.memory_space<hbm>> -> memref<1x64xf32, #tpu.memory_space<hbm>>
      %dma_start3A_315 = arith.constant 0 : i32
      %dma_start3A_316 = arith.constant 0 : i32
      %dma_start3A_317 = tpu.memref_slice %arg10[%scan3A_38, %dma_start3A_315, %dma_start3A_316] : memref<2x256x64xf32, #tpu.memory_space<vmem>> -> memref<1x256x64xf32, #tpu.memory_space<vmem>>
      %dma_start3A_318 = tpu.memref_squeeze %dma_start3A_317 : memref<1x256x64xf32, #tpu.memory_space<vmem>> -> memref<256x64xf32, #tpu.memory_space<vmem>>
      %dma_start3A_319 = arith.constant 0 : i32
      %dma_start3A_320 = tpu.memref_slice %dma_start3A_318[%add3A_306, %dma_start3A_319] : memref<256x64xf32, #tpu.memory_space<vmem>> -> memref<1x64xf32, #tpu.memory_space<vmem>>
      %dma_start3A_321 = arith.constant 0 : i32
      %dma_start3A_322 = tpu.memref_slice %arg4[%squeeze3A_302, %dma_start3A_321] : memref<1000000x64xf32, #tpu.memory_space<hbm>> -> memref<1x64xf32, #tpu.memory_space<hbm>>
      tpu.enqueue_dma source(%dma_start3A_322 : memref<1x64xf32, #tpu.memory_space<hbm>>) target(%dma_start3A_320 : memref<1x64xf32, #tpu.memory_space<vmem>>) target_semaphore(%arg11 : memref<!tpu.dma_semaphore, #tpu.memory_space<semaphore_mem>>)
      %slice3A_323 = vector.extract_strided_slice %get3A_214 {offsets = [5], sizes = [1], strides = [1]} : vector<16xi32> to vector<1xi32>
      %squeeze3A_324 = vector.extract %slice3A_323[0] : i32 from vector<1xi32>
      %mul3A_325 = arith.constant 16 : i32
      %mul3A_326 = arith.muli %scan3A_208, %mul3A_325 : i32
      %add3A_327 = arith.constant 5 : i32
      %add3A_328 = arith.addi %mul3A_326, %add3A_327 : i32
      %dma_start3A_329 = arith.constant 0 : i32
      %dma_start3A_330 = arith.constant 0 : i32
      %dma_start3A_331 = tpu.memref_slice %arg10[%scan3A_38, %dma_start3A_329, %dma_start3A_330] : memref<2x256x64xf32, #tpu.memory_space<vmem>> -> memref<1x256x64xf32, #tpu.memory_space<vmem>>
      %dma_start3A_332 = tpu.memref_squeeze %dma_start3A_331 : memref<1x256x64xf32, #tpu.memory_space<vmem>> -> memref<256x64xf32, #tpu.memory_space<vmem>>
      %dma_start3A_333 = arith.constant 0 : i32
      %dma_start3A_334 = tpu.memref_slice %dma_start3A_332[%add3A_328, %dma_start3A_333] : memref<256x64xf32, #tpu.memory_space<vmem>> -> memref<1x64xf32, #tpu.memory_space<vmem>>
      %dma_start3A_335 = arith.constant 0 : i32
      %dma_start3A_336 = tpu.memref_slice %arg4[%squeeze3A_324, %dma_start3A_335] : memref<1000000x64xf32, #tpu.memory_space<hbm>> -> memref<1x64xf32, #tpu.memory_space<hbm>>
      %dma_start3A_337 = arith.constant 0 : i32
      %dma_start3A_338 = arith.constant 0 : i32
      %dma_start3A_339 = tpu.memref_slice %arg10[%scan3A_38, %dma_start3A_337, %dma_start3A_338] : memref<2x256x64xf32, #tpu.memory_space<vmem>> -> memref<1x256x64xf32, #tpu.memory_space<vmem>>
      %dma_start3A_340 = tpu.memref_squeeze %dma_start3A_339 : memref<1x256x64xf32, #tpu.memory_space<vmem>> -> memref<256x64xf32, #tpu.memory_space<vmem>>
      %dma_start3A_341 = arith.constant 0 : i32
      %dma_start3A_342 = tpu.memref_slice %dma_start3A_340[%add3A_328, %dma_start3A_341] : memref<256x64xf32, #tpu.memory_space<vmem>> -> memref<1x64xf32, #tpu.memory_space<vmem>>
      %dma_start3A_343 = arith.constant 0 : i32
      %dma_start3A_344 = tpu.memref_slice %arg4[%squeeze3A_324, %dma_start3A_343] : memref<1000000x64xf32, #tpu.memory_space<hbm>> -> memref<1x64xf32, #tpu.memory_space<hbm>>
      tpu.enqueue_dma source(%dma_start3A_344 : memref<1x64xf32, #tpu.memory_space<hbm>>) target(%dma_start3A_342 : memref<1x64xf32, #tpu.memory_space<vmem>>) target_semaphore(%arg11 : memref<!tpu.dma_semaphore, #tpu.memory_space<semaphore_mem>>)
      %slice3A_345 = vector.extract_strided_slice %get3A_214 {offsets = [6], sizes = [1], strides = [1]} : vector<16xi32> to vector<1xi32>
      %squeeze3A_346 = vector.extract %slice3A_345[0] : i32 from vector<1xi32>
      %mul3A_347 = arith.constant 16 : i32
      %mul3A_348 = arith.muli %scan3A_208, %mul3A_347 : i32
      %add3A_349 = arith.constant 6 : i32
      %add3A_350 = arith.addi %mul3A_348, %add3A_349 : i32
      %dma_start3A_351 = arith.constant 0 : i32
      %dma_start3A_352 = arith.constant 0 : i32
      %dma_start3A_353 = tpu.memref_slice %arg10[%scan3A_38, %dma_start3A_351, %dma_start3A_352] : memref<2x256x64xf32, #tpu.memory_space<vmem>> -> memref<1x256x64xf32, #tpu.memory_space<vmem>>
      %dma_start3A_354 = tpu.memref_squeeze %dma_start3A_353 : memref<1x256x64xf32, #tpu.memory_space<vmem>> -> memref<256x64xf32, #tpu.memory_space<vmem>>
      %dma_start3A_355 = arith.constant 0 : i32
      %dma_start3A_356 = tpu.memref_slice %dma_start3A_354[%add3A_350, %dma_start3A_355] : memref<256x64xf32, #tpu.memory_space<vmem>> -> memref<1x64xf32, #tpu.memory_space<vmem>>
      %dma_start3A_357 = arith.constant 0 : i32
      %dma_start3A_358 = tpu.memref_slice %arg4[%squeeze3A_346, %dma_start3A_357] : memref<1000000x64xf32, #tpu.memory_space<hbm>> -> memref<1x64xf32, #tpu.memory_space<hbm>>
      %dma_start3A_359 = arith.constant 0 : i32
      %dma_start3A_360 = arith.constant 0 : i32
      %dma_start3A_361 = tpu.memref_slice %arg10[%scan3A_38, %dma_start3A_359, %dma_start3A_360] : memref<2x256x64xf32, #tpu.memory_space<vmem>> -> memref<1x256x64xf32, #tpu.memory_space<vmem>>
      %dma_start3A_362 = tpu.memref_squeeze %dma_start3A_361 : memref<1x256x64xf32, #tpu.memory_space<vmem>> -> memref<256x64xf32, #tpu.memory_space<vmem>>
      %dma_start3A_363 = arith.constant 0 : i32
      %dma_start3A_364 = tpu.memref_slice %dma_start3A_362[%add3A_350, %dma_start3A_363] : memref<256x64xf32, #tpu.memory_space<vmem>> -> memref<1x64xf32, #tpu.memory_space<vmem>>
      %dma_start3A_365 = arith.constant 0 : i32
      %dma_start3A_366 = tpu.memref_slice %arg4[%squeeze3A_346, %dma_start3A_365] : memref<1000000x64xf32, #tpu.memory_space<hbm>> -> memref<1x64xf32, #tpu.memory_space<hbm>>
      tpu.enqueue_dma source(%dma_start3A_366 : memref<1x64xf32, #tpu.memory_space<hbm>>) target(%dma_start3A_364 : memref<1x64xf32, #tpu.memory_space<vmem>>) target_semaphore(%arg11 : memref<!tpu.dma_semaphore, #tpu.memory_space<semaphore_mem>>)
      %slice3A_367 = vector.extract_strided_slice %get3A_214 {offsets = [7], sizes = [1], strides = [1]} : vector<16xi32> to vector<1xi32>
      %squeeze3A_368 = vector.extract %slice3A_367[0] : i32 from vector<1xi32>
      %mul3A_369 = arith.constant 16 : i32
      %mul3A_370 = arith.muli %scan3A_208, %mul3A_369 : i32
      %add3A_371 = arith.constant 7 : i32
      %add3A_372 = arith.addi %mul3A_370, %add3A_371 : i32
      %dma_start3A_373 = arith.constant 0 : i32
      %dma_start3A_374 = arith.constant 0 : i32
      %dma_start3A_375 = tpu.memref_slice %arg10[%scan3A_38, %dma_start3A_373, %dma_start3A_374] : memref<2x256x64xf32, #tpu.memory_space<vmem>> -> memref<1x256x64xf32, #tpu.memory_space<vmem>>
      %dma_start3A_376 = tpu.memref_squeeze %dma_start3A_375 : memref<1x256x64xf32, #tpu.memory_space<vmem>> -> memref<256x64xf32, #tpu.memory_space<vmem>>
      %dma_start3A_377 = arith.constant 0 : i32
      %dma_start3A_378 = tpu.memref_slice %dma_start3A_376[%add3A_372, %dma_start3A_377] : memref<256x64xf32, #tpu.memory_space<vmem>> -> memref<1x64xf32, #tpu.memory_space<vmem>>
      %dma_start3A_379 = arith.constant 0 : i32
      %dma_start3A_380 = tpu.memref_slice %arg4[%squeeze3A_368, %dma_start3A_379] : memref<1000000x64xf32, #tpu.memory_space<hbm>> -> memref<1x64xf32, #tpu.memory_space<hbm>>
      %dma_start3A_381 = arith.constant 0 : i32
      %dma_start3A_382 = arith.constant 0 : i32
      %dma_start3A_383 = tpu.memref_slice %arg10[%scan3A_38, %dma_start3A_381, %dma_start3A_382] : memref<2x256x64xf32, #tpu.memory_space<vmem>> -> memref<1x256x64xf32, #tpu.memory_space<vmem>>
      %dma_start3A_384 = tpu.memref_squeeze %dma_start3A_383 : memref<1x256x64xf32, #tpu.memory_space<vmem>> -> memref<256x64xf32, #tpu.memory_space<vmem>>
      %dma_start3A_385 = arith.constant 0 : i32
      %dma_start3A_386 = tpu.memref_slice %dma_start3A_384[%add3A_372, %dma_start3A_385] : memref<256x64xf32, #tpu.memory_space<vmem>> -> memref<1x64xf32, #tpu.memory_space<vmem>>
      %dma_start3A_387 = arith.constant 0 : i32
      %dma_start3A_388 = tpu.memref_slice %arg4[%squeeze3A_368, %dma_start3A_387] : memref<1000000x64xf32, #tpu.memory_space<hbm>> -> memref<1x64xf32, #tpu.memory_space<hbm>>
      tpu.enqueue_dma source(%dma_start3A_388 : memref<1x64xf32, #tpu.memory_space<hbm>>) target(%dma_start3A_386 : memref<1x64xf32, #tpu.memory_space<vmem>>) target_semaphore(%arg11 : memref<!tpu.dma_semaphore, #tpu.memory_space<semaphore_mem>>)
      %slice3A_389 = vector.extract_strided_slice %get3A_214 {offsets = [8], sizes = [1], strides = [1]} : vector<16xi32> to vector<1xi32>
      %squeeze3A_390 = vector.extract %slice3A_389[0] : i32 from vector<1xi32>
      %mul3A_391 = arith.constant 16 : i32
      %mul3A_392 = arith.muli %scan3A_208, %mul3A_391 : i32
      %add3A_393 = arith.constant 8 : i32
      %add3A_394 = arith.addi %mul3A_392, %add3A_393 : i32
      %dma_start3A_395 = arith.constant 0 : i32
      %dma_start3A_396 = arith.constant 0 : i32
      %dma_start3A_397 = tpu.memref_slice %arg10[%scan3A_38, %dma_start3A_395, %dma_start3A_396] : memref<2x256x64xf32, #tpu.memory_space<vmem>> -> memref<1x256x64xf32, #tpu.memory_space<vmem>>
      %dma_start3A_398 = tpu.memref_squeeze %dma_start3A_397 : memref<1x256x64xf32, #tpu.memory_space<vmem>> -> memref<256x64xf32, #tpu.memory_space<vmem>>
      %dma_start3A_399 = arith.constant 0 : i32
      %dma_start3A_400 = tpu.memref_slice %dma_start3A_398[%add3A_394, %dma_start3A_399] : memref<256x64xf32, #tpu.memory_space<vmem>> -> memref<1x64xf32, #tpu.memory_space<vmem>>
      %dma_start3A_401 = arith.constant 0 : i32
      %dma_start3A_402 = tpu.memref_slice %arg4[%squeeze3A_390, %dma_start3A_401] : memref<1000000x64xf32, #tpu.memory_space<hbm>> -> memref<1x64xf32, #tpu.memory_space<hbm>>
      %dma_start3A_403 = arith.constant 0 : i32
      %dma_start3A_404 = arith.constant 0 : i32
      %dma_start3A_405 = tpu.memref_slice %arg10[%scan3A_38, %dma_start3A_403, %dma_start3A_404] : memref<2x256x64xf32, #tpu.memory_space<vmem>> -> memref<1x256x64xf32, #tpu.memory_space<vmem>>
      %dma_start3A_406 = tpu.memref_squeeze %dma_start3A_405 : memref<1x256x64xf32, #tpu.memory_space<vmem>> -> memref<256x64xf32, #tpu.memory_space<vmem>>
      %dma_start3A_407 = arith.constant 0 : i32
      %dma_start3A_408 = tpu.memref_slice %dma_start3A_406[%add3A_394, %dma_start3A_407] : memref<256x64xf32, #tpu.memory_space<vmem>> -> memref<1x64xf32, #tpu.memory_space<vmem>>
      %dma_start3A_409 = arith.constant 0 : i32
      %dma_start3A_410 = tpu.memref_slice %arg4[%squeeze3A_390, %dma_start3A_409] : memref<1000000x64xf32, #tpu.memory_space<hbm>> -> memref<1x64xf32, #tpu.memory_space<hbm>>
      tpu.enqueue_dma source(%dma_start3A_410 : memref<1x64xf32, #tpu.memory_space<hbm>>) target(%dma_start3A_408 : memref<1x64xf32, #tpu.memory_space<vmem>>) target_semaphore(%arg11 : memref<!tpu.dma_semaphore, #tpu.memory_space<semaphore_mem>>)
      %slice3A_411 = vector.extract_strided_slice %get3A_214 {offsets = [9], sizes = [1], strides = [1]} : vector<16xi32> to vector<1xi32>
      %squeeze3A_412 = vector.extract %slice3A_411[0] : i32 from vector<1xi32>
      %mul3A_413 = arith.constant 16 : i32
      %mul3A_414 = arith.muli %scan3A_208, %mul3A_413 : i32
      %add3A_415 = arith.constant 9 : i32
      %add3A_416 = arith.addi %mul3A_414, %add3A_415 : i32
      %dma_start3A_417 = arith.constant 0 : i32
      %dma_start3A_418 = arith.constant 0 : i32
      %dma_start3A_419 = tpu.memref_slice %arg10[%scan3A_38, %dma_start3A_417, %dma_start3A_418] : memref<2x256x64xf32, #tpu.memory_space<vmem>> -> memref<1x256x64xf32, #tpu.memory_space<vmem>>
      %dma_start3A_420 = tpu.memref_squeeze %dma_start3A_419 : memref<1x256x64xf32, #tpu.memory_space<vmem>> -> memref<256x64xf32, #tpu.memory_space<vmem>>
      %dma_start3A_421 = arith.constant 0 : i32
      %dma_start3A_422 = tpu.memref_slice %dma_start3A_420[%add3A_416, %dma_start3A_421] : memref<256x64xf32, #tpu.memory_space<vmem>> -> memref<1x64xf32, #tpu.memory_space<vmem>>
      %dma_start3A_423 = arith.constant 0 : i32
      %dma_start3A_424 = tpu.memref_slice %arg4[%squeeze3A_412, %dma_start3A_423] : memref<1000000x64xf32, #tpu.memory_space<hbm>> -> memref<1x64xf32, #tpu.memory_space<hbm>>
      %dma_start3A_425 = arith.constant 0 : i32
      %dma_start3A_426 = arith.constant 0 : i32
      %dma_start3A_427 = tpu.memref_slice %arg10[%scan3A_38, %dma_start3A_425, %dma_start3A_426] : memref<2x256x64xf32, #tpu.memory_space<vmem>> -> memref<1x256x64xf32, #tpu.memory_space<vmem>>
      %dma_start3A_428 = tpu.memref_squeeze %dma_start3A_427 : memref<1x256x64xf32, #tpu.memory_space<vmem>> -> memref<256x64xf32, #tpu.memory_space<vmem>>
      %dma_start3A_429 = arith.constant 0 : i32
      %dma_start3A_430 = tpu.memref_slice %dma_start3A_428[%add3A_416, %dma_start3A_429] : memref<256x64xf32, #tpu.memory_space<vmem>> -> memref<1x64xf32, #tpu.memory_space<vmem>>
      %dma_start3A_431 = arith.constant 0 : i32
      %dma_start3A_432 = tpu.memref_slice %arg4[%squeeze3A_412, %dma_start3A_431] : memref<1000000x64xf32, #tpu.memory_space<hbm>> -> memref<1x64xf32, #tpu.memory_space<hbm>>
      tpu.enqueue_dma source(%dma_start3A_432 : memref<1x64xf32, #tpu.memory_space<hbm>>) target(%dma_start3A_430 : memref<1x64xf32, #tpu.memory_space<vmem>>) target_semaphore(%arg11 : memref<!tpu.dma_semaphore, #tpu.memory_space<semaphore_mem>>)
      %slice3A_433 = vector.extract_strided_slice %get3A_214 {offsets = [10], sizes = [1], strides = [1]} : vector<16xi32> to vector<1xi32>
      %squeeze3A_434 = vector.extract %slice3A_433[0] : i32 from vector<1xi32>
      %mul3A_435 = arith.constant 16 : i32
      %mul3A_436 = arith.muli %scan3A_208, %mul3A_435 : i32
      %add3A_437 = arith.constant 10 : i32
      %add3A_438 = arith.addi %mul3A_436, %add3A_437 : i32
      %dma_start3A_439 = arith.constant 0 : i32
      %dma_start3A_440 = arith.constant 0 : i32
      %dma_start3A_441 = tpu.memref_slice %arg10[%scan3A_38, %dma_start3A_439, %dma_start3A_440] : memref<2x256x64xf32, #tpu.memory_space<vmem>> -> memref<1x256x64xf32, #tpu.memory_space<vmem>>
      %dma_start3A_442 = tpu.memref_squeeze %dma_start3A_441 : memref<1x256x64xf32, #tpu.memory_space<vmem>> -> memref<256x64xf32, #tpu.memory_space<vmem>>
      %dma_start3A_443 = arith.constant 0 : i32
      %dma_start3A_444 = tpu.memref_slice %dma_start3A_442[%add3A_438, %dma_start3A_443] : memref<256x64xf32, #tpu.memory_space<vmem>> -> memref<1x64xf32, #tpu.memory_space<vmem>>
      %dma_start3A_445 = arith.constant 0 : i32
      %dma_start3A_446 = tpu.memref_slice %arg4[%squeeze3A_434, %dma_start3A_445] : memref<1000000x64xf32, #tpu.memory_space<hbm>> -> memref<1x64xf32, #tpu.memory_space<hbm>>
      %dma_start3A_447 = arith.constant 0 : i32
      %dma_start3A_448 = arith.constant 0 : i32
      %dma_start3A_449 = tpu.memref_slice %arg10[%scan3A_38, %dma_start3A_447, %dma_start3A_448] : memref<2x256x64xf32, #tpu.memory_space<vmem>> -> memref<1x256x64xf32, #tpu.memory_space<vmem>>
      %dma_start3A_450 = tpu.memref_squeeze %dma_start3A_449 : memref<1x256x64xf32, #tpu.memory_space<vmem>> -> memref<256x64xf32, #tpu.memory_space<vmem>>
      %dma_start3A_451 = arith.constant 0 : i32
      %dma_start3A_452 = tpu.memref_slice %dma_start3A_450[%add3A_438, %dma_start3A_451] : memref<256x64xf32, #tpu.memory_space<vmem>> -> memref<1x64xf32, #tpu.memory_space<vmem>>
      %dma_start3A_453 = arith.constant 0 : i32
      %dma_start3A_454 = tpu.memref_slice %arg4[%squeeze3A_434, %dma_start3A_453] : memref<1000000x64xf32, #tpu.memory_space<hbm>> -> memref<1x64xf32, #tpu.memory_space<hbm>>
      tpu.enqueue_dma source(%dma_start3A_454 : memref<1x64xf32, #tpu.memory_space<hbm>>) target(%dma_start3A_452 : memref<1x64xf32, #tpu.memory_space<vmem>>) target_semaphore(%arg11 : memref<!tpu.dma_semaphore, #tpu.memory_space<semaphore_mem>>)
      %slice3A_455 = vector.extract_strided_slice %get3A_214 {offsets = [11], sizes = [1], strides = [1]} : vector<16xi32> to vector<1xi32>
      %squeeze3A_456 = vector.extract %slice3A_455[0] : i32 from vector<1xi32>
      %mul3A_457 = arith.constant 16 : i32
      %mul3A_458 = arith.muli %scan3A_208, %mul3A_457 : i32
      %add3A_459 = arith.constant 11 : i32
      %add3A_460 = arith.addi %mul3A_458, %add3A_459 : i32
      %dma_start3A_461 = arith.constant 0 : i32
      %dma_start3A_462 = arith.constant 0 : i32
      %dma_start3A_463 = tpu.memref_slice %arg10[%scan3A_38, %dma_start3A_461, %dma_start3A_462] : memref<2x256x64xf32, #tpu.memory_space<vmem>> -> memref<1x256x64xf32, #tpu.memory_space<vmem>>
      %dma_start3A_464 = tpu.memref_squeeze %dma_start3A_463 : memref<1x256x64xf32, #tpu.memory_space<vmem>> -> memref<256x64xf32, #tpu.memory_space<vmem>>
      %dma_start3A_465 = arith.constant 0 : i32
      %dma_start3A_466 = tpu.memref_slice %dma_start3A_464[%add3A_460, %dma_start3A_465] : memref<256x64xf32, #tpu.memory_space<vmem>> -> memref<1x64xf32, #tpu.memory_space<vmem>>
      %dma_start3A_467 = arith.constant 0 : i32
      %dma_start3A_468 = tpu.memref_slice %arg4[%squeeze3A_456, %dma_start3A_467] : memref<1000000x64xf32, #tpu.memory_space<hbm>> -> memref<1x64xf32, #tpu.memory_space<hbm>>
      %dma_start3A_469 = arith.constant 0 : i32
      %dma_start3A_470 = arith.constant 0 : i32
      %dma_start3A_471 = tpu.memref_slice %arg10[%scan3A_38, %dma_start3A_469, %dma_start3A_470] : memref<2x256x64xf32, #tpu.memory_space<vmem>> -> memref<1x256x64xf32, #tpu.memory_space<vmem>>
      %dma_start3A_472 = tpu.memref_squeeze %dma_start3A_471 : memref<1x256x64xf32, #tpu.memory_space<vmem>> -> memref<256x64xf32, #tpu.memory_space<vmem>>
      %dma_start3A_473 = arith.constant 0 : i32
      %dma_start3A_474 = tpu.memref_slice %dma_start3A_472[%add3A_460, %dma_start3A_473] : memref<256x64xf32, #tpu.memory_space<vmem>> -> memref<1x64xf32, #tpu.memory_space<vmem>>
      %dma_start3A_475 = arith.constant 0 : i32
      %dma_start3A_476 = tpu.memref_slice %arg4[%squeeze3A_456, %dma_start3A_475] : memref<1000000x64xf32, #tpu.memory_space<hbm>> -> memref<1x64xf32, #tpu.memory_space<hbm>>
      tpu.enqueue_dma source(%dma_start3A_476 : memref<1x64xf32, #tpu.memory_space<hbm>>) target(%dma_start3A_474 : memref<1x64xf32, #tpu.memory_space<vmem>>) target_semaphore(%arg11 : memref<!tpu.dma_semaphore, #tpu.memory_space<semaphore_mem>>)
      %slice3A_477 = vector.extract_strided_slice %get3A_214 {offsets = [12], sizes = [1], strides = [1]} : vector<16xi32> to vector<1xi32>
      %squeeze3A_478 = vector.extract %slice3A_477[0] : i32 from vector<1xi32>
      %mul3A_479 = arith.constant 16 : i32
      %mul3A_480 = arith.muli %scan3A_208, %mul3A_479 : i32
      %add3A_481 = arith.constant 12 : i32
      %add3A_482 = arith.addi %mul3A_480, %add3A_481 : i32
      %dma_start3A_483 = arith.constant 0 : i32
      %dma_start3A_484 = arith.constant 0 : i32
      %dma_start3A_485 = tpu.memref_slice %arg10[%scan3A_38, %dma_start3A_483, %dma_start3A_484] : memref<2x256x64xf32, #tpu.memory_space<vmem>> -> memref<1x256x64xf32, #tpu.memory_space<vmem>>
      %dma_start3A_486 = tpu.memref_squeeze %dma_start3A_485 : memref<1x256x64xf32, #tpu.memory_space<vmem>> -> memref<256x64xf32, #tpu.memory_space<vmem>>
      %dma_start3A_487 = arith.constant 0 : i32
      %dma_start3A_488 = tpu.memref_slice %dma_start3A_486[%add3A_482, %dma_start3A_487] : memref<256x64xf32, #tpu.memory_space<vmem>> -> memref<1x64xf32, #tpu.memory_space<vmem>>
      %dma_start3A_489 = arith.constant 0 : i32
      %dma_start3A_490 = tpu.memref_slice %arg4[%squeeze3A_478, %dma_start3A_489] : memref<1000000x64xf32, #tpu.memory_space<hbm>> -> memref<1x64xf32, #tpu.memory_space<hbm>>
      %dma_start3A_491 = arith.constant 0 : i32
      %dma_start3A_492 = arith.constant 0 : i32
      %dma_start3A_493 = tpu.memref_slice %arg10[%scan3A_38, %dma_start3A_491, %dma_start3A_492] : memref<2x256x64xf32, #tpu.memory_space<vmem>> -> memref<1x256x64xf32, #tpu.memory_space<vmem>>
      %dma_start3A_494 = tpu.memref_squeeze %dma_start3A_493 : memref<1x256x64xf32, #tpu.memory_space<vmem>> -> memref<256x64xf32, #tpu.memory_space<vmem>>
      %dma_start3A_495 = arith.constant 0 : i32
      %dma_start3A_496 = tpu.memref_slice %dma_start3A_494[%add3A_482, %dma_start3A_495] : memref<256x64xf32, #tpu.memory_space<vmem>> -> memref<1x64xf32, #tpu.memory_space<vmem>>
      %dma_start3A_497 = arith.constant 0 : i32
      %dma_start3A_498 = tpu.memref_slice %arg4[%squeeze3A_478, %dma_start3A_497] : memref<1000000x64xf32, #tpu.memory_space<hbm>> -> memref<1x64xf32, #tpu.memory_space<hbm>>
      tpu.enqueue_dma source(%dma_start3A_498 : memref<1x64xf32, #tpu.memory_space<hbm>>) target(%dma_start3A_496 : memref<1x64xf32, #tpu.memory_space<vmem>>) target_semaphore(%arg11 : memref<!tpu.dma_semaphore, #tpu.memory_space<semaphore_mem>>)
      %slice3A_499 = vector.extract_strided_slice %get3A_214 {offsets = [13], sizes = [1], strides = [1]} : vector<16xi32> to vector<1xi32>
      %squeeze3A_500 = vector.extract %slice3A_499[0] : i32 from vector<1xi32>
      %mul3A_501 = arith.constant 16 : i32
      %mul3A_502 = arith.muli %scan3A_208, %mul3A_501 : i32
      %add3A_503 = arith.constant 13 : i32
      %add3A_504 = arith.addi %mul3A_502, %add3A_503 : i32
      %dma_start3A_505 = arith.constant 0 : i32
      %dma_start3A_506 = arith.constant 0 : i32
      %dma_start3A_507 = tpu.memref_slice %arg10[%scan3A_38, %dma_start3A_505, %dma_start3A_506] : memref<2x256x64xf32, #tpu.memory_space<vmem>> -> memref<1x256x64xf32, #tpu.memory_space<vmem>>
      %dma_start3A_508 = tpu.memref_squeeze %dma_start3A_507 : memref<1x256x64xf32, #tpu.memory_space<vmem>> -> memref<256x64xf32, #tpu.memory_space<vmem>>
      %dma_start3A_509 = arith.constant 0 : i32
      %dma_start3A_510 = tpu.memref_slice %dma_start3A_508[%add3A_504, %dma_start3A_509] : memref<256x64xf32, #tpu.memory_space<vmem>> -> memref<1x64xf32, #tpu.memory_space<vmem>>
      %dma_start3A_511 = arith.constant 0 : i32
      %dma_start3A_512 = tpu.memref_slice %arg4[%squeeze3A_500, %dma_start3A_511] : memref<1000000x64xf32, #tpu.memory_space<hbm>> -> memref<1x64xf32, #tpu.memory_space<hbm>>
      %dma_start3A_513 = arith.constant 0 : i32
      %dma_start3A_514 = arith.constant 0 : i32
      %dma_start3A_515 = tpu.memref_slice %arg10[%scan3A_38, %dma_start3A_513, %dma_start3A_514] : memref<2x256x64xf32, #tpu.memory_space<vmem>> -> memref<1x256x64xf32, #tpu.memory_space<vmem>>
      %dma_start3A_516 = tpu.memref_squeeze %dma_start3A_515 : memref<1x256x64xf32, #tpu.memory_space<vmem>> -> memref<256x64xf32, #tpu.memory_space<vmem>>
      %dma_start3A_517 = arith.constant 0 : i32
      %dma_start3A_518 = tpu.memref_slice %dma_start3A_516[%add3A_504, %dma_start3A_517] : memref<256x64xf32, #tpu.memory_space<vmem>> -> memref<1x64xf32, #tpu.memory_space<vmem>>
      %dma_start3A_519 = arith.constant 0 : i32
      %dma_start3A_520 = tpu.memref_slice %arg4[%squeeze3A_500, %dma_start3A_519] : memref<1000000x64xf32, #tpu.memory_space<hbm>> -> memref<1x64xf32, #tpu.memory_space<hbm>>
      tpu.enqueue_dma source(%dma_start3A_520 : memref<1x64xf32, #tpu.memory_space<hbm>>) target(%dma_start3A_518 : memref<1x64xf32, #tpu.memory_space<vmem>>) target_semaphore(%arg11 : memref<!tpu.dma_semaphore, #tpu.memory_space<semaphore_mem>>)
      %slice3A_521 = vector.extract_strided_slice %get3A_214 {offsets = [14], sizes = [1], strides = [1]} : vector<16xi32> to vector<1xi32>
      %squeeze3A_522 = vector.extract %slice3A_521[0] : i32 from vector<1xi32>
      %mul3A_523 = arith.constant 16 : i32
      %mul3A_524 = arith.muli %scan3A_208, %mul3A_523 : i32
      %add3A_525 = arith.constant 14 : i32
      %add3A_526 = arith.addi %mul3A_524, %add3A_525 : i32
      %dma_start3A_527 = arith.constant 0 : i32
      %dma_start3A_528 = arith.constant 0 : i32
      %dma_start3A_529 = tpu.memref_slice %arg10[%scan3A_38, %dma_start3A_527, %dma_start3A_528] : memref<2x256x64xf32, #tpu.memory_space<vmem>> -> memref<1x256x64xf32, #tpu.memory_space<vmem>>
      %dma_start3A_530 = tpu.memref_squeeze %dma_start3A_529 : memref<1x256x64xf32, #tpu.memory_space<vmem>> -> memref<256x64xf32, #tpu.memory_space<vmem>>
      %dma_start3A_531 = arith.constant 0 : i32
      %dma_start3A_532 = tpu.memref_slice %dma_start3A_530[%add3A_526, %dma_start3A_531] : memref<256x64xf32, #tpu.memory_space<vmem>> -> memref<1x64xf32, #tpu.memory_space<vmem>>
      %dma_start3A_533 = arith.constant 0 : i32
      %dma_start3A_534 = tpu.memref_slice %arg4[%squeeze3A_522, %dma_start3A_533] : memref<1000000x64xf32, #tpu.memory_space<hbm>> -> memref<1x64xf32, #tpu.memory_space<hbm>>
      %dma_start3A_535 = arith.constant 0 : i32
      %dma_start3A_536 = arith.constant 0 : i32
      %dma_start3A_537 = tpu.memref_slice %arg10[%scan3A_38, %dma_start3A_535, %dma_start3A_536] : memref<2x256x64xf32, #tpu.memory_space<vmem>> -> memref<1x256x64xf32, #tpu.memory_space<vmem>>
      %dma_start3A_538 = tpu.memref_squeeze %dma_start3A_537 : memref<1x256x64xf32, #tpu.memory_space<vmem>> -> memref<256x64xf32, #tpu.memory_space<vmem>>
      %dma_start3A_539 = arith.constant 0 : i32
      %dma_start3A_540 = tpu.memref_slice %dma_start3A_538[%add3A_526, %dma_start3A_539] : memref<256x64xf32, #tpu.memory_space<vmem>> -> memref<1x64xf32, #tpu.memory_space<vmem>>
      %dma_start3A_541 = arith.constant 0 : i32
      %dma_start3A_542 = tpu.memref_slice %arg4[%squeeze3A_522, %dma_start3A_541] : memref<1000000x64xf32, #tpu.memory_space<hbm>> -> memref<1x64xf32, #tpu.memory_space<hbm>>
      tpu.enqueue_dma source(%dma_start3A_542 : memref<1x64xf32, #tpu.memory_space<hbm>>) target(%dma_start3A_540 : memref<1x64xf32, #tpu.memory_space<vmem>>) target_semaphore(%arg11 : memref<!tpu.dma_semaphore, #tpu.memory_space<semaphore_mem>>)
      %slice3A_543 = vector.extract_strided_slice %get3A_214 {offsets = [15], sizes = [1], strides = [1]} : vector<16xi32> to vector<1xi32>
      %squeeze3A_544 = vector.extract %slice3A_543[0] : i32 from vector<1xi32>
      %mul3A_545 = arith.constant 16 : i32
      %mul3A_546 = arith.muli %scan3A_208, %mul3A_545 : i32
      %add3A_547 = arith.constant 15 : i32
      %add3A_548 = arith.addi %mul3A_546, %add3A_547 : i32
      %dma_start3A_549 = arith.constant 0 : i32
      %dma_start3A_550 = arith.constant 0 : i32
      %dma_start3A_551 = tpu.memref_slice %arg10[%scan3A_38, %dma_start3A_549, %dma_start3A_550] : memref<2x256x64xf32, #tpu.memory_space<vmem>> -> memref<1x256x64xf32, #tpu.memory_space<vmem>>
      %dma_start3A_552 = tpu.memref_squeeze %dma_start3A_551 : memref<1x256x64xf32, #tpu.memory_space<vmem>> -> memref<256x64xf32, #tpu.memory_space<vmem>>
      %dma_start3A_553 = arith.constant 0 : i32
      %dma_start3A_554 = tpu.memref_slice %dma_start3A_552[%add3A_548, %dma_start3A_553] : memref<256x64xf32, #tpu.memory_space<vmem>> -> memref<1x64xf32, #tpu.memory_space<vmem>>
      %dma_start3A_555 = arith.constant 0 : i32
      %dma_start3A_556 = tpu.memref_slice %arg4[%squeeze3A_544, %dma_start3A_555] : memref<1000000x64xf32, #tpu.memory_space<hbm>> -> memref<1x64xf32, #tpu.memory_space<hbm>>
      %dma_start3A_557 = arith.constant 0 : i32
      %dma_start3A_558 = arith.constant 0 : i32
      %dma_start3A_559 = tpu.memref_slice %arg10[%scan3A_38, %dma_start3A_557, %dma_start3A_558] : memref<2x256x64xf32, #tpu.memory_space<vmem>> -> memref<1x256x64xf32, #tpu.memory_space<vmem>>
      %dma_start3A_560 = tpu.memref_squeeze %dma_start3A_559 : memref<1x256x64xf32, #tpu.memory_space<vmem>> -> memref<256x64xf32, #tpu.memory_space<vmem>>
      %dma_start3A_561 = arith.constant 0 : i32
      %dma_start3A_562 = tpu.memref_slice %dma_start3A_560[%add3A_548, %dma_start3A_561] : memref<256x64xf32, #tpu.memory_space<vmem>> -> memref<1x64xf32, #tpu.memory_space<vmem>>
      %dma_start3A_563 = arith.constant 0 : i32
      %dma_start3A_564 = tpu.memref_slice %arg4[%squeeze3A_544, %dma_start3A_563] : memref<1000000x64xf32, #tpu.memory_space<hbm>> -> memref<1x64xf32, #tpu.memory_space<hbm>>
      tpu.enqueue_dma source(%dma_start3A_564 : memref<1x64xf32, #tpu.memory_space<hbm>>) target(%dma_start3A_562 : memref<1x64xf32, #tpu.memory_space<vmem>>) target_semaphore(%arg11 : memref<!tpu.dma_semaphore, #tpu.memory_space<semaphore_mem>>)
    }
    %scan3A_43 = arith.constant 16 : i32
    %dma_wait3A_44 = arith.constant 1 : i32
    %dma_wait3A_45 = arith.constant 0 : i32
    %dma_wait3A_46 = arith.constant 0 : i32
    %dma_wait3A_47 = tpu.memref_slice %arg10[%dma_wait3A_44, %dma_wait3A_45, %dma_wait3A_46] : memref<2x256x64xf32, #tpu.memory_space<vmem>> -> memref<1x256x64xf32, #tpu.memory_space<vmem>>
    %dma_wait3A_48 = tpu.memref_squeeze %dma_wait3A_47 : memref<1x256x64xf32, #tpu.memory_space<vmem>> -> memref<256x64xf32, #tpu.memory_space<vmem>>
    %dma_wait3A_49 = arith.constant 0 : i32
    %dma_wait3A_50 = arith.constant 0 : i32
    %dma_wait3A_51 = tpu.memref_slice %arg4[%dma_wait3A_49, %dma_wait3A_50] : memref<1000000x64xf32, #tpu.memory_space<hbm>> -> memref<256x64xf32, #tpu.memory_space<hbm>>
    %dma_wait3A_52 = arith.constant 0 : i32
    %dma_wait3A_53 = arith.constant 0 : i32
    %dma_wait3A_54 = tpu.memref_slice %arg10[%dma_wait3A_44, %dma_wait3A_52, %dma_wait3A_53] : memref<2x256x64xf32, #tpu.memory_space<vmem>> -> memref<1x256x64xf32, #tpu.memory_space<vmem>>
    %dma_wait3A_55 = tpu.memref_squeeze %dma_wait3A_54 : memref<1x256x64xf32, #tpu.memory_space<vmem>> -> memref<256x64xf32, #tpu.memory_space<vmem>>
    %dma_wait3A_56 = arith.constant 0 : i32
    %dma_wait3A_57 = arith.constant 0 : i32
    %dma_wait3A_58 = tpu.memref_slice %arg4[%dma_wait3A_56, %dma_wait3A_57] : memref<1000000x64xf32, #tpu.memory_space<hbm>> -> memref<256x64xf32, #tpu.memory_space<hbm>>
    tpu.wait_dma2 semaphore(%arg11 : memref<!tpu.dma_semaphore, #tpu.memory_space<semaphore_mem>>) src(%dma_wait3A_58 : memref<256x64xf32, #tpu.memory_space<hbm>>) dst(%dma_wait3A_55 : memref<256x64xf32, #tpu.memory_space<vmem>>)
    %add3A_59 = arith.constant 256 : i32
    %add3A_60 = arith.addi %mul3A_2, %add3A_59 : i32
    %dma_start3A_61 = arith.constant 1 : i32
    %dma_start3A_62 = arith.constant 0 : i32
    %dma_start3A_63 = arith.constant 0 : i32
    %dma_start3A_64 = tpu.memref_slice %arg10[%dma_start3A_61, %dma_start3A_62, %dma_start3A_63] : memref<2x256x64xf32, #tpu.memory_space<vmem>> -> memref<1x256x64xf32, #tpu.memory_space<vmem>>
    %dma_start3A_65 = tpu.memref_squeeze %dma_start3A_64 : memref<1x256x64xf32, #tpu.memory_space<vmem>> -> memref<256x64xf32, #tpu.memory_space<vmem>>
    %dma_start3A_66 = arith.constant 0 : i32
    %dma_start3A_67 = tpu.memref_slice %arg6[%add3A_60, %dma_start3A_66] : memref<16384x64xf32, #tpu.memory_space<hbm>> -> memref<256x64xf32, #tpu.memory_space<hbm>>
    %dma_start3A_68 = arith.constant 0 : i32
    %dma_start3A_69 = tpu.memref_slice %arg6[%add3A_60, %dma_start3A_68] : memref<16384x64xf32, #tpu.memory_space<hbm>> -> memref<256x64xf32, #tpu.memory_space<hbm>>
    %dma_start3A_70 = arith.constant 0 : i32
    %dma_start3A_71 = arith.constant 0 : i32
    %dma_start3A_72 = tpu.memref_slice %arg10[%dma_start3A_61, %dma_start3A_70, %dma_start3A_71] : memref<2x256x64xf32, #tpu.memory_space<vmem>> -> memref<1x256x64xf32, #tpu.memory_space<vmem>>
    %dma_start3A_73 = tpu.memref_squeeze %dma_start3A_72 : memref<1x256x64xf32, #tpu.memory_space<vmem>> -> memref<256x64xf32, #tpu.memory_space<vmem>>
    tpu.enqueue_dma source(%dma_start3A_73 : memref<256x64xf32, #tpu.memory_space<vmem>>) target(%dma_start3A_69 : memref<256x64xf32, #tpu.memory_space<hbm>>) target_semaphore(%arg12 : memref<!tpu.dma_semaphore, #tpu.memory_space<semaphore_mem>>)
    %dma_wait3A_74 = arith.constant 0 : i32
    %dma_wait3A_75 = arith.constant 0 : i32
    %dma_wait3A_76 = arith.constant 0 : i32
    %dma_wait3A_77 = tpu.memref_slice %arg10[%dma_wait3A_74, %dma_wait3A_75, %dma_wait3A_76] : memref<2x256x64xf32, #tpu.memory_space<vmem>> -> memref<1x256x64xf32, #tpu.memory_space<vmem>>
    %dma_wait3A_78 = tpu.memref_squeeze %dma_wait3A_77 : memref<1x256x64xf32, #tpu.memory_space<vmem>> -> memref<256x64xf32, #tpu.memory_space<vmem>>
    %dma_wait3A_79 = arith.constant 0 : i32
    %dma_wait3A_80 = arith.constant 0 : i32
    %dma_wait3A_81 = tpu.memref_slice %arg7[%dma_wait3A_79, %dma_wait3A_80] : memref<16384x64xf32, #tpu.memory_space<hbm>> -> memref<256x64xf32, #tpu.memory_space<hbm>>
    %dma_wait3A_82 = arith.constant 0 : i32
    %dma_wait3A_83 = arith.constant 0 : i32
    %dma_wait3A_84 = tpu.memref_slice %arg10[%dma_wait3A_74, %dma_wait3A_82, %dma_wait3A_83] : memref<2x256x64xf32, #tpu.memory_space<vmem>> -> memref<1x256x64xf32, #tpu.memory_space<vmem>>
    %dma_wait3A_85 = tpu.memref_squeeze %dma_wait3A_84 : memref<1x256x64xf32, #tpu.memory_space<vmem>> -> memref<256x64xf32, #tpu.memory_space<vmem>>
    %dma_wait3A_86 = arith.constant 0 : i32
    %dma_wait3A_87 = arith.constant 0 : i32
    %dma_wait3A_88 = tpu.memref_slice %arg7[%dma_wait3A_86, %dma_wait3A_87] : memref<16384x64xf32, #tpu.memory_space<hbm>> -> memref<256x64xf32, #tpu.memory_space<hbm>>
    tpu.wait_dma2 semaphore(%arg12 : memref<!tpu.dma_semaphore, #tpu.memory_space<semaphore_mem>>) src(%dma_wait3A_88 : memref<256x64xf32, #tpu.memory_space<hbm>>) dst(%dma_wait3A_85 : memref<256x64xf32, #tpu.memory_space<vmem>>)
    %scan3A_89 = arith.constant 0 : i32
    %scan3A_90 = arith.constant 0 : i32
    %scan3A_91 = arith.constant 0 : i32
    %scan3A_92 = arith.constant 16 : i32
    %scan3A_93 = arith.addi %scan3A_91, %scan3A_92 : i32
    %scan3A_94 = arith.constant 1 : i32
    scf.for %scan3A_208 = %scan3A_91 to %scan3A_93 step %scan3A_94  : i32 {
      %mul3A_209 = arith.constant 16 : i32
      %mul3A_210 = arith.muli %scan3A_208, %mul3A_209 : i32
      %add3A_211 = arith.constant 0 : i32
      %add3A_212 = arith.addi %add3A_211, %mul3A_210 : i32
      %get3A = arith.index_cast %add3A_212 : i32 to index
      %get3A_213 = tpu.vector_load %arg9[%get3A] {strides = array<i32>} : memref<512xi32, #tpu.memory_space<vmem>>, vector<16xi32>,
      %get3A_214 = vector.shape_cast %get3A_213 : vector<16xi32> to vector<16xi32>
      %slice3A = vector.extract_strided_slice %get3A_214 {offsets = [0], sizes = [1], strides = [1]} : vector<16xi32> to vector<1xi32>
      %squeeze3A = vector.extract %slice3A[0] : i32 from vector<1xi32>
      %mul3A_215 = arith.constant 16 : i32
      %mul3A_216 = arith.muli %scan3A_208, %mul3A_215 : i32
      %add3A_217 = arith.constant 0 : i32
      %add3A_218 = arith.addi %mul3A_216, %add3A_217 : i32
      %dma_start3A_219 = arith.constant 0 : i32
      %dma_start3A_220 = arith.constant 0 : i32
      %dma_start3A_221 = tpu.memref_slice %arg10[%scan3A_90, %dma_start3A_219, %dma_start3A_220] : memref<2x256x64xf32, #tpu.memory_space<vmem>> -> memref<1x256x64xf32, #tpu.memory_space<vmem>>
      %dma_start3A_222 = tpu.memref_squeeze %dma_start3A_221 : memref<1x256x64xf32, #tpu.memory_space<vmem>> -> memref<256x64xf32, #tpu.memory_space<vmem>>
      %dma_start3A_223 = arith.constant 0 : i32
      %dma_start3A_224 = tpu.memref_slice %dma_start3A_222[%add3A_218, %dma_start3A_223] : memref<256x64xf32, #tpu.memory_space<vmem>> -> memref<1x64xf32, #tpu.memory_space<vmem>>
      %dma_start3A_225 = arith.constant 0 : i32
      %dma_start3A_226 = tpu.memref_slice %arg5[%squeeze3A, %dma_start3A_225] : memref<100000x64xf32, #tpu.memory_space<hbm>> -> memref<1x64xf32, #tpu.memory_space<hbm>>
      %dma_start3A_227 = arith.constant 0 : i32
      %dma_start3A_228 = arith.constant 0 : i32
      %dma_start3A_229 = tpu.memref_slice %arg10[%scan3A_90, %dma_start3A_227, %dma_start3A_228] : memref<2x256x64xf32, #tpu.memory_space<vmem>> -> memref<1x256x64xf32, #tpu.memory_space<vmem>>
      %dma_start3A_230 = tpu.memref_squeeze %dma_start3A_229 : memref<1x256x64xf32, #tpu.memory_space<vmem>> -> memref<256x64xf32, #tpu.memory_space<vmem>>
      %dma_start3A_231 = arith.constant 0 : i32
      %dma_start3A_232 = tpu.memref_slice %dma_start3A_230[%add3A_218, %dma_start3A_231] : memref<256x64xf32, #tpu.memory_space<vmem>> -> memref<1x64xf32, #tpu.memory_space<vmem>>
      %dma_start3A_233 = arith.constant 0 : i32
      %dma_start3A_234 = tpu.memref_slice %arg5[%squeeze3A, %dma_start3A_233] : memref<100000x64xf32, #tpu.memory_space<hbm>> -> memref<1x64xf32, #tpu.memory_space<hbm>>
      tpu.enqueue_dma source(%dma_start3A_234 : memref<1x64xf32, #tpu.memory_space<hbm>>) target(%dma_start3A_232 : memref<1x64xf32, #tpu.memory_space<vmem>>) target_semaphore(%arg11 : memref<!tpu.dma_semaphore, #tpu.memory_space<semaphore_mem>>)
      %slice3A_235 = vector.extract_strided_slice %get3A_214 {offsets = [1], sizes = [1], strides = [1]} : vector<16xi32> to vector<1xi32>
      %squeeze3A_236 = vector.extract %slice3A_235[0] : i32 from vector<1xi32>
      %mul3A_237 = arith.constant 16 : i32
      %mul3A_238 = arith.muli %scan3A_208, %mul3A_237 : i32
      %add3A_239 = arith.constant 1 : i32
      %add3A_240 = arith.addi %mul3A_238, %add3A_239 : i32
      %dma_start3A_241 = arith.constant 0 : i32
      %dma_start3A_242 = arith.constant 0 : i32
      %dma_start3A_243 = tpu.memref_slice %arg10[%scan3A_90, %dma_start3A_241, %dma_start3A_242] : memref<2x256x64xf32, #tpu.memory_space<vmem>> -> memref<1x256x64xf32, #tpu.memory_space<vmem>>
      %dma_start3A_244 = tpu.memref_squeeze %dma_start3A_243 : memref<1x256x64xf32, #tpu.memory_space<vmem>> -> memref<256x64xf32, #tpu.memory_space<vmem>>
      %dma_start3A_245 = arith.constant 0 : i32
      %dma_start3A_246 = tpu.memref_slice %dma_start3A_244[%add3A_240, %dma_start3A_245] : memref<256x64xf32, #tpu.memory_space<vmem>> -> memref<1x64xf32, #tpu.memory_space<vmem>>
      %dma_start3A_247 = arith.constant 0 : i32
      %dma_start3A_248 = tpu.memref_slice %arg5[%squeeze3A_236, %dma_start3A_247] : memref<100000x64xf32, #tpu.memory_space<hbm>> -> memref<1x64xf32, #tpu.memory_space<hbm>>
      %dma_start3A_249 = arith.constant 0 : i32
      %dma_start3A_250 = arith.constant 0 : i32
      %dma_start3A_251 = tpu.memref_slice %arg10[%scan3A_90, %dma_start3A_249, %dma_start3A_250] : memref<2x256x64xf32, #tpu.memory_space<vmem>> -> memref<1x256x64xf32, #tpu.memory_space<vmem>>
      %dma_start3A_252 = tpu.memref_squeeze %dma_start3A_251 : memref<1x256x64xf32, #tpu.memory_space<vmem>> -> memref<256x64xf32, #tpu.memory_space<vmem>>
      %dma_start3A_253 = arith.constant 0 : i32
      %dma_start3A_254 = tpu.memref_slice %dma_start3A_252[%add3A_240, %dma_start3A_253] : memref<256x64xf32, #tpu.memory_space<vmem>> -> memref<1x64xf32, #tpu.memory_space<vmem>>
      %dma_start3A_255 = arith.constant 0 : i32
      %dma_start3A_256 = tpu.memref_slice %arg5[%squeeze3A_236, %dma_start3A_255] : memref<100000x64xf32, #tpu.memory_space<hbm>> -> memref<1x64xf32, #tpu.memory_space<hbm>>
      tpu.enqueue_dma source(%dma_start3A_256 : memref<1x64xf32, #tpu.memory_space<hbm>>) target(%dma_start3A_254 : memref<1x64xf32, #tpu.memory_space<vmem>>) target_semaphore(%arg11 : memref<!tpu.dma_semaphore, #tpu.memory_space<semaphore_mem>>)
      %slice3A_257 = vector.extract_strided_slice %get3A_214 {offsets = [2], sizes = [1], strides = [1]} : vector<16xi32> to vector<1xi32>
      %squeeze3A_258 = vector.extract %slice3A_257[0] : i32 from vector<1xi32>
      %mul3A_259 = arith.constant 16 : i32
      %mul3A_260 = arith.muli %scan3A_208, %mul3A_259 : i32
      %add3A_261 = arith.constant 2 : i32
      %add3A_262 = arith.addi %mul3A_260, %add3A_261 : i32
      %dma_start3A_263 = arith.constant 0 : i32
      %dma_start3A_264 = arith.constant 0 : i32
      %dma_start3A_265 = tpu.memref_slice %arg10[%scan3A_90, %dma_start3A_263, %dma_start3A_264] : memref<2x256x64xf32, #tpu.memory_space<vmem>> -> memref<1x256x64xf32, #tpu.memory_space<vmem>>
      %dma_start3A_266 = tpu.memref_squeeze %dma_start3A_265 : memref<1x256x64xf32, #tpu.memory_space<vmem>> -> memref<256x64xf32, #tpu.memory_space<vmem>>
      %dma_start3A_267 = arith.constant 0 : i32
      %dma_start3A_268 = tpu.memref_slice %dma_start3A_266[%add3A_262, %dma_start3A_267] : memref<256x64xf32, #tpu.memory_space<vmem>> -> memref<1x64xf32, #tpu.memory_space<vmem>>
      %dma_start3A_269 = arith.constant 0 : i32
      %dma_start3A_270 = tpu.memref_slice %arg5[%squeeze3A_258, %dma_start3A_269] : memref<100000x64xf32, #tpu.memory_space<hbm>> -> memref<1x64xf32, #tpu.memory_space<hbm>>
      %dma_start3A_271 = arith.constant 0 : i32
      %dma_start3A_272 = arith.constant 0 : i32
      %dma_start3A_273 = tpu.memref_slice %arg10[%scan3A_90, %dma_start3A_271, %dma_start3A_272] : memref<2x256x64xf32, #tpu.memory_space<vmem>> -> memref<1x256x64xf32, #tpu.memory_space<vmem>>
      %dma_start3A_274 = tpu.memref_squeeze %dma_start3A_273 : memref<1x256x64xf32, #tpu.memory_space<vmem>> -> memref<256x64xf32, #tpu.memory_space<vmem>>
      %dma_start3A_275 = arith.constant 0 : i32
      %dma_start3A_276 = tpu.memref_slice %dma_start3A_274[%add3A_262, %dma_start3A_275] : memref<256x64xf32, #tpu.memory_space<vmem>> -> memref<1x64xf32, #tpu.memory_space<vmem>>
      %dma_start3A_277 = arith.constant 0 : i32
      %dma_start3A_278 = tpu.memref_slice %arg5[%squeeze3A_258, %dma_start3A_277] : memref<100000x64xf32, #tpu.memory_space<hbm>> -> memref<1x64xf32, #tpu.memory_space<hbm>>
      tpu.enqueue_dma source(%dma_start3A_278 : memref<1x64xf32, #tpu.memory_space<hbm>>) target(%dma_start3A_276 : memref<1x64xf32, #tpu.memory_space<vmem>>) target_semaphore(%arg11 : memref<!tpu.dma_semaphore, #tpu.memory_space<semaphore_mem>>)
      %slice3A_279 = vector.extract_strided_slice %get3A_214 {offsets = [3], sizes = [1], strides = [1]} : vector<16xi32> to vector<1xi32>
      %squeeze3A_280 = vector.extract %slice3A_279[0] : i32 from vector<1xi32>
      %mul3A_281 = arith.constant 16 : i32
      %mul3A_282 = arith.muli %scan3A_208, %mul3A_281 : i32
      %add3A_283 = arith.constant 3 : i32
      %add3A_284 = arith.addi %mul3A_282, %add3A_283 : i32
      %dma_start3A_285 = arith.constant 0 : i32
      %dma_start3A_286 = arith.constant 0 : i32
      %dma_start3A_287 = tpu.memref_slice %arg10[%scan3A_90, %dma_start3A_285, %dma_start3A_286] : memref<2x256x64xf32, #tpu.memory_space<vmem>> -> memref<1x256x64xf32, #tpu.memory_space<vmem>>
      %dma_start3A_288 = tpu.memref_squeeze %dma_start3A_287 : memref<1x256x64xf32, #tpu.memory_space<vmem>> -> memref<256x64xf32, #tpu.memory_space<vmem>>
      %dma_start3A_289 = arith.constant 0 : i32
      %dma_start3A_290 = tpu.memref_slice %dma_start3A_288[%add3A_284, %dma_start3A_289] : memref<256x64xf32, #tpu.memory_space<vmem>> -> memref<1x64xf32, #tpu.memory_space<vmem>>
      %dma_start3A_291 = arith.constant 0 : i32
      %dma_start3A_292 = tpu.memref_slice %arg5[%squeeze3A_280, %dma_start3A_291] : memref<100000x64xf32, #tpu.memory_space<hbm>> -> memref<1x64xf32, #tpu.memory_space<hbm>>
      %dma_start3A_293 = arith.constant 0 : i32
      %dma_start3A_294 = arith.constant 0 : i32
      %dma_start3A_295 = tpu.memref_slice %arg10[%scan3A_90, %dma_start3A_293, %dma_start3A_294] : memref<2x256x64xf32, #tpu.memory_space<vmem>> -> memref<1x256x64xf32, #tpu.memory_space<vmem>>
      %dma_start3A_296 = tpu.memref_squeeze %dma_start3A_295 : memref<1x256x64xf32, #tpu.memory_space<vmem>> -> memref<256x64xf32, #tpu.memory_space<vmem>>
      %dma_start3A_297 = arith.constant 0 : i32
      %dma_start3A_298 = tpu.memref_slice %dma_start3A_296[%add3A_284, %dma_start3A_297] : memref<256x64xf32, #tpu.memory_space<vmem>> -> memref<1x64xf32, #tpu.memory_space<vmem>>
      %dma_start3A_299 = arith.constant 0 : i32
      %dma_start3A_300 = tpu.memref_slice %arg5[%squeeze3A_280, %dma_start3A_299] : memref<100000x64xf32, #tpu.memory_space<hbm>> -> memref<1x64xf32, #tpu.memory_space<hbm>>
      tpu.enqueue_dma source(%dma_start3A_300 : memref<1x64xf32, #tpu.memory_space<hbm>>) target(%dma_start3A_298 : memref<1x64xf32, #tpu.memory_space<vmem>>) target_semaphore(%arg11 : memref<!tpu.dma_semaphore, #tpu.memory_space<semaphore_mem>>)
      %slice3A_301 = vector.extract_strided_slice %get3A_214 {offsets = [4], sizes = [1], strides = [1]} : vector<16xi32> to vector<1xi32>
      %squeeze3A_302 = vector.extract %slice3A_301[0] : i32 from vector<1xi32>
      %mul3A_303 = arith.constant 16 : i32
      %mul3A_304 = arith.muli %scan3A_208, %mul3A_303 : i32
      %add3A_305 = arith.constant 4 : i32
      %add3A_306 = arith.addi %mul3A_304, %add3A_305 : i32
      %dma_start3A_307 = arith.constant 0 : i32
      %dma_start3A_308 = arith.constant 0 : i32
      %dma_start3A_309 = tpu.memref_slice %arg10[%scan3A_90, %dma_start3A_307, %dma_start3A_308] : memref<2x256x64xf32, #tpu.memory_space<vmem>> -> memref<1x256x64xf32, #tpu.memory_space<vmem>>
      %dma_start3A_310 = tpu.memref_squeeze %dma_start3A_309 : memref<1x256x64xf32, #tpu.memory_space<vmem>> -> memref<256x64xf32, #tpu.memory_space<vmem>>
      %dma_start3A_311 = arith.constant 0 : i32
      %dma_start3A_312 = tpu.memref_slice %dma_start3A_310[%add3A_306, %dma_start3A_311] : memref<256x64xf32, #tpu.memory_space<vmem>> -> memref<1x64xf32, #tpu.memory_space<vmem>>
      %dma_start3A_313 = arith.constant 0 : i32
      %dma_start3A_314 = tpu.memref_slice %arg5[%squeeze3A_302, %dma_start3A_313] : memref<100000x64xf32, #tpu.memory_space<hbm>> -> memref<1x64xf32, #tpu.memory_space<hbm>>
      %dma_start3A_315 = arith.constant 0 : i32
      %dma_start3A_316 = arith.constant 0 : i32
      %dma_start3A_317 = tpu.memref_slice %arg10[%scan3A_90, %dma_start3A_315, %dma_start3A_316] : memref<2x256x64xf32, #tpu.memory_space<vmem>> -> memref<1x256x64xf32, #tpu.memory_space<vmem>>
      %dma_start3A_318 = tpu.memref_squeeze %dma_start3A_317 : memref<1x256x64xf32, #tpu.memory_space<vmem>> -> memref<256x64xf32, #tpu.memory_space<vmem>>
      %dma_start3A_319 = arith.constant 0 : i32
      %dma_start3A_320 = tpu.memref_slice %dma_start3A_318[%add3A_306, %dma_start3A_319] : memref<256x64xf32, #tpu.memory_space<vmem>> -> memref<1x64xf32, #tpu.memory_space<vmem>>
      %dma_start3A_321 = arith.constant 0 : i32
      %dma_start3A_322 = tpu.memref_slice %arg5[%squeeze3A_302, %dma_start3A_321] : memref<100000x64xf32, #tpu.memory_space<hbm>> -> memref<1x64xf32, #tpu.memory_space<hbm>>
      tpu.enqueue_dma source(%dma_start3A_322 : memref<1x64xf32, #tpu.memory_space<hbm>>) target(%dma_start3A_320 : memref<1x64xf32, #tpu.memory_space<vmem>>) target_semaphore(%arg11 : memref<!tpu.dma_semaphore, #tpu.memory_space<semaphore_mem>>)
      %slice3A_323 = vector.extract_strided_slice %get3A_214 {offsets = [5], sizes = [1], strides = [1]} : vector<16xi32> to vector<1xi32>
      %squeeze3A_324 = vector.extract %slice3A_323[0] : i32 from vector<1xi32>
      %mul3A_325 = arith.constant 16 : i32
      %mul3A_326 = arith.muli %scan3A_208, %mul3A_325 : i32
      %add3A_327 = arith.constant 5 : i32
      %add3A_328 = arith.addi %mul3A_326, %add3A_327 : i32
      %dma_start3A_329 = arith.constant 0 : i32
      %dma_start3A_330 = arith.constant 0 : i32
      %dma_start3A_331 = tpu.memref_slice %arg10[%scan3A_90, %dma_start3A_329, %dma_start3A_330] : memref<2x256x64xf32, #tpu.memory_space<vmem>> -> memref<1x256x64xf32, #tpu.memory_space<vmem>>
      %dma_start3A_332 = tpu.memref_squeeze %dma_start3A_331 : memref<1x256x64xf32, #tpu.memory_space<vmem>> -> memref<256x64xf32, #tpu.memory_space<vmem>>
      %dma_start3A_333 = arith.constant 0 : i32
      %dma_start3A_334 = tpu.memref_slice %dma_start3A_332[%add3A_328, %dma_start3A_333] : memref<256x64xf32, #tpu.memory_space<vmem>> -> memref<1x64xf32, #tpu.memory_space<vmem>>
      %dma_start3A_335 = arith.constant 0 : i32
      %dma_start3A_336 = tpu.memref_slice %arg5[%squeeze3A_324, %dma_start3A_335] : memref<100000x64xf32, #tpu.memory_space<hbm>> -> memref<1x64xf32, #tpu.memory_space<hbm>>
      %dma_start3A_337 = arith.constant 0 : i32
      %dma_start3A_338 = arith.constant 0 : i32
      %dma_start3A_339 = tpu.memref_slice %arg10[%scan3A_90, %dma_start3A_337, %dma_start3A_338] : memref<2x256x64xf32, #tpu.memory_space<vmem>> -> memref<1x256x64xf32, #tpu.memory_space<vmem>>
      %dma_start3A_340 = tpu.memref_squeeze %dma_start3A_339 : memref<1x256x64xf32, #tpu.memory_space<vmem>> -> memref<256x64xf32, #tpu.memory_space<vmem>>
      %dma_start3A_341 = arith.constant 0 : i32
      %dma_start3A_342 = tpu.memref_slice %dma_start3A_340[%add3A_328, %dma_start3A_341] : memref<256x64xf32, #tpu.memory_space<vmem>> -> memref<1x64xf32, #tpu.memory_space<vmem>>
      %dma_start3A_343 = arith.constant 0 : i32
      %dma_start3A_344 = tpu.memref_slice %arg5[%squeeze3A_324, %dma_start3A_343] : memref<100000x64xf32, #tpu.memory_space<hbm>> -> memref<1x64xf32, #tpu.memory_space<hbm>>
      tpu.enqueue_dma source(%dma_start3A_344 : memref<1x64xf32, #tpu.memory_space<hbm>>) target(%dma_start3A_342 : memref<1x64xf32, #tpu.memory_space<vmem>>) target_semaphore(%arg11 : memref<!tpu.dma_semaphore, #tpu.memory_space<semaphore_mem>>)
      %slice3A_345 = vector.extract_strided_slice %get3A_214 {offsets = [6], sizes = [1], strides = [1]} : vector<16xi32> to vector<1xi32>
      %squeeze3A_346 = vector.extract %slice3A_345[0] : i32 from vector<1xi32>
      %mul3A_347 = arith.constant 16 : i32
      %mul3A_348 = arith.muli %scan3A_208, %mul3A_347 : i32
      %add3A_349 = arith.constant 6 : i32
      %add3A_350 = arith.addi %mul3A_348, %add3A_349 : i32
      %dma_start3A_351 = arith.constant 0 : i32
      %dma_start3A_352 = arith.constant 0 : i32
      %dma_start3A_353 = tpu.memref_slice %arg10[%scan3A_90, %dma_start3A_351, %dma_start3A_352] : memref<2x256x64xf32, #tpu.memory_space<vmem>> -> memref<1x256x64xf32, #tpu.memory_space<vmem>>
      %dma_start3A_354 = tpu.memref_squeeze %dma_start3A_353 : memref<1x256x64xf32, #tpu.memory_space<vmem>> -> memref<256x64xf32, #tpu.memory_space<vmem>>
      %dma_start3A_355 = arith.constant 0 : i32
      %dma_start3A_356 = tpu.memref_slice %dma_start3A_354[%add3A_350, %dma_start3A_355] : memref<256x64xf32, #tpu.memory_space<vmem>> -> memref<1x64xf32, #tpu.memory_space<vmem>>
      %dma_start3A_357 = arith.constant 0 : i32
      %dma_start3A_358 = tpu.memref_slice %arg5[%squeeze3A_346, %dma_start3A_357] : memref<100000x64xf32, #tpu.memory_space<hbm>> -> memref<1x64xf32, #tpu.memory_space<hbm>>
      %dma_start3A_359 = arith.constant 0 : i32
      %dma_start3A_360 = arith.constant 0 : i32
      %dma_start3A_361 = tpu.memref_slice %arg10[%scan3A_90, %dma_start3A_359, %dma_start3A_360] : memref<2x256x64xf32, #tpu.memory_space<vmem>> -> memref<1x256x64xf32, #tpu.memory_space<vmem>>
      %dma_start3A_362 = tpu.memref_squeeze %dma_start3A_361 : memref<1x256x64xf32, #tpu.memory_space<vmem>> -> memref<256x64xf32, #tpu.memory_space<vmem>>
      %dma_start3A_363 = arith.constant 0 : i32
      %dma_start3A_364 = tpu.memref_slice %dma_start3A_362[%add3A_350, %dma_start3A_363] : memref<256x64xf32, #tpu.memory_space<vmem>> -> memref<1x64xf32, #tpu.memory_space<vmem>>
      %dma_start3A_365 = arith.constant 0 : i32
      %dma_start3A_366 = tpu.memref_slice %arg5[%squeeze3A_346, %dma_start3A_365] : memref<100000x64xf32, #tpu.memory_space<hbm>> -> memref<1x64xf32, #tpu.memory_space<hbm>>
      tpu.enqueue_dma source(%dma_start3A_366 : memref<1x64xf32, #tpu.memory_space<hbm>>) target(%dma_start3A_364 : memref<1x64xf32, #tpu.memory_space<vmem>>) target_semaphore(%arg11 : memref<!tpu.dma_semaphore, #tpu.memory_space<semaphore_mem>>)
      %slice3A_367 = vector.extract_strided_slice %get3A_214 {offsets = [7], sizes = [1], strides = [1]} : vector<16xi32> to vector<1xi32>
      %squeeze3A_368 = vector.extract %slice3A_367[0] : i32 from vector<1xi32>
      %mul3A_369 = arith.constant 16 : i32
      %mul3A_370 = arith.muli %scan3A_208, %mul3A_369 : i32
      %add3A_371 = arith.constant 7 : i32
      %add3A_372 = arith.addi %mul3A_370, %add3A_371 : i32
      %dma_start3A_373 = arith.constant 0 : i32
      %dma_start3A_374 = arith.constant 0 : i32
      %dma_start3A_375 = tpu.memref_slice %arg10[%scan3A_90, %dma_start3A_373, %dma_start3A_374] : memref<2x256x64xf32, #tpu.memory_space<vmem>> -> memref<1x256x64xf32, #tpu.memory_space<vmem>>
      %dma_start3A_376 = tpu.memref_squeeze %dma_start3A_375 : memref<1x256x64xf32, #tpu.memory_space<vmem>> -> memref<256x64xf32, #tpu.memory_space<vmem>>
      %dma_start3A_377 = arith.constant 0 : i32
      %dma_start3A_378 = tpu.memref_slice %dma_start3A_376[%add3A_372, %dma_start3A_377] : memref<256x64xf32, #tpu.memory_space<vmem>> -> memref<1x64xf32, #tpu.memory_space<vmem>>
      %dma_start3A_379 = arith.constant 0 : i32
      %dma_start3A_380 = tpu.memref_slice %arg5[%squeeze3A_368, %dma_start3A_379] : memref<100000x64xf32, #tpu.memory_space<hbm>> -> memref<1x64xf32, #tpu.memory_space<hbm>>
      %dma_start3A_381 = arith.constant 0 : i32
      %dma_start3A_382 = arith.constant 0 : i32
      %dma_start3A_383 = tpu.memref_slice %arg10[%scan3A_90, %dma_start3A_381, %dma_start3A_382] : memref<2x256x64xf32, #tpu.memory_space<vmem>> -> memref<1x256x64xf32, #tpu.memory_space<vmem>>
      %dma_start3A_384 = tpu.memref_squeeze %dma_start3A_383 : memref<1x256x64xf32, #tpu.memory_space<vmem>> -> memref<256x64xf32, #tpu.memory_space<vmem>>
      %dma_start3A_385 = arith.constant 0 : i32
      %dma_start3A_386 = tpu.memref_slice %dma_start3A_384[%add3A_372, %dma_start3A_385] : memref<256x64xf32, #tpu.memory_space<vmem>> -> memref<1x64xf32, #tpu.memory_space<vmem>>
      %dma_start3A_387 = arith.constant 0 : i32
      %dma_start3A_388 = tpu.memref_slice %arg5[%squeeze3A_368, %dma_start3A_387] : memref<100000x64xf32, #tpu.memory_space<hbm>> -> memref<1x64xf32, #tpu.memory_space<hbm>>
      tpu.enqueue_dma source(%dma_start3A_388 : memref<1x64xf32, #tpu.memory_space<hbm>>) target(%dma_start3A_386 : memref<1x64xf32, #tpu.memory_space<vmem>>) target_semaphore(%arg11 : memref<!tpu.dma_semaphore, #tpu.memory_space<semaphore_mem>>)
      %slice3A_389 = vector.extract_strided_slice %get3A_214 {offsets = [8], sizes = [1], strides = [1]} : vector<16xi32> to vector<1xi32>
      %squeeze3A_390 = vector.extract %slice3A_389[0] : i32 from vector<1xi32>
      %mul3A_391 = arith.constant 16 : i32
      %mul3A_392 = arith.muli %scan3A_208, %mul3A_391 : i32
      %add3A_393 = arith.constant 8 : i32
      %add3A_394 = arith.addi %mul3A_392, %add3A_393 : i32
      %dma_start3A_395 = arith.constant 0 : i32
      %dma_start3A_396 = arith.constant 0 : i32
      %dma_start3A_397 = tpu.memref_slice %arg10[%scan3A_90, %dma_start3A_395, %dma_start3A_396] : memref<2x256x64xf32, #tpu.memory_space<vmem>> -> memref<1x256x64xf32, #tpu.memory_space<vmem>>
      %dma_start3A_398 = tpu.memref_squeeze %dma_start3A_397 : memref<1x256x64xf32, #tpu.memory_space<vmem>> -> memref<256x64xf32, #tpu.memory_space<vmem>>
      %dma_start3A_399 = arith.constant 0 : i32
      %dma_start3A_400 = tpu.memref_slice %dma_start3A_398[%add3A_394, %dma_start3A_399] : memref<256x64xf32, #tpu.memory_space<vmem>> -> memref<1x64xf32, #tpu.memory_space<vmem>>
      %dma_start3A_401 = arith.constant 0 : i32
      %dma_start3A_402 = tpu.memref_slice %arg5[%squeeze3A_390, %dma_start3A_401] : memref<100000x64xf32, #tpu.memory_space<hbm>> -> memref<1x64xf32, #tpu.memory_space<hbm>>
      %dma_start3A_403 = arith.constant 0 : i32
      %dma_start3A_404 = arith.constant 0 : i32
      %dma_start3A_405 = tpu.memref_slice %arg10[%scan3A_90, %dma_start3A_403, %dma_start3A_404] : memref<2x256x64xf32, #tpu.memory_space<vmem>> -> memref<1x256x64xf32, #tpu.memory_space<vmem>>
      %dma_start3A_406 = tpu.memref_squeeze %dma_start3A_405 : memref<1x256x64xf32, #tpu.memory_space<vmem>> -> memref<256x64xf32, #tpu.memory_space<vmem>>
      %dma_start3A_407 = arith.constant 0 : i32
      %dma_start3A_408 = tpu.memref_slice %dma_start3A_406[%add3A_394, %dma_start3A_407] : memref<256x64xf32, #tpu.memory_space<vmem>> -> memref<1x64xf32, #tpu.memory_space<vmem>>
      %dma_start3A_409 = arith.constant 0 : i32
      %dma_start3A_410 = tpu.memref_slice %arg5[%squeeze3A_390, %dma_start3A_409] : memref<100000x64xf32, #tpu.memory_space<hbm>> -> memref<1x64xf32, #tpu.memory_space<hbm>>
      tpu.enqueue_dma source(%dma_start3A_410 : memref<1x64xf32, #tpu.memory_space<hbm>>) target(%dma_start3A_408 : memref<1x64xf32, #tpu.memory_space<vmem>>) target_semaphore(%arg11 : memref<!tpu.dma_semaphore, #tpu.memory_space<semaphore_mem>>)
      %slice3A_411 = vector.extract_strided_slice %get3A_214 {offsets = [9], sizes = [1], strides = [1]} : vector<16xi32> to vector<1xi32>
      %squeeze3A_412 = vector.extract %slice3A_411[0] : i32 from vector<1xi32>
      %mul3A_413 = arith.constant 16 : i32
      %mul3A_414 = arith.muli %scan3A_208, %mul3A_413 : i32
      %add3A_415 = arith.constant 9 : i32
      %add3A_416 = arith.addi %mul3A_414, %add3A_415 : i32
      %dma_start3A_417 = arith.constant 0 : i32
      %dma_start3A_418 = arith.constant 0 : i32
      %dma_start3A_419 = tpu.memref_slice %arg10[%scan3A_90, %dma_start3A_417, %dma_start3A_418] : memref<2x256x64xf32, #tpu.memory_space<vmem>> -> memref<1x256x64xf32, #tpu.memory_space<vmem>>
      %dma_start3A_420 = tpu.memref_squeeze %dma_start3A_419 : memref<1x256x64xf32, #tpu.memory_space<vmem>> -> memref<256x64xf32, #tpu.memory_space<vmem>>
      %dma_start3A_421 = arith.constant 0 : i32
      %dma_start3A_422 = tpu.memref_slice %dma_start3A_420[%add3A_416, %dma_start3A_421] : memref<256x64xf32, #tpu.memory_space<vmem>> -> memref<1x64xf32, #tpu.memory_space<vmem>>
      %dma_start3A_423 = arith.constant 0 : i32
      %dma_start3A_424 = tpu.memref_slice %arg5[%squeeze3A_412, %dma_start3A_423] : memref<100000x64xf32, #tpu.memory_space<hbm>> -> memref<1x64xf32, #tpu.memory_space<hbm>>
      %dma_start3A_425 = arith.constant 0 : i32
      %dma_start3A_426 = arith.constant 0 : i32
      %dma_start3A_427 = tpu.memref_slice %arg10[%scan3A_90, %dma_start3A_425, %dma_start3A_426] : memref<2x256x64xf32, #tpu.memory_space<vmem>> -> memref<1x256x64xf32, #tpu.memory_space<vmem>>
      %dma_start3A_428 = tpu.memref_squeeze %dma_start3A_427 : memref<1x256x64xf32, #tpu.memory_space<vmem>> -> memref<256x64xf32, #tpu.memory_space<vmem>>
      %dma_start3A_429 = arith.constant 0 : i32
      %dma_start3A_430 = tpu.memref_slice %dma_start3A_428[%add3A_416, %dma_start3A_429] : memref<256x64xf32, #tpu.memory_space<vmem>> -> memref<1x64xf32, #tpu.memory_space<vmem>>
      %dma_start3A_431 = arith.constant 0 : i32
      %dma_start3A_432 = tpu.memref_slice %arg5[%squeeze3A_412, %dma_start3A_431] : memref<100000x64xf32, #tpu.memory_space<hbm>> -> memref<1x64xf32, #tpu.memory_space<hbm>>
      tpu.enqueue_dma source(%dma_start3A_432 : memref<1x64xf32, #tpu.memory_space<hbm>>) target(%dma_start3A_430 : memref<1x64xf32, #tpu.memory_space<vmem>>) target_semaphore(%arg11 : memref<!tpu.dma_semaphore, #tpu.memory_space<semaphore_mem>>)
      %slice3A_433 = vector.extract_strided_slice %get3A_214 {offsets = [10], sizes = [1], strides = [1]} : vector<16xi32> to vector<1xi32>
      %squeeze3A_434 = vector.extract %slice3A_433[0] : i32 from vector<1xi32>
      %mul3A_435 = arith.constant 16 : i32
      %mul3A_436 = arith.muli %scan3A_208, %mul3A_435 : i32
      %add3A_437 = arith.constant 10 : i32
      %add3A_438 = arith.addi %mul3A_436, %add3A_437 : i32
      %dma_start3A_439 = arith.constant 0 : i32
      %dma_start3A_440 = arith.constant 0 : i32
      %dma_start3A_441 = tpu.memref_slice %arg10[%scan3A_90, %dma_start3A_439, %dma_start3A_440] : memref<2x256x64xf32, #tpu.memory_space<vmem>> -> memref<1x256x64xf32, #tpu.memory_space<vmem>>
      %dma_start3A_442 = tpu.memref_squeeze %dma_start3A_441 : memref<1x256x64xf32, #tpu.memory_space<vmem>> -> memref<256x64xf32, #tpu.memory_space<vmem>>
      %dma_start3A_443 = arith.constant 0 : i32
      %dma_start3A_444 = tpu.memref_slice %dma_start3A_442[%add3A_438, %dma_start3A_443] : memref<256x64xf32, #tpu.memory_space<vmem>> -> memref<1x64xf32, #tpu.memory_space<vmem>>
      %dma_start3A_445 = arith.constant 0 : i32
      %dma_start3A_446 = tpu.memref_slice %arg5[%squeeze3A_434, %dma_start3A_445] : memref<100000x64xf32, #tpu.memory_space<hbm>> -> memref<1x64xf32, #tpu.memory_space<hbm>>
      %dma_start3A_447 = arith.constant 0 : i32
      %dma_start3A_448 = arith.constant 0 : i32
      %dma_start3A_449 = tpu.memref_slice %arg10[%scan3A_90, %dma_start3A_447, %dma_start3A_448] : memref<2x256x64xf32, #tpu.memory_space<vmem>> -> memref<1x256x64xf32, #tpu.memory_space<vmem>>
      %dma_start3A_450 = tpu.memref_squeeze %dma_start3A_449 : memref<1x256x64xf32, #tpu.memory_space<vmem>> -> memref<256x64xf32, #tpu.memory_space<vmem>>
      %dma_start3A_451 = arith.constant 0 : i32
      %dma_start3A_452 = tpu.memref_slice %dma_start3A_450[%add3A_438, %dma_start3A_451] : memref<256x64xf32, #tpu.memory_space<vmem>> -> memref<1x64xf32, #tpu.memory_space<vmem>>
      %dma_start3A_453 = arith.constant 0 : i32
      %dma_start3A_454 = tpu.memref_slice %arg5[%squeeze3A_434, %dma_start3A_453] : memref<100000x64xf32, #tpu.memory_space<hbm>> -> memref<1x64xf32, #tpu.memory_space<hbm>>
      tpu.enqueue_dma source(%dma_start3A_454 : memref<1x64xf32, #tpu.memory_space<hbm>>) target(%dma_start3A_452 : memref<1x64xf32, #tpu.memory_space<vmem>>) target_semaphore(%arg11 : memref<!tpu.dma_semaphore, #tpu.memory_space<semaphore_mem>>)
      %slice3A_455 = vector.extract_strided_slice %get3A_214 {offsets = [11], sizes = [1], strides = [1]} : vector<16xi32> to vector<1xi32>
      %squeeze3A_456 = vector.extract %slice3A_455[0] : i32 from vector<1xi32>
      %mul3A_457 = arith.constant 16 : i32
      %mul3A_458 = arith.muli %scan3A_208, %mul3A_457 : i32
      %add3A_459 = arith.constant 11 : i32
      %add3A_460 = arith.addi %mul3A_458, %add3A_459 : i32
      %dma_start3A_461 = arith.constant 0 : i32
      %dma_start3A_462 = arith.constant 0 : i32
      %dma_start3A_463 = tpu.memref_slice %arg10[%scan3A_90, %dma_start3A_461, %dma_start3A_462] : memref<2x256x64xf32, #tpu.memory_space<vmem>> -> memref<1x256x64xf32, #tpu.memory_space<vmem>>
      %dma_start3A_464 = tpu.memref_squeeze %dma_start3A_463 : memref<1x256x64xf32, #tpu.memory_space<vmem>> -> memref<256x64xf32, #tpu.memory_space<vmem>>
      %dma_start3A_465 = arith.constant 0 : i32
      %dma_start3A_466 = tpu.memref_slice %dma_start3A_464[%add3A_460, %dma_start3A_465] : memref<256x64xf32, #tpu.memory_space<vmem>> -> memref<1x64xf32, #tpu.memory_space<vmem>>
      %dma_start3A_467 = arith.constant 0 : i32
      %dma_start3A_468 = tpu.memref_slice %arg5[%squeeze3A_456, %dma_start3A_467] : memref<100000x64xf32, #tpu.memory_space<hbm>> -> memref<1x64xf32, #tpu.memory_space<hbm>>
      %dma_start3A_469 = arith.constant 0 : i32
      %dma_start3A_470 = arith.constant 0 : i32
      %dma_start3A_471 = tpu.memref_slice %arg10[%scan3A_90, %dma_start3A_469, %dma_start3A_470] : memref<2x256x64xf32, #tpu.memory_space<vmem>> -> memref<1x256x64xf32, #tpu.memory_space<vmem>>
      %dma_start3A_472 = tpu.memref_squeeze %dma_start3A_471 : memref<1x256x64xf32, #tpu.memory_space<vmem>> -> memref<256x64xf32, #tpu.memory_space<vmem>>
      %dma_start3A_473 = arith.constant 0 : i32
      %dma_start3A_474 = tpu.memref_slice %dma_start3A_472[%add3A_460, %dma_start3A_473] : memref<256x64xf32, #tpu.memory_space<vmem>> -> memref<1x64xf32, #tpu.memory_space<vmem>>
      %dma_start3A_475 = arith.constant 0 : i32
      %dma_start3A_476 = tpu.memref_slice %arg5[%squeeze3A_456, %dma_start3A_475] : memref<100000x64xf32, #tpu.memory_space<hbm>> -> memref<1x64xf32, #tpu.memory_space<hbm>>
      tpu.enqueue_dma source(%dma_start3A_476 : memref<1x64xf32, #tpu.memory_space<hbm>>) target(%dma_start3A_474 : memref<1x64xf32, #tpu.memory_space<vmem>>) target_semaphore(%arg11 : memref<!tpu.dma_semaphore, #tpu.memory_space<semaphore_mem>>)
      %slice3A_477 = vector.extract_strided_slice %get3A_214 {offsets = [12], sizes = [1], strides = [1]} : vector<16xi32> to vector<1xi32>
      %squeeze3A_478 = vector.extract %slice3A_477[0] : i32 from vector<1xi32>
      %mul3A_479 = arith.constant 16 : i32
      %mul3A_480 = arith.muli %scan3A_208, %mul3A_479 : i32
      %add3A_481 = arith.constant 12 : i32
      %add3A_482 = arith.addi %mul3A_480, %add3A_481 : i32
      %dma_start3A_483 = arith.constant 0 : i32
      %dma_start3A_484 = arith.constant 0 : i32
      %dma_start3A_485 = tpu.memref_slice %arg10[%scan3A_90, %dma_start3A_483, %dma_start3A_484] : memref<2x256x64xf32, #tpu.memory_space<vmem>> -> memref<1x256x64xf32, #tpu.memory_space<vmem>>
      %dma_start3A_486 = tpu.memref_squeeze %dma_start3A_485 : memref<1x256x64xf32, #tpu.memory_space<vmem>> -> memref<256x64xf32, #tpu.memory_space<vmem>>
      %dma_start3A_487 = arith.constant 0 : i32
      %dma_start3A_488 = tpu.memref_slice %dma_start3A_486[%add3A_482, %dma_start3A_487] : memref<256x64xf32, #tpu.memory_space<vmem>> -> memref<1x64xf32, #tpu.memory_space<vmem>>
      %dma_start3A_489 = arith.constant 0 : i32
      %dma_start3A_490 = tpu.memref_slice %arg5[%squeeze3A_478, %dma_start3A_489] : memref<100000x64xf32, #tpu.memory_space<hbm>> -> memref<1x64xf32, #tpu.memory_space<hbm>>
      %dma_start3A_491 = arith.constant 0 : i32
      %dma_start3A_492 = arith.constant 0 : i32
      %dma_start3A_493 = tpu.memref_slice %arg10[%scan3A_90, %dma_start3A_491, %dma_start3A_492] : memref<2x256x64xf32, #tpu.memory_space<vmem>> -> memref<1x256x64xf32, #tpu.memory_space<vmem>>
      %dma_start3A_494 = tpu.memref_squeeze %dma_start3A_493 : memref<1x256x64xf32, #tpu.memory_space<vmem>> -> memref<256x64xf32, #tpu.memory_space<vmem>>
      %dma_start3A_495 = arith.constant 0 : i32
      %dma_start3A_496 = tpu.memref_slice %dma_start3A_494[%add3A_482, %dma_start3A_495] : memref<256x64xf32, #tpu.memory_space<vmem>> -> memref<1x64xf32, #tpu.memory_space<vmem>>
      %dma_start3A_497 = arith.constant 0 : i32
      %dma_start3A_498 = tpu.memref_slice %arg5[%squeeze3A_478, %dma_start3A_497] : memref<100000x64xf32, #tpu.memory_space<hbm>> -> memref<1x64xf32, #tpu.memory_space<hbm>>
      tpu.enqueue_dma source(%dma_start3A_498 : memref<1x64xf32, #tpu.memory_space<hbm>>) target(%dma_start3A_496 : memref<1x64xf32, #tpu.memory_space<vmem>>) target_semaphore(%arg11 : memref<!tpu.dma_semaphore, #tpu.memory_space<semaphore_mem>>)
      %slice3A_499 = vector.extract_strided_slice %get3A_214 {offsets = [13], sizes = [1], strides = [1]} : vector<16xi32> to vector<1xi32>
      %squeeze3A_500 = vector.extract %slice3A_499[0] : i32 from vector<1xi32>
      %mul3A_501 = arith.constant 16 : i32
      %mul3A_502 = arith.muli %scan3A_208, %mul3A_501 : i32
      %add3A_503 = arith.constant 13 : i32
      %add3A_504 = arith.addi %mul3A_502, %add3A_503 : i32
      %dma_start3A_505 = arith.constant 0 : i32
      %dma_start3A_506 = arith.constant 0 : i32
      %dma_start3A_507 = tpu.memref_slice %arg10[%scan3A_90, %dma_start3A_505, %dma_start3A_506] : memref<2x256x64xf32, #tpu.memory_space<vmem>> -> memref<1x256x64xf32, #tpu.memory_space<vmem>>
      %dma_start3A_508 = tpu.memref_squeeze %dma_start3A_507 : memref<1x256x64xf32, #tpu.memory_space<vmem>> -> memref<256x64xf32, #tpu.memory_space<vmem>>
      %dma_start3A_509 = arith.constant 0 : i32
      %dma_start3A_510 = tpu.memref_slice %dma_start3A_508[%add3A_504, %dma_start3A_509] : memref<256x64xf32, #tpu.memory_space<vmem>> -> memref<1x64xf32, #tpu.memory_space<vmem>>
      %dma_start3A_511 = arith.constant 0 : i32
      %dma_start3A_512 = tpu.memref_slice %arg5[%squeeze3A_500, %dma_start3A_511] : memref<100000x64xf32, #tpu.memory_space<hbm>> -> memref<1x64xf32, #tpu.memory_space<hbm>>
      %dma_start3A_513 = arith.constant 0 : i32
      %dma_start3A_514 = arith.constant 0 : i32
      %dma_start3A_515 = tpu.memref_slice %arg10[%scan3A_90, %dma_start3A_513, %dma_start3A_514] : memref<2x256x64xf32, #tpu.memory_space<vmem>> -> memref<1x256x64xf32, #tpu.memory_space<vmem>>
      %dma_start3A_516 = tpu.memref_squeeze %dma_start3A_515 : memref<1x256x64xf32, #tpu.memory_space<vmem>> -> memref<256x64xf32, #tpu.memory_space<vmem>>
      %dma_start3A_517 = arith.constant 0 : i32
      %dma_start3A_518 = tpu.memref_slice %dma_start3A_516[%add3A_504, %dma_start3A_517] : memref<256x64xf32, #tpu.memory_space<vmem>> -> memref<1x64xf32, #tpu.memory_space<vmem>>
      %dma_start3A_519 = arith.constant 0 : i32
      %dma_start3A_520 = tpu.memref_slice %arg5[%squeeze3A_500, %dma_start3A_519] : memref<100000x64xf32, #tpu.memory_space<hbm>> -> memref<1x64xf32, #tpu.memory_space<hbm>>
      tpu.enqueue_dma source(%dma_start3A_520 : memref<1x64xf32, #tpu.memory_space<hbm>>) target(%dma_start3A_518 : memref<1x64xf32, #tpu.memory_space<vmem>>) target_semaphore(%arg11 : memref<!tpu.dma_semaphore, #tpu.memory_space<semaphore_mem>>)
      %slice3A_521 = vector.extract_strided_slice %get3A_214 {offsets = [14], sizes = [1], strides = [1]} : vector<16xi32> to vector<1xi32>
      %squeeze3A_522 = vector.extract %slice3A_521[0] : i32 from vector<1xi32>
      %mul3A_523 = arith.constant 16 : i32
      %mul3A_524 = arith.muli %scan3A_208, %mul3A_523 : i32
      %add3A_525 = arith.constant 14 : i32
      %add3A_526 = arith.addi %mul3A_524, %add3A_525 : i32
      %dma_start3A_527 = arith.constant 0 : i32
      %dma_start3A_528 = arith.constant 0 : i32
      %dma_start3A_529 = tpu.memref_slice %arg10[%scan3A_90, %dma_start3A_527, %dma_start3A_528] : memref<2x256x64xf32, #tpu.memory_space<vmem>> -> memref<1x256x64xf32, #tpu.memory_space<vmem>>
      %dma_start3A_530 = tpu.memref_squeeze %dma_start3A_529 : memref<1x256x64xf32, #tpu.memory_space<vmem>> -> memref<256x64xf32, #tpu.memory_space<vmem>>
      %dma_start3A_531 = arith.constant 0 : i32
      %dma_start3A_532 = tpu.memref_slice %dma_start3A_530[%add3A_526, %dma_start3A_531] : memref<256x64xf32, #tpu.memory_space<vmem>> -> memref<1x64xf32, #tpu.memory_space<vmem>>
      %dma_start3A_533 = arith.constant 0 : i32
      %dma_start3A_534 = tpu.memref_slice %arg5[%squeeze3A_522, %dma_start3A_533] : memref<100000x64xf32, #tpu.memory_space<hbm>> -> memref<1x64xf32, #tpu.memory_space<hbm>>
      %dma_start3A_535 = arith.constant 0 : i32
      %dma_start3A_536 = arith.constant 0 : i32
      %dma_start3A_537 = tpu.memref_slice %arg10[%scan3A_90, %dma_start3A_535, %dma_start3A_536] : memref<2x256x64xf32, #tpu.memory_space<vmem>> -> memref<1x256x64xf32, #tpu.memory_space<vmem>>
      %dma_start3A_538 = tpu.memref_squeeze %dma_start3A_537 : memref<1x256x64xf32, #tpu.memory_space<vmem>> -> memref<256x64xf32, #tpu.memory_space<vmem>>
      %dma_start3A_539 = arith.constant 0 : i32
      %dma_start3A_540 = tpu.memref_slice %dma_start3A_538[%add3A_526, %dma_start3A_539] : memref<256x64xf32, #tpu.memory_space<vmem>> -> memref<1x64xf32, #tpu.memory_space<vmem>>
      %dma_start3A_541 = arith.constant 0 : i32
      %dma_start3A_542 = tpu.memref_slice %arg5[%squeeze3A_522, %dma_start3A_541] : memref<100000x64xf32, #tpu.memory_space<hbm>> -> memref<1x64xf32, #tpu.memory_space<hbm>>
      tpu.enqueue_dma source(%dma_start3A_542 : memref<1x64xf32, #tpu.memory_space<hbm>>) target(%dma_start3A_540 : memref<1x64xf32, #tpu.memory_space<vmem>>) target_semaphore(%arg11 : memref<!tpu.dma_semaphore, #tpu.memory_space<semaphore_mem>>)
      %slice3A_543 = vector.extract_strided_slice %get3A_214 {offsets = [15], sizes = [1], strides = [1]} : vector<16xi32> to vector<1xi32>
      %squeeze3A_544 = vector.extract %slice3A_543[0] : i32 from vector<1xi32>
      %mul3A_545 = arith.constant 16 : i32
      %mul3A_546 = arith.muli %scan3A_208, %mul3A_545 : i32
      %add3A_547 = arith.constant 15 : i32
      %add3A_548 = arith.addi %mul3A_546, %add3A_547 : i32
      %dma_start3A_549 = arith.constant 0 : i32
      %dma_start3A_550 = arith.constant 0 : i32
      %dma_start3A_551 = tpu.memref_slice %arg10[%scan3A_90, %dma_start3A_549, %dma_start3A_550] : memref<2x256x64xf32, #tpu.memory_space<vmem>> -> memref<1x256x64xf32, #tpu.memory_space<vmem>>
      %dma_start3A_552 = tpu.memref_squeeze %dma_start3A_551 : memref<1x256x64xf32, #tpu.memory_space<vmem>> -> memref<256x64xf32, #tpu.memory_space<vmem>>
      %dma_start3A_553 = arith.constant 0 : i32
      %dma_start3A_554 = tpu.memref_slice %dma_start3A_552[%add3A_548, %dma_start3A_553] : memref<256x64xf32, #tpu.memory_space<vmem>> -> memref<1x64xf32, #tpu.memory_space<vmem>>
      %dma_start3A_555 = arith.constant 0 : i32
      %dma_start3A_556 = tpu.memref_slice %arg5[%squeeze3A_544, %dma_start3A_555] : memref<100000x64xf32, #tpu.memory_space<hbm>> -> memref<1x64xf32, #tpu.memory_space<hbm>>
      %dma_start3A_557 = arith.constant 0 : i32
      %dma_start3A_558 = arith.constant 0 : i32
      %dma_start3A_559 = tpu.memref_slice %arg10[%scan3A_90, %dma_start3A_557, %dma_start3A_558] : memref<2x256x64xf32, #tpu.memory_space<vmem>> -> memref<1x256x64xf32, #tpu.memory_space<vmem>>
      %dma_start3A_560 = tpu.memref_squeeze %dma_start3A_559 : memref<1x256x64xf32, #tpu.memory_space<vmem>> -> memref<256x64xf32, #tpu.memory_space<vmem>>
      %dma_start3A_561 = arith.constant 0 : i32
      %dma_start3A_562 = tpu.memref_slice %dma_start3A_560[%add3A_548, %dma_start3A_561] : memref<256x64xf32, #tpu.memory_space<vmem>> -> memref<1x64xf32, #tpu.memory_space<vmem>>
      %dma_start3A_563 = arith.constant 0 : i32
      %dma_start3A_564 = tpu.memref_slice %arg5[%squeeze3A_544, %dma_start3A_563] : memref<100000x64xf32, #tpu.memory_space<hbm>> -> memref<1x64xf32, #tpu.memory_space<hbm>>
      tpu.enqueue_dma source(%dma_start3A_564 : memref<1x64xf32, #tpu.memory_space<hbm>>) target(%dma_start3A_562 : memref<1x64xf32, #tpu.memory_space<vmem>>) target_semaphore(%arg11 : memref<!tpu.dma_semaphore, #tpu.memory_space<semaphore_mem>>)
    }
    %scan3A_95 = arith.constant 16 : i32
    %dma_wait3A_96 = arith.constant 0 : i32
    %dma_wait3A_97 = arith.constant 0 : i32
    %dma_wait3A_98 = arith.constant 0 : i32
    %dma_wait3A_99 = tpu.memref_slice %arg10[%dma_wait3A_96, %dma_wait3A_97, %dma_wait3A_98] : memref<2x256x64xf32, #tpu.memory_space<vmem>> -> memref<1x256x64xf32, #tpu.memory_space<vmem>>
    %dma_wait3A_100 = tpu.memref_squeeze %dma_wait3A_99 : memref<1x256x64xf32, #tpu.memory_space<vmem>> -> memref<256x64xf32, #tpu.memory_space<vmem>>
    %dma_wait3A_101 = arith.constant 0 : i32
    %dma_wait3A_102 = arith.constant 0 : i32
    %dma_wait3A_103 = tpu.memref_slice %arg5[%dma_wait3A_101, %dma_wait3A_102] : memref<100000x64xf32, #tpu.memory_space<hbm>> -> memref<256x64xf32, #tpu.memory_space<hbm>>
    %dma_wait3A_104 = arith.constant 0 : i32
    %dma_wait3A_105 = arith.constant 0 : i32
    %dma_wait3A_106 = tpu.memref_slice %arg10[%dma_wait3A_96, %dma_wait3A_104, %dma_wait3A_105] : memref<2x256x64xf32, #tpu.memory_space<vmem>> -> memref<1x256x64xf32, #tpu.memory_space<vmem>>
    %dma_wait3A_107 = tpu.memref_squeeze %dma_wait3A_106 : memref<1x256x64xf32, #tpu.memory_space<vmem>> -> memref<256x64xf32, #tpu.memory_space<vmem>>
    %dma_wait3A_108 = arith.constant 0 : i32
    %dma_wait3A_109 = arith.constant 0 : i32
    %dma_wait3A_110 = tpu.memref_slice %arg5[%dma_wait3A_108, %dma_wait3A_109] : memref<100000x64xf32, #tpu.memory_space<hbm>> -> memref<256x64xf32, #tpu.memory_space<hbm>>
    tpu.wait_dma2 semaphore(%arg11 : memref<!tpu.dma_semaphore, #tpu.memory_space<semaphore_mem>>) src(%dma_wait3A_110 : memref<256x64xf32, #tpu.memory_space<hbm>>) dst(%dma_wait3A_107 : memref<256x64xf32, #tpu.memory_space<vmem>>)
    %add3A_111 = arith.constant 0 : i32
    %add3A_112 = arith.addi %mul3A_2, %add3A_111 : i32
    %dma_start3A_113 = arith.constant 0 : i32
    %dma_start3A_114 = arith.constant 0 : i32
    %dma_start3A_115 = arith.constant 0 : i32
    %dma_start3A_116 = tpu.memref_slice %arg10[%dma_start3A_113, %dma_start3A_114, %dma_start3A_115] : memref<2x256x64xf32, #tpu.memory_space<vmem>> -> memref<1x256x64xf32, #tpu.memory_space<vmem>>
    %dma_start3A_117 = tpu.memref_squeeze %dma_start3A_116 : memref<1x256x64xf32, #tpu.memory_space<vmem>> -> memref<256x64xf32, #tpu.memory_space<vmem>>
    %dma_start3A_118 = arith.constant 0 : i32
    %dma_start3A_119 = tpu.memref_slice %arg7[%add3A_112, %dma_start3A_118] : memref<16384x64xf32, #tpu.memory_space<hbm>> -> memref<256x64xf32, #tpu.memory_space<hbm>>
    %dma_start3A_120 = arith.constant 0 : i32
    %dma_start3A_121 = tpu.memref_slice %arg7[%add3A_112, %dma_start3A_120] : memref<16384x64xf32, #tpu.memory_space<hbm>> -> memref<256x64xf32, #tpu.memory_space<hbm>>
    %dma_start3A_122 = arith.constant 0 : i32
    %dma_start3A_123 = arith.constant 0 : i32
    %dma_start3A_124 = tpu.memref_slice %arg10[%dma_start3A_113, %dma_start3A_122, %dma_start3A_123] : memref<2x256x64xf32, #tpu.memory_space<vmem>> -> memref<1x256x64xf32, #tpu.memory_space<vmem>>
    %dma_start3A_125 = tpu.memref_squeeze %dma_start3A_124 : memref<1x256x64xf32, #tpu.memory_space<vmem>> -> memref<256x64xf32, #tpu.memory_space<vmem>>
    tpu.enqueue_dma source(%dma_start3A_125 : memref<256x64xf32, #tpu.memory_space<vmem>>) target(%dma_start3A_121 : memref<256x64xf32, #tpu.memory_space<hbm>>) target_semaphore(%arg12 : memref<!tpu.dma_semaphore, #tpu.memory_space<semaphore_mem>>)
    %dma_wait3A_126 = arith.constant 1 : i32
    %dma_wait3A_127 = arith.constant 0 : i32
    %dma_wait3A_128 = arith.constant 0 : i32
    %dma_wait3A_129 = tpu.memref_slice %arg10[%dma_wait3A_126, %dma_wait3A_127, %dma_wait3A_128] : memref<2x256x64xf32, #tpu.memory_space<vmem>> -> memref<1x256x64xf32, #tpu.memory_space<vmem>>
    %dma_wait3A_130 = tpu.memref_squeeze %dma_wait3A_129 : memref<1x256x64xf32, #tpu.memory_space<vmem>> -> memref<256x64xf32, #tpu.memory_space<vmem>>
    %dma_wait3A_131 = arith.constant 0 : i32
    %dma_wait3A_132 = arith.constant 0 : i32
    %dma_wait3A_133 = tpu.memref_slice %arg7[%dma_wait3A_131, %dma_wait3A_132] : memref<16384x64xf32, #tpu.memory_space<hbm>> -> memref<256x64xf32, #tpu.memory_space<hbm>>
    %dma_wait3A_134 = arith.constant 0 : i32
    %dma_wait3A_135 = arith.constant 0 : i32
    %dma_wait3A_136 = tpu.memref_slice %arg10[%dma_wait3A_126, %dma_wait3A_134, %dma_wait3A_135] : memref<2x256x64xf32, #tpu.memory_space<vmem>> -> memref<1x256x64xf32, #tpu.memory_space<vmem>>
    %dma_wait3A_137 = tpu.memref_squeeze %dma_wait3A_136 : memref<1x256x64xf32, #tpu.memory_space<vmem>> -> memref<256x64xf32, #tpu.memory_space<vmem>>
    %dma_wait3A_138 = arith.constant 0 : i32
    %dma_wait3A_139 = arith.constant 0 : i32
    %dma_wait3A_140 = tpu.memref_slice %arg7[%dma_wait3A_138, %dma_wait3A_139] : memref<16384x64xf32, #tpu.memory_space<hbm>> -> memref<256x64xf32, #tpu.memory_space<hbm>>
    tpu.wait_dma2 semaphore(%arg12 : memref<!tpu.dma_semaphore, #tpu.memory_space<semaphore_mem>>) src(%dma_wait3A_140 : memref<256x64xf32, #tpu.memory_space<hbm>>) dst(%dma_wait3A_137 : memref<256x64xf32, #tpu.memory_space<vmem>>)
    %scan3A_141 = arith.constant 0 : i32
    %scan3A_142 = arith.constant 1 : i32
    %scan3A_143 = arith.constant 0 : i32
    %scan3A_144 = arith.constant 16 : i32
    %scan3A_145 = arith.addi %scan3A_143, %scan3A_144 : i32
    %scan3A_146 = arith.constant 1 : i32
    scf.for %scan3A_208 = %scan3A_143 to %scan3A_145 step %scan3A_146  : i32 {
      %mul3A_209 = arith.constant 16 : i32
      %mul3A_210 = arith.muli %scan3A_208, %mul3A_209 : i32
      %add3A_211 = arith.constant 256 : i32
      %add3A_212 = arith.addi %add3A_211, %mul3A_210 : i32
      %get3A = arith.index_cast %add3A_212 : i32 to index
      %get3A_213 = tpu.vector_load %arg9[%get3A] {strides = array<i32>} : memref<512xi32, #tpu.memory_space<vmem>>, vector<16xi32>,
      %get3A_214 = vector.shape_cast %get3A_213 : vector<16xi32> to vector<16xi32>
      %slice3A = vector.extract_strided_slice %get3A_214 {offsets = [0], sizes = [1], strides = [1]} : vector<16xi32> to vector<1xi32>
      %squeeze3A = vector.extract %slice3A[0] : i32 from vector<1xi32>
      %mul3A_215 = arith.constant 16 : i32
      %mul3A_216 = arith.muli %scan3A_208, %mul3A_215 : i32
      %add3A_217 = arith.constant 0 : i32
      %add3A_218 = arith.addi %mul3A_216, %add3A_217 : i32
      %dma_start3A_219 = arith.constant 0 : i32
      %dma_start3A_220 = arith.constant 0 : i32
      %dma_start3A_221 = tpu.memref_slice %arg10[%scan3A_142, %dma_start3A_219, %dma_start3A_220] : memref<2x256x64xf32, #tpu.memory_space<vmem>> -> memref<1x256x64xf32, #tpu.memory_space<vmem>>
      %dma_start3A_222 = tpu.memref_squeeze %dma_start3A_221 : memref<1x256x64xf32, #tpu.memory_space<vmem>> -> memref<256x64xf32, #tpu.memory_space<vmem>>
      %dma_start3A_223 = arith.constant 0 : i32
      %dma_start3A_224 = tpu.memref_slice %dma_start3A_222[%add3A_218, %dma_start3A_223] : memref<256x64xf32, #tpu.memory_space<vmem>> -> memref<1x64xf32, #tpu.memory_space<vmem>>
      %dma_start3A_225 = arith.constant 0 : i32
      %dma_start3A_226 = tpu.memref_slice %arg5[%squeeze3A, %dma_start3A_225] : memref<100000x64xf32, #tpu.memory_space<hbm>> -> memref<1x64xf32, #tpu.memory_space<hbm>>
      %dma_start3A_227 = arith.constant 0 : i32
      %dma_start3A_228 = arith.constant 0 : i32
      %dma_start3A_229 = tpu.memref_slice %arg10[%scan3A_142, %dma_start3A_227, %dma_start3A_228] : memref<2x256x64xf32, #tpu.memory_space<vmem>> -> memref<1x256x64xf32, #tpu.memory_space<vmem>>
      %dma_start3A_230 = tpu.memref_squeeze %dma_start3A_229 : memref<1x256x64xf32, #tpu.memory_space<vmem>> -> memref<256x64xf32, #tpu.memory_space<vmem>>
      %dma_start3A_231 = arith.constant 0 : i32
      %dma_start3A_232 = tpu.memref_slice %dma_start3A_230[%add3A_218, %dma_start3A_231] : memref<256x64xf32, #tpu.memory_space<vmem>> -> memref<1x64xf32, #tpu.memory_space<vmem>>
      %dma_start3A_233 = arith.constant 0 : i32
      %dma_start3A_234 = tpu.memref_slice %arg5[%squeeze3A, %dma_start3A_233] : memref<100000x64xf32, #tpu.memory_space<hbm>> -> memref<1x64xf32, #tpu.memory_space<hbm>>
      tpu.enqueue_dma source(%dma_start3A_234 : memref<1x64xf32, #tpu.memory_space<hbm>>) target(%dma_start3A_232 : memref<1x64xf32, #tpu.memory_space<vmem>>) target_semaphore(%arg11 : memref<!tpu.dma_semaphore, #tpu.memory_space<semaphore_mem>>)
      %slice3A_235 = vector.extract_strided_slice %get3A_214 {offsets = [1], sizes = [1], strides = [1]} : vector<16xi32> to vector<1xi32>
      %squeeze3A_236 = vector.extract %slice3A_235[0] : i32 from vector<1xi32>
      %mul3A_237 = arith.constant 16 : i32
      %mul3A_238 = arith.muli %scan3A_208, %mul3A_237 : i32
      %add3A_239 = arith.constant 1 : i32
      %add3A_240 = arith.addi %mul3A_238, %add3A_239 : i32
      %dma_start3A_241 = arith.constant 0 : i32
      %dma_start3A_242 = arith.constant 0 : i32
      %dma_start3A_243 = tpu.memref_slice %arg10[%scan3A_142, %dma_start3A_241, %dma_start3A_242] : memref<2x256x64xf32, #tpu.memory_space<vmem>> -> memref<1x256x64xf32, #tpu.memory_space<vmem>>
      %dma_start3A_244 = tpu.memref_squeeze %dma_start3A_243 : memref<1x256x64xf32, #tpu.memory_space<vmem>> -> memref<256x64xf32, #tpu.memory_space<vmem>>
      %dma_start3A_245 = arith.constant 0 : i32
      %dma_start3A_246 = tpu.memref_slice %dma_start3A_244[%add3A_240, %dma_start3A_245] : memref<256x64xf32, #tpu.memory_space<vmem>> -> memref<1x64xf32, #tpu.memory_space<vmem>>
      %dma_start3A_247 = arith.constant 0 : i32
      %dma_start3A_248 = tpu.memref_slice %arg5[%squeeze3A_236, %dma_start3A_247] : memref<100000x64xf32, #tpu.memory_space<hbm>> -> memref<1x64xf32, #tpu.memory_space<hbm>>
      %dma_start3A_249 = arith.constant 0 : i32
      %dma_start3A_250 = arith.constant 0 : i32
      %dma_start3A_251 = tpu.memref_slice %arg10[%scan3A_142, %dma_start3A_249, %dma_start3A_250] : memref<2x256x64xf32, #tpu.memory_space<vmem>> -> memref<1x256x64xf32, #tpu.memory_space<vmem>>
      %dma_start3A_252 = tpu.memref_squeeze %dma_start3A_251 : memref<1x256x64xf32, #tpu.memory_space<vmem>> -> memref<256x64xf32, #tpu.memory_space<vmem>>
      %dma_start3A_253 = arith.constant 0 : i32
      %dma_start3A_254 = tpu.memref_slice %dma_start3A_252[%add3A_240, %dma_start3A_253] : memref<256x64xf32, #tpu.memory_space<vmem>> -> memref<1x64xf32, #tpu.memory_space<vmem>>
      %dma_start3A_255 = arith.constant 0 : i32
      %dma_start3A_256 = tpu.memref_slice %arg5[%squeeze3A_236, %dma_start3A_255] : memref<100000x64xf32, #tpu.memory_space<hbm>> -> memref<1x64xf32, #tpu.memory_space<hbm>>
      tpu.enqueue_dma source(%dma_start3A_256 : memref<1x64xf32, #tpu.memory_space<hbm>>) target(%dma_start3A_254 : memref<1x64xf32, #tpu.memory_space<vmem>>) target_semaphore(%arg11 : memref<!tpu.dma_semaphore, #tpu.memory_space<semaphore_mem>>)
      %slice3A_257 = vector.extract_strided_slice %get3A_214 {offsets = [2], sizes = [1], strides = [1]} : vector<16xi32> to vector<1xi32>
      %squeeze3A_258 = vector.extract %slice3A_257[0] : i32 from vector<1xi32>
      %mul3A_259 = arith.constant 16 : i32
      %mul3A_260 = arith.muli %scan3A_208, %mul3A_259 : i32
      %add3A_261 = arith.constant 2 : i32
      %add3A_262 = arith.addi %mul3A_260, %add3A_261 : i32
      %dma_start3A_263 = arith.constant 0 : i32
      %dma_start3A_264 = arith.constant 0 : i32
      %dma_start3A_265 = tpu.memref_slice %arg10[%scan3A_142, %dma_start3A_263, %dma_start3A_264] : memref<2x256x64xf32, #tpu.memory_space<vmem>> -> memref<1x256x64xf32, #tpu.memory_space<vmem>>
      %dma_start3A_266 = tpu.memref_squeeze %dma_start3A_265 : memref<1x256x64xf32, #tpu.memory_space<vmem>> -> memref<256x64xf32, #tpu.memory_space<vmem>>
      %dma_start3A_267 = arith.constant 0 : i32
      %dma_start3A_268 = tpu.memref_slice %dma_start3A_266[%add3A_262, %dma_start3A_267] : memref<256x64xf32, #tpu.memory_space<vmem>> -> memref<1x64xf32, #tpu.memory_space<vmem>>
      %dma_start3A_269 = arith.constant 0 : i32
      %dma_start3A_270 = tpu.memref_slice %arg5[%squeeze3A_258, %dma_start3A_269] : memref<100000x64xf32, #tpu.memory_space<hbm>> -> memref<1x64xf32, #tpu.memory_space<hbm>>
      %dma_start3A_271 = arith.constant 0 : i32
      %dma_start3A_272 = arith.constant 0 : i32
      %dma_start3A_273 = tpu.memref_slice %arg10[%scan3A_142, %dma_start3A_271, %dma_start3A_272] : memref<2x256x64xf32, #tpu.memory_space<vmem>> -> memref<1x256x64xf32, #tpu.memory_space<vmem>>
      %dma_start3A_274 = tpu.memref_squeeze %dma_start3A_273 : memref<1x256x64xf32, #tpu.memory_space<vmem>> -> memref<256x64xf32, #tpu.memory_space<vmem>>
      %dma_start3A_275 = arith.constant 0 : i32
      %dma_start3A_276 = tpu.memref_slice %dma_start3A_274[%add3A_262, %dma_start3A_275] : memref<256x64xf32, #tpu.memory_space<vmem>> -> memref<1x64xf32, #tpu.memory_space<vmem>>
      %dma_start3A_277 = arith.constant 0 : i32
      %dma_start3A_278 = tpu.memref_slice %arg5[%squeeze3A_258, %dma_start3A_277] : memref<100000x64xf32, #tpu.memory_space<hbm>> -> memref<1x64xf32, #tpu.memory_space<hbm>>
      tpu.enqueue_dma source(%dma_start3A_278 : memref<1x64xf32, #tpu.memory_space<hbm>>) target(%dma_start3A_276 : memref<1x64xf32, #tpu.memory_space<vmem>>) target_semaphore(%arg11 : memref<!tpu.dma_semaphore, #tpu.memory_space<semaphore_mem>>)
      %slice3A_279 = vector.extract_strided_slice %get3A_214 {offsets = [3], sizes = [1], strides = [1]} : vector<16xi32> to vector<1xi32>
      %squeeze3A_280 = vector.extract %slice3A_279[0] : i32 from vector<1xi32>
      %mul3A_281 = arith.constant 16 : i32
      %mul3A_282 = arith.muli %scan3A_208, %mul3A_281 : i32
      %add3A_283 = arith.constant 3 : i32
      %add3A_284 = arith.addi %mul3A_282, %add3A_283 : i32
      %dma_start3A_285 = arith.constant 0 : i32
      %dma_start3A_286 = arith.constant 0 : i32
      %dma_start3A_287 = tpu.memref_slice %arg10[%scan3A_142, %dma_start3A_285, %dma_start3A_286] : memref<2x256x64xf32, #tpu.memory_space<vmem>> -> memref<1x256x64xf32, #tpu.memory_space<vmem>>
      %dma_start3A_288 = tpu.memref_squeeze %dma_start3A_287 : memref<1x256x64xf32, #tpu.memory_space<vmem>> -> memref<256x64xf32, #tpu.memory_space<vmem>>
      %dma_start3A_289 = arith.constant 0 : i32
      %dma_start3A_290 = tpu.memref_slice %dma_start3A_288[%add3A_284, %dma_start3A_289] : memref<256x64xf32, #tpu.memory_space<vmem>> -> memref<1x64xf32, #tpu.memory_space<vmem>>
      %dma_start3A_291 = arith.constant 0 : i32
      %dma_start3A_292 = tpu.memref_slice %arg5[%squeeze3A_280, %dma_start3A_291] : memref<100000x64xf32, #tpu.memory_space<hbm>> -> memref<1x64xf32, #tpu.memory_space<hbm>>
      %dma_start3A_293 = arith.constant 0 : i32
      %dma_start3A_294 = arith.constant 0 : i32
      %dma_start3A_295 = tpu.memref_slice %arg10[%scan3A_142, %dma_start3A_293, %dma_start3A_294] : memref<2x256x64xf32, #tpu.memory_space<vmem>> -> memref<1x256x64xf32, #tpu.memory_space<vmem>>
      %dma_start3A_296 = tpu.memref_squeeze %dma_start3A_295 : memref<1x256x64xf32, #tpu.memory_space<vmem>> -> memref<256x64xf32, #tpu.memory_space<vmem>>
      %dma_start3A_297 = arith.constant 0 : i32
      %dma_start3A_298 = tpu.memref_slice %dma_start3A_296[%add3A_284, %dma_start3A_297] : memref<256x64xf32, #tpu.memory_space<vmem>> -> memref<1x64xf32, #tpu.memory_space<vmem>>
      %dma_start3A_299 = arith.constant 0 : i32
      %dma_start3A_300 = tpu.memref_slice %arg5[%squeeze3A_280, %dma_start3A_299] : memref<100000x64xf32, #tpu.memory_space<hbm>> -> memref<1x64xf32, #tpu.memory_space<hbm>>
      tpu.enqueue_dma source(%dma_start3A_300 : memref<1x64xf32, #tpu.memory_space<hbm>>) target(%dma_start3A_298 : memref<1x64xf32, #tpu.memory_space<vmem>>) target_semaphore(%arg11 : memref<!tpu.dma_semaphore, #tpu.memory_space<semaphore_mem>>)
      %slice3A_301 = vector.extract_strided_slice %get3A_214 {offsets = [4], sizes = [1], strides = [1]} : vector<16xi32> to vector<1xi32>
      %squeeze3A_302 = vector.extract %slice3A_301[0] : i32 from vector<1xi32>
      %mul3A_303 = arith.constant 16 : i32
      %mul3A_304 = arith.muli %scan3A_208, %mul3A_303 : i32
      %add3A_305 = arith.constant 4 : i32
      %add3A_306 = arith.addi %mul3A_304, %add3A_305 : i32
      %dma_start3A_307 = arith.constant 0 : i32
      %dma_start3A_308 = arith.constant 0 : i32
      %dma_start3A_309 = tpu.memref_slice %arg10[%scan3A_142, %dma_start3A_307, %dma_start3A_308] : memref<2x256x64xf32, #tpu.memory_space<vmem>> -> memref<1x256x64xf32, #tpu.memory_space<vmem>>
      %dma_start3A_310 = tpu.memref_squeeze %dma_start3A_309 : memref<1x256x64xf32, #tpu.memory_space<vmem>> -> memref<256x64xf32, #tpu.memory_space<vmem>>
      %dma_start3A_311 = arith.constant 0 : i32
      %dma_start3A_312 = tpu.memref_slice %dma_start3A_310[%add3A_306, %dma_start3A_311] : memref<256x64xf32, #tpu.memory_space<vmem>> -> memref<1x64xf32, #tpu.memory_space<vmem>>
      %dma_start3A_313 = arith.constant 0 : i32
      %dma_start3A_314 = tpu.memref_slice %arg5[%squeeze3A_302, %dma_start3A_313] : memref<100000x64xf32, #tpu.memory_space<hbm>> -> memref<1x64xf32, #tpu.memory_space<hbm>>
      %dma_start3A_315 = arith.constant 0 : i32
      %dma_start3A_316 = arith.constant 0 : i32
      %dma_start3A_317 = tpu.memref_slice %arg10[%scan3A_142, %dma_start3A_315, %dma_start3A_316] : memref<2x256x64xf32, #tpu.memory_space<vmem>> -> memref<1x256x64xf32, #tpu.memory_space<vmem>>
      %dma_start3A_318 = tpu.memref_squeeze %dma_start3A_317 : memref<1x256x64xf32, #tpu.memory_space<vmem>> -> memref<256x64xf32, #tpu.memory_space<vmem>>
      %dma_start3A_319 = arith.constant 0 : i32
      %dma_start3A_320 = tpu.memref_slice %dma_start3A_318[%add3A_306, %dma_start3A_319] : memref<256x64xf32, #tpu.memory_space<vmem>> -> memref<1x64xf32, #tpu.memory_space<vmem>>
      %dma_start3A_321 = arith.constant 0 : i32
      %dma_start3A_322 = tpu.memref_slice %arg5[%squeeze3A_302, %dma_start3A_321] : memref<100000x64xf32, #tpu.memory_space<hbm>> -> memref<1x64xf32, #tpu.memory_space<hbm>>
      tpu.enqueue_dma source(%dma_start3A_322 : memref<1x64xf32, #tpu.memory_space<hbm>>) target(%dma_start3A_320 : memref<1x64xf32, #tpu.memory_space<vmem>>) target_semaphore(%arg11 : memref<!tpu.dma_semaphore, #tpu.memory_space<semaphore_mem>>)
      %slice3A_323 = vector.extract_strided_slice %get3A_214 {offsets = [5], sizes = [1], strides = [1]} : vector<16xi32> to vector<1xi32>
      %squeeze3A_324 = vector.extract %slice3A_323[0] : i32 from vector<1xi32>
      %mul3A_325 = arith.constant 16 : i32
      %mul3A_326 = arith.muli %scan3A_208, %mul3A_325 : i32
      %add3A_327 = arith.constant 5 : i32
      %add3A_328 = arith.addi %mul3A_326, %add3A_327 : i32
      %dma_start3A_329 = arith.constant 0 : i32
      %dma_start3A_330 = arith.constant 0 : i32
      %dma_start3A_331 = tpu.memref_slice %arg10[%scan3A_142, %dma_start3A_329, %dma_start3A_330] : memref<2x256x64xf32, #tpu.memory_space<vmem>> -> memref<1x256x64xf32, #tpu.memory_space<vmem>>
      %dma_start3A_332 = tpu.memref_squeeze %dma_start3A_331 : memref<1x256x64xf32, #tpu.memory_space<vmem>> -> memref<256x64xf32, #tpu.memory_space<vmem>>
      %dma_start3A_333 = arith.constant 0 : i32
      %dma_start3A_334 = tpu.memref_slice %dma_start3A_332[%add3A_328, %dma_start3A_333] : memref<256x64xf32, #tpu.memory_space<vmem>> -> memref<1x64xf32, #tpu.memory_space<vmem>>
      %dma_start3A_335 = arith.constant 0 : i32
      %dma_start3A_336 = tpu.memref_slice %arg5[%squeeze3A_324, %dma_start3A_335] : memref<100000x64xf32, #tpu.memory_space<hbm>> -> memref<1x64xf32, #tpu.memory_space<hbm>>
      %dma_start3A_337 = arith.constant 0 : i32
      %dma_start3A_338 = arith.constant 0 : i32
      %dma_start3A_339 = tpu.memref_slice %arg10[%scan3A_142, %dma_start3A_337, %dma_start3A_338] : memref<2x256x64xf32, #tpu.memory_space<vmem>> -> memref<1x256x64xf32, #tpu.memory_space<vmem>>
      %dma_start3A_340 = tpu.memref_squeeze %dma_start3A_339 : memref<1x256x64xf32, #tpu.memory_space<vmem>> -> memref<256x64xf32, #tpu.memory_space<vmem>>
      %dma_start3A_341 = arith.constant 0 : i32
      %dma_start3A_342 = tpu.memref_slice %dma_start3A_340[%add3A_328, %dma_start3A_341] : memref<256x64xf32, #tpu.memory_space<vmem>> -> memref<1x64xf32, #tpu.memory_space<vmem>>
      %dma_start3A_343 = arith.constant 0 : i32
      %dma_start3A_344 = tpu.memref_slice %arg5[%squeeze3A_324, %dma_start3A_343] : memref<100000x64xf32, #tpu.memory_space<hbm>> -> memref<1x64xf32, #tpu.memory_space<hbm>>
      tpu.enqueue_dma source(%dma_start3A_344 : memref<1x64xf32, #tpu.memory_space<hbm>>) target(%dma_start3A_342 : memref<1x64xf32, #tpu.memory_space<vmem>>) target_semaphore(%arg11 : memref<!tpu.dma_semaphore, #tpu.memory_space<semaphore_mem>>)
      %slice3A_345 = vector.extract_strided_slice %get3A_214 {offsets = [6], sizes = [1], strides = [1]} : vector<16xi32> to vector<1xi32>
      %squeeze3A_346 = vector.extract %slice3A_345[0] : i32 from vector<1xi32>
      %mul3A_347 = arith.constant 16 : i32
      %mul3A_348 = arith.muli %scan3A_208, %mul3A_347 : i32
      %add3A_349 = arith.constant 6 : i32
      %add3A_350 = arith.addi %mul3A_348, %add3A_349 : i32
      %dma_start3A_351 = arith.constant 0 : i32
      %dma_start3A_352 = arith.constant 0 : i32
      %dma_start3A_353 = tpu.memref_slice %arg10[%scan3A_142, %dma_start3A_351, %dma_start3A_352] : memref<2x256x64xf32, #tpu.memory_space<vmem>> -> memref<1x256x64xf32, #tpu.memory_space<vmem>>
      %dma_start3A_354 = tpu.memref_squeeze %dma_start3A_353 : memref<1x256x64xf32, #tpu.memory_space<vmem>> -> memref<256x64xf32, #tpu.memory_space<vmem>>
      %dma_start3A_355 = arith.constant 0 : i32
      %dma_start3A_356 = tpu.memref_slice %dma_start3A_354[%add3A_350, %dma_start3A_355] : memref<256x64xf32, #tpu.memory_space<vmem>> -> memref<1x64xf32, #tpu.memory_space<vmem>>
      %dma_start3A_357 = arith.constant 0 : i32
      %dma_start3A_358 = tpu.memref_slice %arg5[%squeeze3A_346, %dma_start3A_357] : memref<100000x64xf32, #tpu.memory_space<hbm>> -> memref<1x64xf32, #tpu.memory_space<hbm>>
      %dma_start3A_359 = arith.constant 0 : i32
      %dma_start3A_360 = arith.constant 0 : i32
      %dma_start3A_361 = tpu.memref_slice %arg10[%scan3A_142, %dma_start3A_359, %dma_start3A_360] : memref<2x256x64xf32, #tpu.memory_space<vmem>> -> memref<1x256x64xf32, #tpu.memory_space<vmem>>
      %dma_start3A_362 = tpu.memref_squeeze %dma_start3A_361 : memref<1x256x64xf32, #tpu.memory_space<vmem>> -> memref<256x64xf32, #tpu.memory_space<vmem>>
      %dma_start3A_363 = arith.constant 0 : i32
      %dma_start3A_364 = tpu.memref_slice %dma_start3A_362[%add3A_350, %dma_start3A_363] : memref<256x64xf32, #tpu.memory_space<vmem>> -> memref<1x64xf32, #tpu.memory_space<vmem>>
      %dma_start3A_365 = arith.constant 0 : i32
      %dma_start3A_366 = tpu.memref_slice %arg5[%squeeze3A_346, %dma_start3A_365] : memref<100000x64xf32, #tpu.memory_space<hbm>> -> memref<1x64xf32, #tpu.memory_space<hbm>>
      tpu.enqueue_dma source(%dma_start3A_366 : memref<1x64xf32, #tpu.memory_space<hbm>>) target(%dma_start3A_364 : memref<1x64xf32, #tpu.memory_space<vmem>>) target_semaphore(%arg11 : memref<!tpu.dma_semaphore, #tpu.memory_space<semaphore_mem>>)
      %slice3A_367 = vector.extract_strided_slice %get3A_214 {offsets = [7], sizes = [1], strides = [1]} : vector<16xi32> to vector<1xi32>
      %squeeze3A_368 = vector.extract %slice3A_367[0] : i32 from vector<1xi32>
      %mul3A_369 = arith.constant 16 : i32
      %mul3A_370 = arith.muli %scan3A_208, %mul3A_369 : i32
      %add3A_371 = arith.constant 7 : i32
      %add3A_372 = arith.addi %mul3A_370, %add3A_371 : i32
      %dma_start3A_373 = arith.constant 0 : i32
      %dma_start3A_374 = arith.constant 0 : i32
      %dma_start3A_375 = tpu.memref_slice %arg10[%scan3A_142, %dma_start3A_373, %dma_start3A_374] : memref<2x256x64xf32, #tpu.memory_space<vmem>> -> memref<1x256x64xf32, #tpu.memory_space<vmem>>
      %dma_start3A_376 = tpu.memref_squeeze %dma_start3A_375 : memref<1x256x64xf32, #tpu.memory_space<vmem>> -> memref<256x64xf32, #tpu.memory_space<vmem>>
      %dma_start3A_377 = arith.constant 0 : i32
      %dma_start3A_378 = tpu.memref_slice %dma_start3A_376[%add3A_372, %dma_start3A_377] : memref<256x64xf32, #tpu.memory_space<vmem>> -> memref<1x64xf32, #tpu.memory_space<vmem>>
      %dma_start3A_379 = arith.constant 0 : i32
      %dma_start3A_380 = tpu.memref_slice %arg5[%squeeze3A_368, %dma_start3A_379] : memref<100000x64xf32, #tpu.memory_space<hbm>> -> memref<1x64xf32, #tpu.memory_space<hbm>>
      %dma_start3A_381 = arith.constant 0 : i32
      %dma_start3A_382 = arith.constant 0 : i32
      %dma_start3A_383 = tpu.memref_slice %arg10[%scan3A_142, %dma_start3A_381, %dma_start3A_382] : memref<2x256x64xf32, #tpu.memory_space<vmem>> -> memref<1x256x64xf32, #tpu.memory_space<vmem>>
      %dma_start3A_384 = tpu.memref_squeeze %dma_start3A_383 : memref<1x256x64xf32, #tpu.memory_space<vmem>> -> memref<256x64xf32, #tpu.memory_space<vmem>>
      %dma_start3A_385 = arith.constant 0 : i32
      %dma_start3A_386 = tpu.memref_slice %dma_start3A_384[%add3A_372, %dma_start3A_385] : memref<256x64xf32, #tpu.memory_space<vmem>> -> memref<1x64xf32, #tpu.memory_space<vmem>>
      %dma_start3A_387 = arith.constant 0 : i32
      %dma_start3A_388 = tpu.memref_slice %arg5[%squeeze3A_368, %dma_start3A_387] : memref<100000x64xf32, #tpu.memory_space<hbm>> -> memref<1x64xf32, #tpu.memory_space<hbm>>
      tpu.enqueue_dma source(%dma_start3A_388 : memref<1x64xf32, #tpu.memory_space<hbm>>) target(%dma_start3A_386 : memref<1x64xf32, #tpu.memory_space<vmem>>) target_semaphore(%arg11 : memref<!tpu.dma_semaphore, #tpu.memory_space<semaphore_mem>>)
      %slice3A_389 = vector.extract_strided_slice %get3A_214 {offsets = [8], sizes = [1], strides = [1]} : vector<16xi32> to vector<1xi32>
      %squeeze3A_390 = vector.extract %slice3A_389[0] : i32 from vector<1xi32>
      %mul3A_391 = arith.constant 16 : i32
      %mul3A_392 = arith.muli %scan3A_208, %mul3A_391 : i32
      %add3A_393 = arith.constant 8 : i32
      %add3A_394 = arith.addi %mul3A_392, %add3A_393 : i32
      %dma_start3A_395 = arith.constant 0 : i32
      %dma_start3A_396 = arith.constant 0 : i32
      %dma_start3A_397 = tpu.memref_slice %arg10[%scan3A_142, %dma_start3A_395, %dma_start3A_396] : memref<2x256x64xf32, #tpu.memory_space<vmem>> -> memref<1x256x64xf32, #tpu.memory_space<vmem>>
      %dma_start3A_398 = tpu.memref_squeeze %dma_start3A_397 : memref<1x256x64xf32, #tpu.memory_space<vmem>> -> memref<256x64xf32, #tpu.memory_space<vmem>>
      %dma_start3A_399 = arith.constant 0 : i32
      %dma_start3A_400 = tpu.memref_slice %dma_start3A_398[%add3A_394, %dma_start3A_399] : memref<256x64xf32, #tpu.memory_space<vmem>> -> memref<1x64xf32, #tpu.memory_space<vmem>>
      %dma_start3A_401 = arith.constant 0 : i32
      %dma_start3A_402 = tpu.memref_slice %arg5[%squeeze3A_390, %dma_start3A_401] : memref<100000x64xf32, #tpu.memory_space<hbm>> -> memref<1x64xf32, #tpu.memory_space<hbm>>
      %dma_start3A_403 = arith.constant 0 : i32
      %dma_start3A_404 = arith.constant 0 : i32
      %dma_start3A_405 = tpu.memref_slice %arg10[%scan3A_142, %dma_start3A_403, %dma_start3A_404] : memref<2x256x64xf32, #tpu.memory_space<vmem>> -> memref<1x256x64xf32, #tpu.memory_space<vmem>>
      %dma_start3A_406 = tpu.memref_squeeze %dma_start3A_405 : memref<1x256x64xf32, #tpu.memory_space<vmem>> -> memref<256x64xf32, #tpu.memory_space<vmem>>
      %dma_start3A_407 = arith.constant 0 : i32
      %dma_start3A_408 = tpu.memref_slice %dma_start3A_406[%add3A_394, %dma_start3A_407] : memref<256x64xf32, #tpu.memory_space<vmem>> -> memref<1x64xf32, #tpu.memory_space<vmem>>
      %dma_start3A_409 = arith.constant 0 : i32
      %dma_start3A_410 = tpu.memref_slice %arg5[%squeeze3A_390, %dma_start3A_409] : memref<100000x64xf32, #tpu.memory_space<hbm>> -> memref<1x64xf32, #tpu.memory_space<hbm>>
      tpu.enqueue_dma source(%dma_start3A_410 : memref<1x64xf32, #tpu.memory_space<hbm>>) target(%dma_start3A_408 : memref<1x64xf32, #tpu.memory_space<vmem>>) target_semaphore(%arg11 : memref<!tpu.dma_semaphore, #tpu.memory_space<semaphore_mem>>)
      %slice3A_411 = vector.extract_strided_slice %get3A_214 {offsets = [9], sizes = [1], strides = [1]} : vector<16xi32> to vector<1xi32>
      %squeeze3A_412 = vector.extract %slice3A_411[0] : i32 from vector<1xi32>
      %mul3A_413 = arith.constant 16 : i32
      %mul3A_414 = arith.muli %scan3A_208, %mul3A_413 : i32
      %add3A_415 = arith.constant 9 : i32
      %add3A_416 = arith.addi %mul3A_414, %add3A_415 : i32
      %dma_start3A_417 = arith.constant 0 : i32
      %dma_start3A_418 = arith.constant 0 : i32
      %dma_start3A_419 = tpu.memref_slice %arg10[%scan3A_142, %dma_start3A_417, %dma_start3A_418] : memref<2x256x64xf32, #tpu.memory_space<vmem>> -> memref<1x256x64xf32, #tpu.memory_space<vmem>>
      %dma_start3A_420 = tpu.memref_squeeze %dma_start3A_419 : memref<1x256x64xf32, #tpu.memory_space<vmem>> -> memref<256x64xf32, #tpu.memory_space<vmem>>
      %dma_start3A_421 = arith.constant 0 : i32
      %dma_start3A_422 = tpu.memref_slice %dma_start3A_420[%add3A_416, %dma_start3A_421] : memref<256x64xf32, #tpu.memory_space<vmem>> -> memref<1x64xf32, #tpu.memory_space<vmem>>
      %dma_start3A_423 = arith.constant 0 : i32
      %dma_start3A_424 = tpu.memref_slice %arg5[%squeeze3A_412, %dma_start3A_423] : memref<100000x64xf32, #tpu.memory_space<hbm>> -> memref<1x64xf32, #tpu.memory_space<hbm>>
      %dma_start3A_425 = arith.constant 0 : i32
      %dma_start3A_426 = arith.constant 0 : i32
      %dma_start3A_427 = tpu.memref_slice %arg10[%scan3A_142, %dma_start3A_425, %dma_start3A_426] : memref<2x256x64xf32, #tpu.memory_space<vmem>> -> memref<1x256x64xf32, #tpu.memory_space<vmem>>
      %dma_start3A_428 = tpu.memref_squeeze %dma_start3A_427 : memref<1x256x64xf32, #tpu.memory_space<vmem>> -> memref<256x64xf32, #tpu.memory_space<vmem>>
      %dma_start3A_429 = arith.constant 0 : i32
      %dma_start3A_430 = tpu.memref_slice %dma_start3A_428[%add3A_416, %dma_start3A_429] : memref<256x64xf32, #tpu.memory_space<vmem>> -> memref<1x64xf32, #tpu.memory_space<vmem>>
      %dma_start3A_431 = arith.constant 0 : i32
      %dma_start3A_432 = tpu.memref_slice %arg5[%squeeze3A_412, %dma_start3A_431] : memref<100000x64xf32, #tpu.memory_space<hbm>> -> memref<1x64xf32, #tpu.memory_space<hbm>>
      tpu.enqueue_dma source(%dma_start3A_432 : memref<1x64xf32, #tpu.memory_space<hbm>>) target(%dma_start3A_430 : memref<1x64xf32, #tpu.memory_space<vmem>>) target_semaphore(%arg11 : memref<!tpu.dma_semaphore, #tpu.memory_space<semaphore_mem>>)
      %slice3A_433 = vector.extract_strided_slice %get3A_214 {offsets = [10], sizes = [1], strides = [1]} : vector<16xi32> to vector<1xi32>
      %squeeze3A_434 = vector.extract %slice3A_433[0] : i32 from vector<1xi32>
      %mul3A_435 = arith.constant 16 : i32
      %mul3A_436 = arith.muli %scan3A_208, %mul3A_435 : i32
      %add3A_437 = arith.constant 10 : i32
      %add3A_438 = arith.addi %mul3A_436, %add3A_437 : i32
      %dma_start3A_439 = arith.constant 0 : i32
      %dma_start3A_440 = arith.constant 0 : i32
      %dma_start3A_441 = tpu.memref_slice %arg10[%scan3A_142, %dma_start3A_439, %dma_start3A_440] : memref<2x256x64xf32, #tpu.memory_space<vmem>> -> memref<1x256x64xf32, #tpu.memory_space<vmem>>
      %dma_start3A_442 = tpu.memref_squeeze %dma_start3A_441 : memref<1x256x64xf32, #tpu.memory_space<vmem>> -> memref<256x64xf32, #tpu.memory_space<vmem>>
      %dma_start3A_443 = arith.constant 0 : i32
      %dma_start3A_444 = tpu.memref_slice %dma_start3A_442[%add3A_438, %dma_start3A_443] : memref<256x64xf32, #tpu.memory_space<vmem>> -> memref<1x64xf32, #tpu.memory_space<vmem>>
      %dma_start3A_445 = arith.constant 0 : i32
      %dma_start3A_446 = tpu.memref_slice %arg5[%squeeze3A_434, %dma_start3A_445] : memref<100000x64xf32, #tpu.memory_space<hbm>> -> memref<1x64xf32, #tpu.memory_space<hbm>>
      %dma_start3A_447 = arith.constant 0 : i32
      %dma_start3A_448 = arith.constant 0 : i32
      %dma_start3A_449 = tpu.memref_slice %arg10[%scan3A_142, %dma_start3A_447, %dma_start3A_448] : memref<2x256x64xf32, #tpu.memory_space<vmem>> -> memref<1x256x64xf32, #tpu.memory_space<vmem>>
      %dma_start3A_450 = tpu.memref_squeeze %dma_start3A_449 : memref<1x256x64xf32, #tpu.memory_space<vmem>> -> memref<256x64xf32, #tpu.memory_space<vmem>>
      %dma_start3A_451 = arith.constant 0 : i32
      %dma_start3A_452 = tpu.memref_slice %dma_start3A_450[%add3A_438, %dma_start3A_451] : memref<256x64xf32, #tpu.memory_space<vmem>> -> memref<1x64xf32, #tpu.memory_space<vmem>>
      %dma_start3A_453 = arith.constant 0 : i32
      %dma_start3A_454 = tpu.memref_slice %arg5[%squeeze3A_434, %dma_start3A_453] : memref<100000x64xf32, #tpu.memory_space<hbm>> -> memref<1x64xf32, #tpu.memory_space<hbm>>
      tpu.enqueue_dma source(%dma_start3A_454 : memref<1x64xf32, #tpu.memory_space<hbm>>) target(%dma_start3A_452 : memref<1x64xf32, #tpu.memory_space<vmem>>) target_semaphore(%arg11 : memref<!tpu.dma_semaphore, #tpu.memory_space<semaphore_mem>>)
      %slice3A_455 = vector.extract_strided_slice %get3A_214 {offsets = [11], sizes = [1], strides = [1]} : vector<16xi32> to vector<1xi32>
      %squeeze3A_456 = vector.extract %slice3A_455[0] : i32 from vector<1xi32>
      %mul3A_457 = arith.constant 16 : i32
      %mul3A_458 = arith.muli %scan3A_208, %mul3A_457 : i32
      %add3A_459 = arith.constant 11 : i32
      %add3A_460 = arith.addi %mul3A_458, %add3A_459 : i32
      %dma_start3A_461 = arith.constant 0 : i32
      %dma_start3A_462 = arith.constant 0 : i32
      %dma_start3A_463 = tpu.memref_slice %arg10[%scan3A_142, %dma_start3A_461, %dma_start3A_462] : memref<2x256x64xf32, #tpu.memory_space<vmem>> -> memref<1x256x64xf32, #tpu.memory_space<vmem>>
      %dma_start3A_464 = tpu.memref_squeeze %dma_start3A_463 : memref<1x256x64xf32, #tpu.memory_space<vmem>> -> memref<256x64xf32, #tpu.memory_space<vmem>>
      %dma_start3A_465 = arith.constant 0 : i32
      %dma_start3A_466 = tpu.memref_slice %dma_start3A_464[%add3A_460, %dma_start3A_465] : memref<256x64xf32, #tpu.memory_space<vmem>> -> memref<1x64xf32, #tpu.memory_space<vmem>>
      %dma_start3A_467 = arith.constant 0 : i32
      %dma_start3A_468 = tpu.memref_slice %arg5[%squeeze3A_456, %dma_start3A_467] : memref<100000x64xf32, #tpu.memory_space<hbm>> -> memref<1x64xf32, #tpu.memory_space<hbm>>
      %dma_start3A_469 = arith.constant 0 : i32
      %dma_start3A_470 = arith.constant 0 : i32
      %dma_start3A_471 = tpu.memref_slice %arg10[%scan3A_142, %dma_start3A_469, %dma_start3A_470] : memref<2x256x64xf32, #tpu.memory_space<vmem>> -> memref<1x256x64xf32, #tpu.memory_space<vmem>>
      %dma_start3A_472 = tpu.memref_squeeze %dma_start3A_471 : memref<1x256x64xf32, #tpu.memory_space<vmem>> -> memref<256x64xf32, #tpu.memory_space<vmem>>
      %dma_start3A_473 = arith.constant 0 : i32
      %dma_start3A_474 = tpu.memref_slice %dma_start3A_472[%add3A_460, %dma_start3A_473] : memref<256x64xf32, #tpu.memory_space<vmem>> -> memref<1x64xf32, #tpu.memory_space<vmem>>
      %dma_start3A_475 = arith.constant 0 : i32
      %dma_start3A_476 = tpu.memref_slice %arg5[%squeeze3A_456, %dma_start3A_475] : memref<100000x64xf32, #tpu.memory_space<hbm>> -> memref<1x64xf32, #tpu.memory_space<hbm>>
      tpu.enqueue_dma source(%dma_start3A_476 : memref<1x64xf32, #tpu.memory_space<hbm>>) target(%dma_start3A_474 : memref<1x64xf32, #tpu.memory_space<vmem>>) target_semaphore(%arg11 : memref<!tpu.dma_semaphore, #tpu.memory_space<semaphore_mem>>)
      %slice3A_477 = vector.extract_strided_slice %get3A_214 {offsets = [12], sizes = [1], strides = [1]} : vector<16xi32> to vector<1xi32>
      %squeeze3A_478 = vector.extract %slice3A_477[0] : i32 from vector<1xi32>
      %mul3A_479 = arith.constant 16 : i32
      %mul3A_480 = arith.muli %scan3A_208, %mul3A_479 : i32
      %add3A_481 = arith.constant 12 : i32
      %add3A_482 = arith.addi %mul3A_480, %add3A_481 : i32
      %dma_start3A_483 = arith.constant 0 : i32
      %dma_start3A_484 = arith.constant 0 : i32
      %dma_start3A_485 = tpu.memref_slice %arg10[%scan3A_142, %dma_start3A_483, %dma_start3A_484] : memref<2x256x64xf32, #tpu.memory_space<vmem>> -> memref<1x256x64xf32, #tpu.memory_space<vmem>>
      %dma_start3A_486 = tpu.memref_squeeze %dma_start3A_485 : memref<1x256x64xf32, #tpu.memory_space<vmem>> -> memref<256x64xf32, #tpu.memory_space<vmem>>
      %dma_start3A_487 = arith.constant 0 : i32
      %dma_start3A_488 = tpu.memref_slice %dma_start3A_486[%add3A_482, %dma_start3A_487] : memref<256x64xf32, #tpu.memory_space<vmem>> -> memref<1x64xf32, #tpu.memory_space<vmem>>
      %dma_start3A_489 = arith.constant 0 : i32
      %dma_start3A_490 = tpu.memref_slice %arg5[%squeeze3A_478, %dma_start3A_489] : memref<100000x64xf32, #tpu.memory_space<hbm>> -> memref<1x64xf32, #tpu.memory_space<hbm>>
      %dma_start3A_491 = arith.constant 0 : i32
      %dma_start3A_492 = arith.constant 0 : i32
      %dma_start3A_493 = tpu.memref_slice %arg10[%scan3A_142, %dma_start3A_491, %dma_start3A_492] : memref<2x256x64xf32, #tpu.memory_space<vmem>> -> memref<1x256x64xf32, #tpu.memory_space<vmem>>
      %dma_start3A_494 = tpu.memref_squeeze %dma_start3A_493 : memref<1x256x64xf32, #tpu.memory_space<vmem>> -> memref<256x64xf32, #tpu.memory_space<vmem>>
      %dma_start3A_495 = arith.constant 0 : i32
      %dma_start3A_496 = tpu.memref_slice %dma_start3A_494[%add3A_482, %dma_start3A_495] : memref<256x64xf32, #tpu.memory_space<vmem>> -> memref<1x64xf32, #tpu.memory_space<vmem>>
      %dma_start3A_497 = arith.constant 0 : i32
      %dma_start3A_498 = tpu.memref_slice %arg5[%squeeze3A_478, %dma_start3A_497] : memref<100000x64xf32, #tpu.memory_space<hbm>> -> memref<1x64xf32, #tpu.memory_space<hbm>>
      tpu.enqueue_dma source(%dma_start3A_498 : memref<1x64xf32, #tpu.memory_space<hbm>>) target(%dma_start3A_496 : memref<1x64xf32, #tpu.memory_space<vmem>>) target_semaphore(%arg11 : memref<!tpu.dma_semaphore, #tpu.memory_space<semaphore_mem>>)
      %slice3A_499 = vector.extract_strided_slice %get3A_214 {offsets = [13], sizes = [1], strides = [1]} : vector<16xi32> to vector<1xi32>
      %squeeze3A_500 = vector.extract %slice3A_499[0] : i32 from vector<1xi32>
      %mul3A_501 = arith.constant 16 : i32
      %mul3A_502 = arith.muli %scan3A_208, %mul3A_501 : i32
      %add3A_503 = arith.constant 13 : i32
      %add3A_504 = arith.addi %mul3A_502, %add3A_503 : i32
      %dma_start3A_505 = arith.constant 0 : i32
      %dma_start3A_506 = arith.constant 0 : i32
      %dma_start3A_507 = tpu.memref_slice %arg10[%scan3A_142, %dma_start3A_505, %dma_start3A_506] : memref<2x256x64xf32, #tpu.memory_space<vmem>> -> memref<1x256x64xf32, #tpu.memory_space<vmem>>
      %dma_start3A_508 = tpu.memref_squeeze %dma_start3A_507 : memref<1x256x64xf32, #tpu.memory_space<vmem>> -> memref<256x64xf32, #tpu.memory_space<vmem>>
      %dma_start3A_509 = arith.constant 0 : i32
      %dma_start3A_510 = tpu.memref_slice %dma_start3A_508[%add3A_504, %dma_start3A_509] : memref<256x64xf32, #tpu.memory_space<vmem>> -> memref<1x64xf32, #tpu.memory_space<vmem>>
      %dma_start3A_511 = arith.constant 0 : i32
      %dma_start3A_512 = tpu.memref_slice %arg5[%squeeze3A_500, %dma_start3A_511] : memref<100000x64xf32, #tpu.memory_space<hbm>> -> memref<1x64xf32, #tpu.memory_space<hbm>>
      %dma_start3A_513 = arith.constant 0 : i32
      %dma_start3A_514 = arith.constant 0 : i32
      %dma_start3A_515 = tpu.memref_slice %arg10[%scan3A_142, %dma_start3A_513, %dma_start3A_514] : memref<2x256x64xf32, #tpu.memory_space<vmem>> -> memref<1x256x64xf32, #tpu.memory_space<vmem>>
      %dma_start3A_516 = tpu.memref_squeeze %dma_start3A_515 : memref<1x256x64xf32, #tpu.memory_space<vmem>> -> memref<256x64xf32, #tpu.memory_space<vmem>>
      %dma_start3A_517 = arith.constant 0 : i32
      %dma_start3A_518 = tpu.memref_slice %dma_start3A_516[%add3A_504, %dma_start3A_517] : memref<256x64xf32, #tpu.memory_space<vmem>> -> memref<1x64xf32, #tpu.memory_space<vmem>>
      %dma_start3A_519 = arith.constant 0 : i32
      %dma_start3A_520 = tpu.memref_slice %arg5[%squeeze3A_500, %dma_start3A_519] : memref<100000x64xf32, #tpu.memory_space<hbm>> -> memref<1x64xf32, #tpu.memory_space<hbm>>
      tpu.enqueue_dma source(%dma_start3A_520 : memref<1x64xf32, #tpu.memory_space<hbm>>) target(%dma_start3A_518 : memref<1x64xf32, #tpu.memory_space<vmem>>) target_semaphore(%arg11 : memref<!tpu.dma_semaphore, #tpu.memory_space<semaphore_mem>>)
      %slice3A_521 = vector.extract_strided_slice %get3A_214 {offsets = [14], sizes = [1], strides = [1]} : vector<16xi32> to vector<1xi32>
      %squeeze3A_522 = vector.extract %slice3A_521[0] : i32 from vector<1xi32>
      %mul3A_523 = arith.constant 16 : i32
      %mul3A_524 = arith.muli %scan3A_208, %mul3A_523 : i32
      %add3A_525 = arith.constant 14 : i32
      %add3A_526 = arith.addi %mul3A_524, %add3A_525 : i32
      %dma_start3A_527 = arith.constant 0 : i32
      %dma_start3A_528 = arith.constant 0 : i32
      %dma_start3A_529 = tpu.memref_slice %arg10[%scan3A_142, %dma_start3A_527, %dma_start3A_528] : memref<2x256x64xf32, #tpu.memory_space<vmem>> -> memref<1x256x64xf32, #tpu.memory_space<vmem>>
      %dma_start3A_530 = tpu.memref_squeeze %dma_start3A_529 : memref<1x256x64xf32, #tpu.memory_space<vmem>> -> memref<256x64xf32, #tpu.memory_space<vmem>>
      %dma_start3A_531 = arith.constant 0 : i32
      %dma_start3A_532 = tpu.memref_slice %dma_start3A_530[%add3A_526, %dma_start3A_531] : memref<256x64xf32, #tpu.memory_space<vmem>> -> memref<1x64xf32, #tpu.memory_space<vmem>>
      %dma_start3A_533 = arith.constant 0 : i32
      %dma_start3A_534 = tpu.memref_slice %arg5[%squeeze3A_522, %dma_start3A_533] : memref<100000x64xf32, #tpu.memory_space<hbm>> -> memref<1x64xf32, #tpu.memory_space<hbm>>
      %dma_start3A_535 = arith.constant 0 : i32
      %dma_start3A_536 = arith.constant 0 : i32
      %dma_start3A_537 = tpu.memref_slice %arg10[%scan3A_142, %dma_start3A_535, %dma_start3A_536] : memref<2x256x64xf32, #tpu.memory_space<vmem>> -> memref<1x256x64xf32, #tpu.memory_space<vmem>>
      %dma_start3A_538 = tpu.memref_squeeze %dma_start3A_537 : memref<1x256x64xf32, #tpu.memory_space<vmem>> -> memref<256x64xf32, #tpu.memory_space<vmem>>
      %dma_start3A_539 = arith.constant 0 : i32
      %dma_start3A_540 = tpu.memref_slice %dma_start3A_538[%add3A_526, %dma_start3A_539] : memref<256x64xf32, #tpu.memory_space<vmem>> -> memref<1x64xf32, #tpu.memory_space<vmem>>
      %dma_start3A_541 = arith.constant 0 : i32
      %dma_start3A_542 = tpu.memref_slice %arg5[%squeeze3A_522, %dma_start3A_541] : memref<100000x64xf32, #tpu.memory_space<hbm>> -> memref<1x64xf32, #tpu.memory_space<hbm>>
      tpu.enqueue_dma source(%dma_start3A_542 : memref<1x64xf32, #tpu.memory_space<hbm>>) target(%dma_start3A_540 : memref<1x64xf32, #tpu.memory_space<vmem>>) target_semaphore(%arg11 : memref<!tpu.dma_semaphore, #tpu.memory_space<semaphore_mem>>)
      %slice3A_543 = vector.extract_strided_slice %get3A_214 {offsets = [15], sizes = [1], strides = [1]} : vector<16xi32> to vector<1xi32>
      %squeeze3A_544 = vector.extract %slice3A_543[0] : i32 from vector<1xi32>
      %mul3A_545 = arith.constant 16 : i32
      %mul3A_546 = arith.muli %scan3A_208, %mul3A_545 : i32
      %add3A_547 = arith.constant 15 : i32
      %add3A_548 = arith.addi %mul3A_546, %add3A_547 : i32
      %dma_start3A_549 = arith.constant 0 : i32
      %dma_start3A_550 = arith.constant 0 : i32
      %dma_start3A_551 = tpu.memref_slice %arg10[%scan3A_142, %dma_start3A_549, %dma_start3A_550] : memref<2x256x64xf32, #tpu.memory_space<vmem>> -> memref<1x256x64xf32, #tpu.memory_space<vmem>>
      %dma_start3A_552 = tpu.memref_squeeze %dma_start3A_551 : memref<1x256x64xf32, #tpu.memory_space<vmem>> -> memref<256x64xf32, #tpu.memory_space<vmem>>
      %dma_start3A_553 = arith.constant 0 : i32
      %dma_start3A_554 = tpu.memref_slice %dma_start3A_552[%add3A_548, %dma_start3A_553] : memref<256x64xf32, #tpu.memory_space<vmem>> -> memref<1x64xf32, #tpu.memory_space<vmem>>
      %dma_start3A_555 = arith.constant 0 : i32
      %dma_start3A_556 = tpu.memref_slice %arg5[%squeeze3A_544, %dma_start3A_555] : memref<100000x64xf32, #tpu.memory_space<hbm>> -> memref<1x64xf32, #tpu.memory_space<hbm>>
      %dma_start3A_557 = arith.constant 0 : i32
      %dma_start3A_558 = arith.constant 0 : i32
      %dma_start3A_559 = tpu.memref_slice %arg10[%scan3A_142, %dma_start3A_557, %dma_start3A_558] : memref<2x256x64xf32, #tpu.memory_space<vmem>> -> memref<1x256x64xf32, #tpu.memory_space<vmem>>
      %dma_start3A_560 = tpu.memref_squeeze %dma_start3A_559 : memref<1x256x64xf32, #tpu.memory_space<vmem>> -> memref<256x64xf32, #tpu.memory_space<vmem>>
      %dma_start3A_561 = arith.constant 0 : i32
      %dma_start3A_562 = tpu.memref_slice %dma_start3A_560[%add3A_548, %dma_start3A_561] : memref<256x64xf32, #tpu.memory_space<vmem>> -> memref<1x64xf32, #tpu.memory_space<vmem>>
      %dma_start3A_563 = arith.constant 0 : i32
      %dma_start3A_564 = tpu.memref_slice %arg5[%squeeze3A_544, %dma_start3A_563] : memref<100000x64xf32, #tpu.memory_space<hbm>> -> memref<1x64xf32, #tpu.memory_space<hbm>>
      tpu.enqueue_dma source(%dma_start3A_564 : memref<1x64xf32, #tpu.memory_space<hbm>>) target(%dma_start3A_562 : memref<1x64xf32, #tpu.memory_space<vmem>>) target_semaphore(%arg11 : memref<!tpu.dma_semaphore, #tpu.memory_space<semaphore_mem>>)
    }
    %scan3A_147 = arith.constant 16 : i32
    %dma_wait3A_148 = arith.constant 1 : i32
    %dma_wait3A_149 = arith.constant 0 : i32
    %dma_wait3A_150 = arith.constant 0 : i32
    %dma_wait3A_151 = tpu.memref_slice %arg10[%dma_wait3A_148, %dma_wait3A_149, %dma_wait3A_150] : memref<2x256x64xf32, #tpu.memory_space<vmem>> -> memref<1x256x64xf32, #tpu.memory_space<vmem>>
    %dma_wait3A_152 = tpu.memref_squeeze %dma_wait3A_151 : memref<1x256x64xf32, #tpu.memory_space<vmem>> -> memref<256x64xf32, #tpu.memory_space<vmem>>
    %dma_wait3A_153 = arith.constant 0 : i32
    %dma_wait3A_154 = arith.constant 0 : i32
    %dma_wait3A_155 = tpu.memref_slice %arg5[%dma_wait3A_153, %dma_wait3A_154] : memref<100000x64xf32, #tpu.memory_space<hbm>> -> memref<256x64xf32, #tpu.memory_space<hbm>>
    %dma_wait3A_156 = arith.constant 0 : i32
    %dma_wait3A_157 = arith.constant 0 : i32
    %dma_wait3A_158 = tpu.memref_slice %arg10[%dma_wait3A_148, %dma_wait3A_156, %dma_wait3A_157] : memref<2x256x64xf32, #tpu.memory_space<vmem>> -> memref<1x256x64xf32, #tpu.memory_space<vmem>>
    %dma_wait3A_159 = tpu.memref_squeeze %dma_wait3A_158 : memref<1x256x64xf32, #tpu.memory_space<vmem>> -> memref<256x64xf32, #tpu.memory_space<vmem>>
    %dma_wait3A_160 = arith.constant 0 : i32
    %dma_wait3A_161 = arith.constant 0 : i32
    %dma_wait3A_162 = tpu.memref_slice %arg5[%dma_wait3A_160, %dma_wait3A_161] : memref<100000x64xf32, #tpu.memory_space<hbm>> -> memref<256x64xf32, #tpu.memory_space<hbm>>
    tpu.wait_dma2 semaphore(%arg11 : memref<!tpu.dma_semaphore, #tpu.memory_space<semaphore_mem>>) src(%dma_wait3A_162 : memref<256x64xf32, #tpu.memory_space<hbm>>) dst(%dma_wait3A_159 : memref<256x64xf32, #tpu.memory_space<vmem>>)
    %add3A_163 = arith.constant 256 : i32
    %add3A_164 = arith.addi %mul3A_2, %add3A_163 : i32
    %dma_start3A_165 = arith.constant 1 : i32
    %dma_start3A_166 = arith.constant 0 : i32
    %dma_start3A_167 = arith.constant 0 : i32
    %dma_start3A_168 = tpu.memref_slice %arg10[%dma_start3A_165, %dma_start3A_166, %dma_start3A_167] : memref<2x256x64xf32, #tpu.memory_space<vmem>> -> memref<1x256x64xf32, #tpu.memory_space<vmem>>
    %dma_start3A_169 = tpu.memref_squeeze %dma_start3A_168 : memref<1x256x64xf32, #tpu.memory_space<vmem>> -> memref<256x64xf32, #tpu.memory_space<vmem>>
    %dma_start3A_170 = arith.constant 0 : i32
    %dma_start3A_171 = tpu.memref_slice %arg7[%add3A_164, %dma_start3A_170] : memref<16384x64xf32, #tpu.memory_space<hbm>> -> memref<256x64xf32, #tpu.memory_space<hbm>>
    %dma_start3A_172 = arith.constant 0 : i32
    %dma_start3A_173 = tpu.memref_slice %arg7[%add3A_164, %dma_start3A_172] : memref<16384x64xf32, #tpu.memory_space<hbm>> -> memref<256x64xf32, #tpu.memory_space<hbm>>
    %dma_start3A_174 = arith.constant 0 : i32
    %dma_start3A_175 = arith.constant 0 : i32
    %dma_start3A_176 = tpu.memref_slice %arg10[%dma_start3A_165, %dma_start3A_174, %dma_start3A_175] : memref<2x256x64xf32, #tpu.memory_space<vmem>> -> memref<1x256x64xf32, #tpu.memory_space<vmem>>
    %dma_start3A_177 = tpu.memref_squeeze %dma_start3A_176 : memref<1x256x64xf32, #tpu.memory_space<vmem>> -> memref<256x64xf32, #tpu.memory_space<vmem>>
    tpu.enqueue_dma source(%dma_start3A_177 : memref<256x64xf32, #tpu.memory_space<vmem>>) target(%dma_start3A_173 : memref<256x64xf32, #tpu.memory_space<hbm>>) target_semaphore(%arg12 : memref<!tpu.dma_semaphore, #tpu.memory_space<semaphore_mem>>)
    %dma_wait3A_178 = arith.constant 0 : i32
    %dma_wait3A_179 = arith.constant 0 : i32
    %dma_wait3A_180 = arith.constant 0 : i32
    %dma_wait3A_181 = tpu.memref_slice %arg10[%dma_wait3A_178, %dma_wait3A_179, %dma_wait3A_180] : memref<2x256x64xf32, #tpu.memory_space<vmem>> -> memref<1x256x64xf32, #tpu.memory_space<vmem>>
    %dma_wait3A_182 = tpu.memref_squeeze %dma_wait3A_181 : memref<1x256x64xf32, #tpu.memory_space<vmem>> -> memref<256x64xf32, #tpu.memory_space<vmem>>
    %dma_wait3A_183 = arith.constant 0 : i32
    %dma_wait3A_184 = arith.constant 0 : i32
    %dma_wait3A_185 = tpu.memref_slice %arg7[%dma_wait3A_183, %dma_wait3A_184] : memref<16384x64xf32, #tpu.memory_space<hbm>> -> memref<256x64xf32, #tpu.memory_space<hbm>>
    %dma_wait3A_186 = arith.constant 0 : i32
    %dma_wait3A_187 = arith.constant 0 : i32
    %dma_wait3A_188 = tpu.memref_slice %arg10[%dma_wait3A_178, %dma_wait3A_186, %dma_wait3A_187] : memref<2x256x64xf32, #tpu.memory_space<vmem>> -> memref<1x256x64xf32, #tpu.memory_space<vmem>>
    %dma_wait3A_189 = tpu.memref_squeeze %dma_wait3A_188 : memref<1x256x64xf32, #tpu.memory_space<vmem>> -> memref<256x64xf32, #tpu.memory_space<vmem>>
    %dma_wait3A_190 = arith.constant 0 : i32
    %dma_wait3A_191 = arith.constant 0 : i32
    %dma_wait3A_192 = tpu.memref_slice %arg7[%dma_wait3A_190, %dma_wait3A_191] : memref<16384x64xf32, #tpu.memory_space<hbm>> -> memref<256x64xf32, #tpu.memory_space<hbm>>
    tpu.wait_dma2 semaphore(%arg12 : memref<!tpu.dma_semaphore, #tpu.memory_space<semaphore_mem>>) src(%dma_wait3A_192 : memref<256x64xf32, #tpu.memory_space<hbm>>) dst(%dma_wait3A_189 : memref<256x64xf32, #tpu.memory_space<vmem>>)
    %dma_wait3A_193 = arith.constant 1 : i32
    %dma_wait3A_194 = arith.constant 0 : i32
    %dma_wait3A_195 = arith.constant 0 : i32
    %dma_wait3A_196 = tpu.memref_slice %arg10[%dma_wait3A_193, %dma_wait3A_194, %dma_wait3A_195] : memref<2x256x64xf32, #tpu.memory_space<vmem>> -> memref<1x256x64xf32, #tpu.memory_space<vmem>>
    %dma_wait3A_197 = tpu.memref_squeeze %dma_wait3A_196 : memref<1x256x64xf32, #tpu.memory_space<vmem>> -> memref<256x64xf32, #tpu.memory_space<vmem>>
    %dma_wait3A_198 = arith.constant 0 : i32
    %dma_wait3A_199 = arith.constant 0 : i32
    %dma_wait3A_200 = tpu.memref_slice %arg7[%dma_wait3A_198, %dma_wait3A_199] : memref<16384x64xf32, #tpu.memory_space<hbm>> -> memref<256x64xf32, #tpu.memory_space<hbm>>
    %dma_wait3A_201 = arith.constant 0 : i32
    %dma_wait3A_202 = arith.constant 0 : i32
    %dma_wait3A_203 = tpu.memref_slice %arg10[%dma_wait3A_193, %dma_wait3A_201, %dma_wait3A_202] : memref<2x256x64xf32, #tpu.memory_space<vmem>> -> memref<1x256x64xf32, #tpu.memory_space<vmem>>
    %dma_wait3A_204 = tpu.memref_squeeze %dma_wait3A_203 : memref<1x256x64xf32, #tpu.memory_space<vmem>> -> memref<256x64xf32, #tpu.memory_space<vmem>>
    %dma_wait3A_205 = arith.constant 0 : i32
    %dma_wait3A_206 = arith.constant 0 : i32
    %dma_wait3A_207 = tpu.memref_slice %arg7[%dma_wait3A_205, %dma_wait3A_206] : memref<16384x64xf32, #tpu.memory_space<hbm>> -> memref<256x64xf32, #tpu.memory_space<hbm>>
    tpu.wait_dma2 semaphore(%arg12 : memref<!tpu.dma_semaphore, #tpu.memory_space<semaphore_mem>>) src(%dma_wait3A_207 : memref<256x64xf32, #tpu.memory_space<hbm>>) dst(%dma_wait3A_204 : memref<256x64xf32, #tpu.memory_space<vmem>>)
    return
  }
}

module attributes {stable_mosaic.version = 14 : i64} {
  func.func @_tc_combine_body(%arg0: i32, %arg1: memref<2048x20xf32, #tpu.memory_space<vmem>>, %arg2: memref<2048x64xf32, #tpu.memory_space<vmem>>, %arg3: memref<2048x64xf32, #tpu.memory_space<vmem>>, %arg4: memref<20x64xf32, #tpu.memory_space<vmem>>, %arg5: memref<1x64xf32, #tpu.memory_space<vmem>>, %arg6: memref<2048xf32, #tpu.memory_space<vmem>>) attributes {dimension_semantics = [#tpu.dimension_semantics<arbitrary>], iteration_bounds = array<i64: 8>, scalar_prefetch = 0 : i64, scratch_operands = 0 : i64, tpu.core_type = #tpu.core_type<tc>, window_params = [{transform_indices = @transform_0, window_bounds = array<i64: 2048, 20>}, {transform_indices = @transform_1, window_bounds = array<i64: 2048, 64>}, {transform_indices = @transform_2, window_bounds = array<i64: 2048, 64>}, {pipeline_mode = #tpu.pipeline_mode<synchronous>, transform_indices = @transform_3, window_bounds = array<i64: 20, 64>}, {pipeline_mode = #tpu.pipeline_mode<synchronous>, transform_indices = @transform_4, window_bounds = array<i64: 1, 64>}, {transform_indices = @transform_5, window_bounds = array<i64: 2048>}]} {
    %get3A = arith.constant 0 : index
    %get3A_0 = arith.constant 0 : index
    %get3A_1 = vector.load %arg1[%get3A, %get3A_0] : memref<2048x20xf32, #tpu.memory_space<vmem>>, vector<2048x20xf32>
    %get3A_2 = arith.constant 0 : index
    %get3A_3 = arith.constant 0 : index
    %get3A_4 = vector.load %arg4[%get3A_2, %get3A_3] : memref<20x64xf32, #tpu.memory_space<vmem>>, vector<20x64xf32>
    %dot_general3A = arith.constant dense<0.000000e+00> : vector<2048x64xf32>
    %dot_general3A_5 = tpu.matmul %get3A_1, %get3A_4, %dot_general3A {dimension_numbers = #tpu.dot_dimension_numbers<[1], [0], [0], [1], [0, 0, 1, 1], [], []>, transpose_lhs_hint = false} : vector<2048x20xf32>, vector<20x64xf32>, vector<2048x64xf32> -> vector<2048x64xf32>
    %get3A_6 = arith.constant 0 : index
    %get3A_7 = arith.constant 0 : index
    %get3A_8 = vector.load %arg5[%get3A_6, %get3A_7] : memref<1x64xf32, #tpu.memory_space<vmem>>, vector<1x64xf32>
    %add3A = vector.broadcast %get3A_8 : vector<1x64xf32> to vector<2048x64xf32>
    %add3A_9 = arith.addf %dot_general3A_5, %add3A : vector<2048x64xf32>
    %get3A_10 = arith.constant 0 : index
    %get3A_11 = arith.constant 0 : index
    %get3A_12 = vector.load %arg2[%get3A_10, %get3A_11] : memref<2048x64xf32, #tpu.memory_space<vmem>>, vector<2048x64xf32>
    %get3A_13 = arith.constant 0 : index
    %get3A_14 = arith.constant 0 : index
    %get3A_15 = vector.load %arg3[%get3A_13, %get3A_14] : memref<2048x64xf32, #tpu.memory_space<vmem>>, vector<2048x64xf32>
    %add3A_16 = arith.addf %get3A_15, %add3A_9 : vector<2048x64xf32>
    %mul3A = arith.mulf %get3A_12, %add3A_16 : vector<2048x64xf32>
    %reduce_sum3A = arith.constant dense<0.000000e+00> : vector<2048xf32>
    %reduce_sum3A_17 = vector.multi_reduction <add>, %mul3A, %reduce_sum3A [1] : vector<2048x64xf32> to vector<2048xf32>
    %swap3A = arith.constant 0 : index
    %swap3A_18 = vector.load %arg6[%swap3A] : memref<2048xf32, #tpu.memory_space<vmem>>, vector<2048xf32>
    tpu.vector_store %arg6[%swap3A], %reduce_sum3A_17 {strides = array<i32>} : memref<2048xf32, #tpu.memory_space<vmem>>, vector<2048xf32>,
    return
  }
  func.func @transform_0(%arg0: i32) -> (i32, i32) {
    %c0_i32 = arith.constant 0 : i32
    %c0_i32_0 = arith.constant 0 : i32
    return %arg0, %c0_i32 : i32, i32
  }
  func.func @transform_1(%arg0: i32) -> (i32, i32) {
    %c0_i32 = arith.constant 0 : i32
    %c0_i32_0 = arith.constant 0 : i32
    return %arg0, %c0_i32 : i32, i32
  }
  func.func @transform_2(%arg0: i32) -> (i32, i32) {
    %c0_i32 = arith.constant 0 : i32
    %c0_i32_0 = arith.constant 0 : i32
    return %arg0, %c0_i32 : i32, i32
  }
  func.func @transform_3(%arg0: i32) -> (i32, i32) {
    %c0_i32 = arith.constant 0 : i32
    %c0_i32_0 = arith.constant 0 : i32
    %c0_i32_1 = arith.constant 0 : i32
    return %c0_i32, %c0_i32_0 : i32, i32
  }
  func.func @transform_4(%arg0: i32) -> (i32, i32) {
    %c0_i32 = arith.constant 0 : i32
    %c0_i32_0 = arith.constant 0 : i32
    %c0_i32_1 = arith.constant 0 : i32
    return %c0_i32, %c0_i32_0 : i32, i32
  }
  func.func @transform_5(%arg0: i32) -> i32 {
    %c0_i32 = arith.constant 0 : i32
    return %arg0 : i32
  }
}

</mosaic_0001>

<sc_bundles>
// kernel: kernel.4.cloned.1.call-start
scs
__scs_entry_jumppad:
0x0: {  	(pc) =	sbr.rel $0x88, $3  }
0x1: {  	(tag) =	ssettag $0x0;
	lr =	simm.s32 $0x1  }
0x2: {  	[smem:$0x3F9A] =	sst lr;
	_ =	strace $0xD0000000  }
0x3: {  	_ = 	snop  }
0x4: {  	_ = 	snop  }
0x5: {  	_ = 	snop  }
0x6: {  	_ = 	snop  }
0x7: {  	_ = 	snop  }
__scs_overlays_trampoline_lowered:
0x8: {  	[smem:$0x3FA9] =	sst s0  }
0x9: {  	[smem:$0x3FAA] =	sst s1  }
0xa: {  	[smem:$0x3FAB] =	sst s2  }
0xb: {  	[smem:$0x3FAC] =	sst s3  }
0xc: {  	[smem:$0x3FAD] =	sst s4  }
0xd: {  	[smem:$0x3FAE] =	sst s5  }
0xe: {  	[smem:$0x3FAF] =	sst s6  }
0xf: {  	[smem:$0x3FB0] =	sst s7  }
0x10: {  	[smem:$0x3FB1] =	sst s8  }
0x11: {  	[smem:$0x3FB2] =	sst s9;
	s0 =	simm.s32 @!p0 $0x0  }
0x12: {  	s1 =	sld [smem:$0x3F98];
	s0 =	simm.s32 @p0 $0x1  }
0x13: {  	[smem:$0x3FB3] =	sst s0;
	s0 =	simm.s32 @!p1 $0x0  }
0x14: {  	s2 =	sld [smem:$0x3F97];
	s0 =	simm.s32 @p1 $0x1  }
0x15: {  	[smem:$0x3FB4] =	sst s0;
	s0 =	simm.s32 @!p2 $0x0  }
0x16: {  	s3 =	sld [smem:$0x3FDB];
	s0 =	simm.s32 @p2 $0x1  }
0x17: {  	s4 =	simm.s32 $0x1BF5;
	[smem:$0x3FB6] =	sst s0  }
0x18: {  	s0 =	sld [smem:$0x3F99];
	_ =	swait.ge [sflag:s4], $0x0  }
0x19: {  	s7 =	sld [smem:$0x3F9A]  }
0x1a: {  	s8 =	sadd.s32 $0xFFFFE003, lr  }
0x1b: {  	s9 =	sadd.s32 $0xFFFFFEF7, lr;
	s5 =	simm.s32 $0xFFFFFFFF;
	p2 =	slt.u32 s8, $0xFFFFF086  }
0x1c: {  	p1 =	slt.u32 s9, $0xF7A;
	s5 =	simm.s32 @!p2 $0x0  }
0x1d: {  	s5 =	simm.s32 @p1 $0x1;
	p0 =	seq.s32 s7, s2  }
0x1e: {  	s7 =	smul.u32 @!p0 $0xF7A, s2;
	p2 =	seq.s32 @!p0 s5, $0x0  }
0x1f: {  	s9 =	smul.u32 $0xF7A, s1;
	s8 =	simm.s32 @!p0 $0x1BF5;
	p2 =	por !p2, p0  }
0x20: {  	[sflag:s8] =	ssyncset.s32 @!p0 $0xFFFFF086;
	s6 =	sadd.s32 @!p0 s3, s7;
	s7 =	simm.s32 @!p0 $0x108  }
0x21: {  	s3 =	sadd.s32 s3, s9;
	s6 =	sadd.s32 @!p0 $0x88, s6;
	s7 =	simm.s32 @p2 $0x1082  }
0x22: {  	[simem:s7], [sflag:s8] =	dma.local @!p0 [hbm:s6], $0xF7A  }
0x23: {  	s9 =	sor.u32 $0xD0000000, s2;
	s6 =	simm.s32 $0x108;
	_ =	swait.ge @!p0 [sflag:s8], $0x0  }
0x24: {  	s3 =	sadd.s32 $0x88, s3;
	s6 =	simm.s32 @!p1 $0x1082;
	[sflag:s4] =	ssyncset.s32 $0xFFFFF086  }
0x25: {  	[simem:s6], [sflag:s4] =	dma.local [hbm:s3], $0xF7A  }
0x26: {  	[smem:$0x3F9A] =	sst s1;
	(tag) =	ssettag s2;
	_ =	strace s9  }
0x27: {  	s1 =	sld [smem:$0x3FAA]  }
0x28: {  	s2 =	sld [smem:$0x3FAB]  }
0x29: {  	s4 =	sld [smem:$0x3FAD]  }
0x2a: {  	p0 =	seq.s32 s5, $0x0;
	s5 =	sld [smem:$0x3FAE]  }
0x2b: {  	s6 =	sld [smem:$0x3FAF]  }
0x2c: {  	s7 =	sld [smem:$0x3FB0]  }
0x2d: {  	s3 =	simm.s32 $0x108;
	s8 =	sld [smem:$0x3FB1]  }
0x2e: {  	s3 =	simm.s32 @!p0 $0x1082;
	s9 =	sld [smem:$0x3FB2]  }
0x2f: {  	lr =	sadd.s32 s0, s3;
	s0 =	sld [smem:$0x3FA9]  }
0x30: {  	s3 =	sld [smem:$0x3FAC]  }
0x31: {  	[smem:$0x3FB5] =	sst s10  }
0x32: {  	s10 =	sld [smem:$0x3FB3];
	_ =	sdelay $0x3  }
0x33: {  	p0 =	seq.s32 s10, $0x1;
	s10 =	sld [smem:$0x3FB5];
	_ =	sdelay $0x3  }
0x34: {  	[smem:$0x3FB5] =	sst s10  }
0x35: {  	s10 =	sld [smem:$0x3FB4];
	_ =	sdelay $0x3  }
0x36: {  	p1 =	seq.s32 s10, $0x1;
	s10 =	sld [smem:$0x3FB5];
	_ =	sdelay $0x3  }
0x37: {  	[smem:$0x3FB5] =	sst s10  }
0x38: {  	s10 =	sld [smem:$0x3FB6]  }
0x39: {  	_ = 	snop;
	(pc) =	sbr.ind lr, $3  }
0x3a: {  	_ = 	snop  }
0x3b: {  	_ = 	snop  }
0x3c: {  	p2 =	seq.s32 s10, $0x1;
	s10 =	sld [smem:$0x3FB5]  }
0x3d: {  	_ =	shalt  }
0x3e: {  	_ =	shalt  }
0x3f: {  	_ =	shalt  }
0x40: {  	_ =	shalt  }
0x41: {  	_ =	shalt  }
0x42: {  	_ =	shalt  }
0x43: {  	_ =	shalt  }
0x44: {  	_ =	shalt  }
0x45: {  	_ =	shalt  }
0x46: {  	_ =	shalt  }
0x47: {  	_ =	shalt  }
0x48: {  	_ =	shalt  }
0x49: {  	_ =	shalt  }
0x4a: {  	_ =	shalt  }
0x4b: {  	_ =	shalt  }
0x4c: {  	_ =	shalt  }
0x4d: {  	_ =	shalt  }
0x4e: {  	_ =	shalt  }
0x4f: {  	_ =	shalt  }
0x50: {  	_ =	shalt  }
0x51: {  	_ =	shalt  }
0x52: {  	_ =	shalt  }
0x53: {  	_ =	shalt  }
0x54: {  	_ =	shalt  }
0x55: {  	_ =	shalt  }
0x56: {  	_ =	shalt  }
0x57: {  	_ =	shalt  }
0x58: {  	_ =	shalt  }
0x59: {  	_ =	shalt  }
0x5a: {  	_ =	shalt  }
0x5b: {  	_ =	shalt  }
0x5c: {  	_ =	shalt  }
0x5d: {  	_ =	shalt  }
0x5e: {  	_ =	shalt  }
0x5f: {  	_ =	shalt  }
0x60: {  	_ =	shalt  }
0x61: {  	_ =	shalt  }
0x62: {  	_ =	shalt  }
0x63: {  	_ =	shalt  }
0x64: {  	_ =	shalt  }
0x65: {  	_ =	shalt  }
0x66: {  	_ =	shalt  }
0x67: {  	_ =	shalt  }
0x68: {  	_ =	shalt  }
0x69: {  	_ =	shalt  }
0x6a: {  	_ =	shalt  }
0x6b: {  	_ =	shalt  }
0x6c: {  	_ =	shalt  }
0x6d: {  	_ =	shalt  }
0x6e: {  	_ =	shalt  }
0x6f: {  	_ =	shalt  }
0x70: {  	_ =	shalt  }
0x71: {  	_ =	shalt  }
0x72: {  	_ =	shalt  }
0x73: {  	_ =	shalt  }
0x74: {  	_ =	shalt  }
0x75: {  	_ =	shalt  }
0x76: {  	_ =	shalt  }
0x77: {  	_ =	shalt  }
0x78: {  	_ =	shalt  }
0x79: {  	_ =	shalt  }
0x7a: {  	_ =	shalt  }
0x7b: {  	_ =	shalt  }
0x7c: {  	_ =	shalt  }
0x7d: {  	_ =	shalt  }
0x7e: {  	_ =	shalt  }
0x7f: {  	_ =	shalt  }
0x80: {  	_ =	shalt  }
0x81: {  	_ =	shalt  }
0x82: {  	_ =	shalt  }
0x83: {  	_ =	shalt  }
0x84: {  	_ =	shalt  }
0x85: {  	_ =	shalt  }
0x86: {  	_ =	shalt  }
0x87: {  	_ =	shalt  }
.Lfunc_end0:
.L_simem_size_0:
called_computation_lowered:
.L_overlay_start_0:
0x88: {  	s2 =	sld [smem:$0x3FD9]  }
0x89: {  	s3 =	sld [smem:$0x3FFE];
	_ =	sdelay $0x1  }
0x8a: {  	s1 =	srdreg.scid  }
0x8b: {  	s0 =	sand.u32 $0x1, s1  }
0x8c: {  	s17 =	sshll.u32 s0, $0xA;
	s2 =	sadd.s32 s3, s2  }
0x8d: {  	s2 =	sadd.s32 s2, s17  }
0x8e: {  	[smem:$0x3FC1] =	sst s2  }
0x8f: {  	_ = 	snop  }
0x90: {  	s2 =	sld [smem:$0x3FC9]  }
0x91: {  	s18 =	sld [smem:$0x3FC8];
	(tm) =	ssettm $0x1  }
0x92: {  	s4 =	sld [smem:$0x3FFB];
	_ =	sdelay $0x3  }
0x93: {  	_ =	strace s4  }
0x94: {  	s4 =	sld [smem:$0x3FFC];
	_ =	sdelay $0x3  }
0x95: {  	_ =	strace s4  }
0x96: {  	s4 =	sld [smem:$0x3FFD];
	_ =	sdelay $0x3  }
0x97: {  	_ =	strace s4  }
0x98: {  	_ =	strace $0x8FFFFFFF  }
0x99: {  	s19 =	sld [smem:$0x3FDB];
	_ =	sdelay $0x1  }
0x9a: {  	s5 =	simm.s32 $_scs_section_size  }
0x9b: {  	s6 =	simm.s32 $_size__tile_overlayer_lowered;
	s7 =	simm.s32 $_tile_overlayer_lowered  }
0x9c: {  	s22 =	simm.s32 $0x1BFF;
	s21 =	sshll.u32 s7, $0x1;
	s4 =	sadd.s32 s5, s19  }
0x9d: {  	s8 =	simm.s32 $0x0;
	s20 =	sshll.u32 s6, $0x1;
	s6 =	sadd.s32 s21, s4  }
0x9e: {  	[timem:s8], [sflag:s22] =	dma.local [hbm:s6], s20  }
0x9f: {  	_ =	swait.ge [sflag:s22], s20  }
0xa0: {  	s5 =	ssub.s32 $0x0, s20;
	[sflag:s22] =	ssyncset.done $0x0  }
0xa1: {  	[sflag:s22] =	ssyncadd.s32 s5;
	_ =	sdelay $0x1  }
0xa2: {  	s23 =	simm.s32 $0x1B8B  }
0xa3: {  	_ =	swait.ge [sflag:s23], $0x1  }
0xa4: {  	[sflag:s23] =	ssyncset.done $0x0  }
0xa5: {  	s25 =	simm.s32 $0x1B8E;
	s24 =	sld [smem:$0x3FFE];
	[sflag:s23] =	ssyncadd.s32 $0xFFFFFFFF  }
0xa6: {  	s26 =	simm.s32 $execute0_lowered;
	[smem:$0x3FD2] =	sst s25  }
0xa7: {  	s6 =	sshll.u32 s26, $0x1;
	_ =	strace $0x80000046;
	[dreg:$0x1] =	wrdreg $0xFFFFFFFF  }
0xa8: {  	s28 =	simm.s32 $_size_execute0_lowered;
	s4 =	sadd.s32 s4, s6;
	[dreg:$0x0] =	wrdreg $0x0  }
0xa9: {  	s6 =	sshll.u32 s28, $0x1;
	[dreg:$0x2] =	wrdreg s4  }
0xaa: {  	[dreg:$0x3] =	wrdreg s6  }
0xab: {  	[dreg:$0x4] =	wrdreg $0xC0  }
0xac: {  	_ =	task [dreg:s8], $0x5FFFF  }
0xad: {  	[dreg:$0x1] =	wrdreg $0xFFFFFFFF  }
0xae: {  	[dreg:$0x0] =	wrdreg $0x60  }
0xaf: {  	[dreg:$0x2] =	wrdreg s2  }
0xb0: {  	[dreg:$0x3] =	wrdreg s18  }
0xb1: {  	[dreg:$0x4] =	wrdreg s24  }
0xb2: {  	[dreg:$0x5] =	wrdreg $0x9  }
0xb3: {  	_ =	task.clear_ibuf [dreg:s8], $0x6FFFF;
	_ =	strace $0x90000046  }
0xb4: {  	s29 =	simm.s32 $0x9;
	_ =	strace $0x80000048  }
0xb5: {  	_ =	swait.ge [sflag:s29], $0x1  }
0xb6: {  	[sflag:s29] =	ssyncadd.s32 $0xFFFFFFFF  }
0xb7: {  	_ =	strace $0x90000048  }
0xb8: {  	_ =	sfence  }
0xb9: {  	s30 =	sld [smem:$0x0];
	_ =	sdelay $0x2  }
0xba: {  	s31 =	sshll.u32 s1, $0xD;
	s1 =	sshrl.u32 s1, $0x2  }
0xbb: {  	s3 =	sand.u32 $0x4000, s31;
	s1 =	sadd.s32 s1, s30  }
0xbc: {  	s0 =	sor.u32 s3, s0;
	s1 =	sshll.u32 s1, $0x11  }
0xbd: {  	s0 =	sor.u32 s1, s0  }
0xbe: {  	s0 =	sadd.s32 $0x8F2B, s0  }
0xbf: {  	[sflag:s0] =	ssyncadd.remote.s32 $0x1  }
0xc0: {  	_ =	sfence.sel $0xFFFF  }
0xc1: {  	[dreg:$0x0] =	wrdreg $0xFFFFFFFF;
	(pc) =	sbr.abs _section_cstart, $3  }
0xc2: {  	[dreg:$0x1] =	wrdreg $0xFFFFFFFF  }
0xc3: {  	_ =	task.clear_ibuf [dreg:s8], $0x2FFFF;
	_ =	strace $0x9FFFFFFF  }
0xc4: {  	(tm) =	ssettm $0x7FFFFFFF  }
0xc5: {  	_ =	shalt  }
tec
execute0_lowered:
.L_overlay_start_1:
0x0: {  	(tag) =	ssettag $0x1  }
0x1: {  	s5 =	rddreg [dreg:$0x0]  }
0x2: {  	s6 =	rddreg [dreg:$0x1]  }
0x3: {  	s7 =	rddreg [dreg:$0x2]  }
0x4: {  	s1 =	simm.s32 $0x0;
	s8 =	srdreg.scid;
	s0 =	stileid.u32  }
0x5: {  	s14 =	simm.s32 $0x1;
	s17 =	simm.s32 $0x2;
	s18 =	simm.s32 $0x0  }
0x6: {  	[smem:$0x7FF] =	sst s1;
	s3 =	sadd.s32 $0x1200, s7;
	s8 =	sand.u32 $0x1, s8  }
0x7: {  	s11 =	sshll.u32 s0, $0xA;
	s10 =	ssub.s32 $0x2, s8;
	s8 =	sshll.u32 s8, $0x9  }
0x8: {  	s4 =	sadd.s32 $0xF43600, s7;
	s9 =	sadd.s32 $0x10CA000, s7;
	s8 =	sor.u32 s8, s11  }
0x9: {  	s12 =	sadd.s32 $0x110A000, s7;
	s24 =	sshrl.u32 s10, $0x1;
	s26 =	sshrl.u32 s8, $0x3  }
0xa: {  	_ =	strace $0x80000047;
	s25 =	ssub.s32 s10, s24;
	s29 =	sadd.s32 s5, s26  }
0xb: {  	s28 =	sshll.u32 s8, $0x4;
	s30 =	sadd.s32 s6, s26;
	[dreg:$0x4] =	wrdreg s29  }
0xc: {  	s13 =	sor.u32 $0x1000, s28;
	s31 =	sadd.s32 s9, s28;
	[dreg:$0x5] =	wrdreg s30  }
0xd: {  	s11 =	smax.u32 s25, $0x1;
	[dreg:$0x6] =	wrdreg s31;
	s8 =	sadd.s32 s9, s13  }
0xe: {  	s9 =	sadd.s32 s12, s28;
	s10 =	sadd.s32 s12, s13;
	s12 =	simm.s32 $0x3  }
.LBB2_1:
0xf: {  	s0 =	rddreg [dreg:$0x4]  }
0x10: {  	[tilespmem:s1], [sflag:$0x3] =	stream.linear.gather [hbm4b:s0+s1], $0x200, $0x38;
	[tilespmem:$0x10400] =	vst v63  }
0x11: {  	_ =	swait.ge [sflag:s12], $0x200  }
0x12: {  	[sflag:s12] =	ssyncset.done $0x0  }
0x13: {  	s2 =	simm.s32 $0x200;
	s31 =	rddreg [dreg:$0x5];
	[sflag:s12] =	ssyncadd.s32 $0xFFFFFE00  }
0x14: {  	[tilespmem:s2], [sflag:$0x3] =	stream.linear.gather [hbm4b:s31+s1], $0x200, $0x38;
	[tilespmem:$0x10400] =	vst v63  }
0x15: {  	_ =	swait.ge [sflag:s12], $0x200  }
0x16: {  	[sflag:s12] =	ssyncset.done $0x0  }
0x17: {  	[sflag:s12] =	ssyncadd.s32 $0xFFFFFE00  }
0x18: {  	v0 =	vld [tilespmem:s1+$0x0];
	_ =	sdelay $0x4  }
0x19: {  	v0 =	vshll.u32 v0, $0x4  }
0x1a: {  	(v2sf) =	vpush v0, $0x0  }
0x1b: {  	(v2sf) =	vpush v0, $0x1  }
0x1c: {  	(v2sf) =	vpush v0, $0x2;
	_ =	sdelay $0x1  }
0x1d: {  	(v2sf) =	vpush v0, $0x4;
	_ =	sdelay $0x1  }
0x1e: {  	(v2sf) =	vpush v0, $0x3  }
0x1f: {  	(v2sf) =	vpush v0, $0x5  }
0x20: {  	s20 =	simm.s32 $0x2000;
	s19 =	simm.s32 $0x0;
	s21 =	simm.s32 $0x0;
	(v2sf) =	vpush v0, $0x6  }
.LBB2_2:
0x21: {  	p0 =	sne.s32 s20, $0x1E000  }
0x22: {  	s0 =	sadd.s32 $0x480, s19;
	s25 =	sadd.s32 $0x980, s19;
	s22 =	smov.u32 s20  }
0x23: {  	s20 =	sadd.s32 $0x2000, s20;
	s29 =	sadd.s32 $0x780, s19;
	s23 =	sadd.s32 $0xA00, s19;
	(v2sf) =	vpush v0, $0x7  }
0x24: {  	s31 =	sadd.s32 $0x680, s19;
	s28 =	sadd.s32 $0x800, s19;
	s24 =	sadd.s32 $0xA80, s19  }
0x25: {  	s2 =	sadd.s32 $0x400, s19;
	s13 =	sadd.s32 $0x600, s19;
	(v2sf) =	vpush v0, $0x8  }
0x26: {  	s15 =	sadd.s32 $0x700, s19;
	s21 =	sadd.s32 $0x10, s21  }
0x27: {  	s16 =	sadd.s32 $0x500, s19;
	s26 =	sadd.s32 $0x900, s19;
	s30 =	spop (v2sf);
	(v2sf) =	vpush v0, $0x9  }
0x28: {  	s5 =	sand.u32 $0x1FFFFFF0, s30;
	s30 =	sadd.s32 $0x880, s19;
	s6 =	spop (v2sf)  }
0x29: {  	s5 =	sadd.s32 s3, s5;
	s6 =	sand.u32 $0x1FFFFFF0, s6;
	s7 =	spop (v2sf);
	(v2sf) =	vpush v0, $0xA  }
0x2a: {  	[tilespmem:s2], [sflag:$0x1] =	stream.linear.gather [hbm4b:s5+s1], $0x80, $0x38;
	[tilespmem:$0x10400] =	vst v63  }
0x2b: {  	s2 =	sadd.s32 s3, s6;
	s5 =	sadd.s32 $0x580, s19;
	s6 =	spop (v2sf);
	(v2sf) =	vpush v0, $0xB  }
0x2c: {  	[tilespmem:s0], [sflag:$0x1] =	stream.linear.gather [hbm4b:s2+s1], $0x80, $0x38;
	[tilespmem:$0x10400] =	vst v63  }
0x2d: {  	s0 =	sand.u32 $0x1FFFFFF0, s7;
	s2 =	sand.u32 $0x1FFFFFF0, s6;
	s6 =	spop (v2sf);
	(v2sf) =	vpush v0, $0xC  }
0x2e: {  	s0 =	sadd.s32 s3, s0;
	s6 =	sand.u32 $0x1FFFFFF0, s6;
	s7 =	spop (v2sf)  }
0x2f: {  	[tilespmem:s16], [sflag:$0x1] =	stream.linear.gather [hbm4b:s0+s1], $0x80, $0x38;
	(v2sf) =	vpush v0, $0xD;
	[tilespmem:$0x10400] =	vst v63  }
0x30: {  	s0 =	sadd.s32 s3, s6;
	s6 =	sand.u32 $0x1FFFFFF0, s7;
	s7 =	spop (v2sf)  }
0x31: {  	[tilespmem:s5], [sflag:$0x1] =	stream.linear.gather [hbm4b:s0+s1], $0x80, $0x38;
	(v2sf) =	vpush v0, $0xE;
	[tilespmem:$0x10400] =	vst v63  }
0x32: {  	s0 =	sadd.s32 s3, s2;
	s2 =	sand.u32 $0x1FFFFFF0, s7;
	s5 =	spop (v2sf)  }
0x33: {  	[tilespmem:s13], [sflag:$0x1] =	stream.linear.gather [hbm4b:s0+s1], $0x80, $0x38;
	(v2sf) =	vpush v0, $0xF;
	[tilespmem:$0x10400] =	vst v63  }
0x34: {  	s0 =	sadd.s32 s3, s6;
	s5 =	sand.u32 $0x1FFFFFF0, s5;
	s6 =	spop (v2sf)  }
0x35: {  	[tilespmem:s31], [sflag:$0x1] =	stream.linear.gather [hbm4b:s0+s1], $0x80, $0x38;
	[tilespmem:$0x10400] =	vst v63  }
0x36: {  	s0 =	sadd.s32 s3, s2;
	s2 =	sand.u32 $0x1FFFFFF0, s6;
	s6 =	spop (v2sf)  }
0x37: {  	[tilespmem:s15], [sflag:$0x1] =	stream.linear.gather [hbm4b:s0+s1], $0x80, $0x38;
	[tilespmem:$0x10400] =	vst v63  }
0x38: {  	s0 =	sadd.s32 s3, s5;
	s5 =	sand.u32 $0x1FFFFFF0, s6;
	s6 =	spop (v2sf)  }
0x39: {  	[tilespmem:s29], [sflag:$0x1] =	stream.linear.gather [hbm4b:s0+s1], $0x80, $0x38;
	[tilespmem:$0x10400] =	vst v63  }
0x3a: {  	s0 =	sadd.s32 s3, s2;
	s2 =	sand.u32 $0x1FFFFFF0, s6;
	s6 =	spop (v2sf)  }
0x3b: {  	[tilespmem:s28], [sflag:$0x1] =	stream.linear.gather [hbm4b:s0+s1], $0x80, $0x38;
	[tilespmem:$0x10400] =	vst v63  }
0x3c: {  	s0 =	sadd.s32 s3, s5;
	s5 =	sand.u32 $0x1FFFFFF0, s6;
	s6 =	spop (v2sf)  }
0x3d: {  	[tilespmem:s30], [sflag:$0x1] =	stream.linear.gather [hbm4b:s0+s1], $0x80, $0x38;
	[tilespmem:$0x10400] =	vst v63  }
0x3e: {  	s0 =	sadd.s32 s3, s2;
	s2 =	sand.u32 $0x1FFFFFF0, s6;
	s6 =	spop (v2sf)  }
0x3f: {  	[tilespmem:s26], [sflag:$0x1] =	stream.linear.gather [hbm4b:s0+s1], $0x80, $0x38;
	[tilespmem:$0x10400] =	vst v63  }
0x40: {  	s0 =	sadd.s32 s3, s5;
	s5 =	sand.u32 $0x1FFFFFF0, s6;
	s6 =	spop (v2sf)  }
0x41: {  	[tilespmem:s25], [sflag:$0x1] =	stream.linear.gather [hbm4b:s0+s1], $0x80, $0x38;
	[tilespmem:$0x10400] =	vst v63  }
0x42: {  	s0 =	sadd.s32 s3, s2;
	s2 =	sand.u32 $0x1FFFFFF0, s6;
	s6 =	spop (v2sf)  }
0x43: {  	[tilespmem:s23], [sflag:$0x1] =	stream.linear.gather [hbm4b:s0+s1], $0x80, $0x38;
	[tilespmem:$0x10400] =	vst v63  }
0x44: {  	s0 =	sadd.s32 s3, s5;
	s5 =	sand.u32 $0x1FFFFFF0, s6  }
0x45: {  	[tilespmem:s24], [sflag:$0x1] =	stream.linear.gather [hbm4b:s0+s1], $0x80, $0x38;
	[tilespmem:$0x10400] =	vst v63  }
0x46: {  	s2 =	sadd.s32 s3, s2;
	s0 =	sadd.s32 $0xB00, s19  }
0x47: {  	[tilespmem:s0], [sflag:$0x1] =	stream.linear.gather [hbm4b:s2+s1], $0x80, $0x38;
	[tilespmem:$0x10400] =	vst v63  }
0x48: {  	s0 =	sadd.s32 $0xB80, s19;
	s2 =	sadd.s32 s3, s5  }
0x49: {  	[tilespmem:s0], [sflag:$0x1] =	stream.linear.gather [hbm4b:s2+s1], $0x80, $0x38;
	[tilespmem:$0x10400] =	vst v63  }
0x4a: {  	v0 =	vld [tilespmem:s21+$0x0];
	_ =	sdelay $0x4  }
0x4b: {  	v0 =	vshll.u32 v0, $0x4  }
0x4c: {  	(v2sf) =	vpush v0, $0x0  }
0x4d: {  	(v2sf) =	vpush v0, $0x1  }
0x4e: {  	(v2sf) =	vpush v0, $0x2;
	_ =	sdelay $0x1  }
0x4f: {  	(v2sf) =	vpush v0, $0x4  }
.Ltmp0:
0x50: {  	(pc) =	sbr.rel @p0 .LBB2_2-.Ltmp0, $3  }
0x51: {  	(v2sf) =	vpush v0, $0x3  }
0x52: {  	(v2sf) =	vpush v0, $0x5;
	_ =	sdelay $0x1  }
0x53: {  	s19 =	sshra.s32 s22, $0x2;
	(v2sf) =	vpush v0, $0x6  }
0x54: {  	_ =	sdelay $0x1  }
0x55: {  	s0 =	sadd.s32 $0x480, s19;
	s22 =	sadd.s32 $0x980, s19  }
0x56: {  	s2 =	sadd.s32 $0x780, s19;
	s20 =	sadd.s32 $0xA00, s19;
	(v2sf) =	vpush v0, $0x7;
	s5 =	sadd.s32 $0x680, s19  }
0x57: {  	s6 =	sadd.s32 $0x800, s19;
	s21 =	sadd.s32 $0xA80, s19;
	s7 =	sadd.s32 $0x400, s19  }
0x58: {  	s13 =	sadd.s32 $0x600, s19;
	s15 =	sadd.s32 $0x700, s19;
	(v2sf) =	vpush v0, $0x8;
	s16 =	spop (v2sf)  }
0x59: {  	s23 =	sadd.s32 $0x500, s19;
	s16 =	sand.u32 $0x1FFFFFF0, s16;
	s24 =	spop (v2sf)  }
0x5a: {  	(v2sf) =	vpush v0, $0x9;
	s16 =	sadd.s32 s3, s16;
	s24 =	sand.u32 $0x1FFFFFF0, s24;
	s25 =	spop (v2sf)  }
0x5b: {  	[tilespmem:s7], [sflag:$0x1] =	stream.linear.gather [hbm4b:s16+s1], $0x80, $0x38;
	[tilespmem:$0x10400] =	vst v63  }
0x5c: {  	s26 =	sadd.s32 $0x580, s19;
	(v2sf) =	vpush v0, $0xA;
	s30 =	sadd.s32 s3, s24;
	s31 =	spop (v2sf)  }
0x5d: {  	[tilespmem:s0], [sflag:$0x1] =	stream.linear.gather [hbm4b:s30+s1], $0x80, $0x38;
	[tilespmem:$0x10400] =	vst v63  }
0x5e: {  	s7 =	sadd.s32 $0x900, s19;
	s28 =	sand.u32 $0x1FFFFFF0, s25;
	(v2sf) =	vpush v0, $0xB;
	s29 =	spop (v2sf)  }
0x5f: {  	s16 =	sadd.s32 s3, s28;
	s0 =	sadd.s32 $0x880, s19;
	s25 =	sand.u32 $0x1FFFFFF0, s29  }
0x60: {  	(v2sf) =	vpush v0, $0xC;
	[tilespmem:s23], [sflag:$0x1] =	stream.linear.gather [hbm4b:s16+s1], $0x80, $0x38;
	[tilespmem:$0x10400] =	vst v63  }
0x61: {  	s30 =	sand.u32 $0x1FFFFFF0, s31;
	s31 =	spop (v2sf);
	s28 =	sadd.s32 s3, s25  }
0x62: {  	(v2sf) =	vpush v0, $0xD;
	[tilespmem:s26], [sflag:$0x1] =	stream.linear.gather [hbm4b:s28+s1], $0x80, $0x38;
	[tilespmem:$0x10400] =	vst v63  }
0x63: {  	s16 =	sadd.s32 s3, s30;
	s23 =	sand.u32 $0x1FFFFFF0, s31;
	s29 =	spop (v2sf)  }
0x64: {  	(v2sf) =	vpush v0, $0xE;
	[tilespmem:s13], [sflag:$0x1] =	stream.linear.gather [hbm4b:s16+s1], $0x80, $0x38;
	[tilespmem:$0x10400] =	vst v63  }
0x65: {  	s23 =	sadd.s32 s3, s23;
	s30 =	sand.u32 $0x1FFFFFF0, s29;
	s31 =	spop (v2sf)  }
0x66: {  	(v2sf) =	vpush v0, $0xF;
	[tilespmem:s5], [sflag:$0x1] =	stream.linear.gather [hbm4b:s23+s1], $0x80, $0x38;
	[tilespmem:$0x10400] =	vst v63  }
0x67: {  	s24 =	sand.u32 $0x1FFFFFF0, s31;
	s25 =	spop (v2sf);
	s13 =	sadd.s32 s3, s30  }
0x68: {  	[tilespmem:s15], [sflag:$0x1] =	stream.linear.gather [hbm4b:s13+s1], $0x80, $0x38;
	[tilespmem:$0x10400] =	vst v63  }
0x69: {  	s26 =	sand.u32 $0x1FFFFFF0, s25;
	s5 =	sadd.s32 s3, s24;
	s28 =	spop (v2sf)  }
0x6a: {  	[tilespmem:s2], [sflag:$0x1] =	stream.linear.gather [hbm4b:s5+s1], $0x80, $0x38;
	[tilespmem:$0x10400] =	vst v63  }
0x6b: {  	s13 =	sadd.s32 s3, s26;
	s29 =	sand.u32 $0x1FFFFFF0, s28;
	s30 =	spop (v2sf)  }
0x6c: {  	[tilespmem:s6], [sflag:$0x1] =	stream.linear.gather [hbm4b:s13+s1], $0x80, $0x38;
	[tilespmem:$0x10400] =	vst v63  }
0x6d: {  	s5 =	sand.u32 $0x1FFFFFF0, s30;
	s2 =	sadd.s32 s3, s29;
	s31 =	spop (v2sf)  }
0x6e: {  	[tilespmem:s0], [sflag:$0x1] =	stream.linear.gather [hbm4b:s2+s1], $0x80, $0x38;
	[tilespmem:$0x10400] =	vst v63  }
0x6f: {  	s5 =	sadd.s32 s3, s5;
	s6 =	sand.u32 $0x1FFFFFF0, s31;
	s13 =	spop (v2sf)  }
0x70: {  	[tilespmem:s7], [sflag:$0x1] =	stream.linear.gather [hbm4b:s5+s1], $0x80, $0x38;
	[tilespmem:$0x10400] =	vst v63  }
0x71: {  	s0 =	sadd.s32 s3, s6;
	s2 =	sand.u32 $0x1FFFFFF0, s13;
	s15 =	spop (v2sf)  }
0x72: {  	[tilespmem:s22], [sflag:$0x1] =	stream.linear.gather [hbm4b:s0+s1], $0x80, $0x38;
	[tilespmem:$0x10400] =	vst v63  }
0x73: {  	s16 =	sand.u32 $0x1FFFFFF0, s15;
	s2 =	sadd.s32 s3, s2;
	s22 =	spop (v2sf)  }
0x74: {  	[tilespmem:s20], [sflag:$0x1] =	stream.linear.gather [hbm4b:s2+s1], $0x80, $0x38;
	[tilespmem:$0x10400] =	vst v63  }
0x75: {  	s0 =	sadd.s32 s3, s16;
	s23 =	sand.u32 $0x1FFFFFF0, s22;
	s24 =	spop (v2sf)  }
0x76: {  	[tilespmem:s21], [sflag:$0x1] =	stream.linear.gather [hbm4b:s0+s1], $0x80, $0x38;
	[tilespmem:$0x10400] =	vst v63  }
0x77: {  	s26 =	sadd.s32 $0xB00, s19;
	s25 =	sand.u32 $0x1FFFFFF0, s24;
	s2 =	sadd.s32 s3, s23  }
0x78: {  	[tilespmem:s26], [sflag:$0x1] =	stream.linear.gather [hbm4b:s2+s1], $0x80, $0x38;
	[tilespmem:$0x10400] =	vst v63  }
0x79: {  	s28 =	sadd.s32 $0xB80, s19;
	s0 =	sadd.s32 s3, s25  }
0x7a: {  	[tilespmem:s28], [sflag:$0x1] =	stream.linear.gather [hbm4b:s0+s1], $0x80, $0x38;
	[tilespmem:$0x10400] =	vst v63  }
0x7b: {  	_ =	swait.ge [sflag:s14], $0x8000  }
0x7c: {  	s19 =	simm.s32 $0x0;
	s30 =	simm.s32 $0x400;
	[sflag:s14] =	ssyncset.done $0x0  }
0x7d: {  	s31 =	sand.u32 $0xF0, s19;
	s29 =	rddreg [dreg:$0x6];
	[sflag:s14] =	ssyncadd.s32 $0xFFFF8000  }
0x7e: {  	[hbm4b:s29+s19] =	stream.linear.scatter [tilespmem:s30], [sflag:$0x2], $0x8000, $0x38;
	[tilespmem:$0x10400] =	vst v63  }
0x7f: {  	v0 =	vld [tilespmem:s31+$0x100];
	_ =	sdelay $0x4  }
0x80: {  	v0 =	vshll.u32 v0, $0x4  }
0x81: {  	(v2sf) =	vpush v0, $0x0  }
0x82: {  	(v2sf) =	vpush v0, $0x2  }
0x83: {  	(v2sf) =	vpush v0, $0x1;
	_ =	sdelay $0x1  }
0x84: {  	(v2sf) =	vpush v0, $0x3  }
0x85: {  	(v2sf) =	vpush v0, $0x4;
	_ =	sdelay $0x2  }
0x86: {  	s20 =	simm.s32 $0x2000;
	s21 =	simm.s32 $0x10  }
.LBB2_4:
0x87: {  	p0 =	sne.s32 s20, $0x1E000;
	(v2sf) =	vpush v0, $0x5;
	s0 =	smov.u32 s20;
	s20 =	sadd.s32 $0x2000, s20  }
0x88: {  	s22 =	sshra.s32 s19, $0x2;
	s19 =	smov.u32 s0  }
0x89: {  	s0 =	sadd.s32 $0x8480, s22;
	(v2sf) =	vpush v0, $0x6  }
0x8a: {  	s2 =	sadd.s32 $0x8400, s22  }
0x8b: {  	s25 =	sadd.s32 $0x8980, s22;
	s24 =	sadd.s32 $0x8A00, s22;
	s23 =	sadd.s32 $0x8A80, s22;
	(v2sf) =	vpush v0, $0x7  }
0x8c: {  	s29 =	sadd.s32 $0x8800, s22;
	s28 =	sadd.s32 $0x8880, s22;
	s26 =	sadd.s32 $0x8900, s22  }
0x8d: {  	s5 =	sadd.s32 $0x8700, s22;
	s30 =	sadd.s32 $0x8780, s22;
	s6 =	spop (v2sf);
	(v2sf) =	vpush v0, $0x8  }
0x8e: {  	s7 =	sadd.s32 $0x8500, s22;
	s6 =	sand.u32 $0x1FFFFFF0, s6;
	s13 =	spop (v2sf)  }
0x8f: {  	s15 =	sadd.s32 $0x8680, s22;
	s6 =	sadd.s32 s3, s6;
	s16 =	spop (v2sf);
	(v2sf) =	vpush v0, $0x9  }
0x90: {  	[tilespmem:s2], [sflag:$0x1] =	stream.linear.gather [hbm4b:s6+s1], $0x80, $0x38;
	[tilespmem:$0x10400] =	vst v63  }
0x91: {  	s2 =	sand.u32 $0x1FFFFFF0, s16;
	s6 =	sand.u32 $0x1FFFFFF0, s13;
	s13 =	spop (v2sf);
	(v2sf) =	vpush v0, $0xA  }
0x92: {  	s16 =	sadd.s32 $0x8600, s22;
	s2 =	sadd.s32 s3, s2;
	s31 =	spop (v2sf)  }
0x93: {  	[tilespmem:s0], [sflag:$0x1] =	stream.linear.gather [hbm4b:s2+s1], $0x80, $0x38;
	(v2sf) =	vpush v0, $0xB;
	[tilespmem:$0x10400] =	vst v63  }
0x94: {  	s0 =	sadd.s32 s3, s6;
	s2 =	sand.u32 $0x1FFFFFF0, s13;
	s6 =	sand.u32 $0x1FFFFFF0, s31  }
0x95: {  	[tilespmem:s7], [sflag:$0x1] =	stream.linear.gather [hbm4b:s0+s1], $0x80, $0x38;
	(v2sf) =	vpush v0, $0xC;
	[tilespmem:$0x10400] =	vst v63  }
0x96: {  	s2 =	sadd.s32 s3, s2;
	s0 =	sadd.s32 $0x8580, s22;
	s7 =	spop (v2sf)  }
0x97: {  	[tilespmem:s0], [sflag:$0x1] =	stream.linear.gather [hbm4b:s2+s1], $0x80, $0x38;
	(v2sf) =	vpush v0, $0xD;
	[tilespmem:$0x10400] =	vst v63  }
0x98: {  	s0 =	sadd.s32 s3, s6;
	s2 =	sand.u32 $0x1FFFFFF0, s7;
	s6 =	spop (v2sf)  }
0x99: {  	[tilespmem:s16], [sflag:$0x1] =	stream.linear.gather [hbm4b:s0+s1], $0x80, $0x38;
	(v2sf) =	vpush v0, $0xE;
	[tilespmem:$0x10400] =	vst v63  }
0x9a: {  	s0 =	sadd.s32 s3, s2;
	s2 =	sand.u32 $0x1FFFFFF0, s6;
	s6 =	spop (v2sf)  }
0x9b: {  	[tilespmem:s15], [sflag:$0x1] =	stream.linear.gather [hbm4b:s0+s1], $0x80, $0x38;
	(v2sf) =	vpush v0, $0xF;
	[tilespmem:$0x10400] =	vst v63  }
0x9c: {  	s0 =	sadd.s32 s3, s2;
	s2 =	sand.u32 $0x1FFFFFF0, s6;
	s6 =	spop (v2sf)  }
0x9d: {  	[tilespmem:s5], [sflag:$0x1] =	stream.linear.gather [hbm4b:s0+s1], $0x80, $0x38;
	[tilespmem:$0x10400] =	vst v63  }
0x9e: {  	s0 =	sadd.s32 s3, s2;
	s2 =	sand.u32 $0x1FFFFFF0, s6;
	s5 =	spop (v2sf)  }
0x9f: {  	[tilespmem:s30], [sflag:$0x1] =	stream.linear.gather [hbm4b:s0+s1], $0x80, $0x38;
	[tilespmem:$0x10400] =	vst v63  }
0xa0: {  	s0 =	sadd.s32 s3, s2;
	s2 =	sand.u32 $0x1FFFFFF0, s5;
	s5 =	spop (v2sf)  }
0xa1: {  	[tilespmem:s29], [sflag:$0x1] =	stream.linear.gather [hbm4b:s0+s1], $0x80, $0x38;
	[tilespmem:$0x10400] =	vst v63  }
0xa2: {  	s0 =	sadd.s32 s3, s2;
	s2 =	sand.u32 $0x1FFFFFF0, s5;
	s5 =	spop (v2sf)  }
0xa3: {  	[tilespmem:s28], [sflag:$0x1] =	stream.linear.gather [hbm4b:s0+s1], $0x80, $0x38;
	[tilespmem:$0x10400] =	vst v63  }
0xa4: {  	s0 =	sadd.s32 s3, s2;
	s2 =	sand.u32 $0x1FFFFFF0, s5;
	s5 =	spop (v2sf)  }
0xa5: {  	[tilespmem:s26], [sflag:$0x1] =	stream.linear.gather [hbm4b:s0+s1], $0x80, $0x38;
	[tilespmem:$0x10400] =	vst v63  }
0xa6: {  	s0 =	sadd.s32 s3, s2;
	s2 =	sand.u32 $0x1FFFFFF0, s5;
	s5 =	spop (v2sf)  }
0xa7: {  	[tilespmem:s25], [sflag:$0x1] =	stream.linear.gather [hbm4b:s0+s1], $0x80, $0x38;
	[tilespmem:$0x10400] =	vst v63  }
0xa8: {  	s0 =	sadd.s32 s3, s2;
	s2 =	sand.u32 $0x1FFFFFF0, s5;
	s5 =	spop (v2sf)  }
0xa9: {  	[tilespmem:s24], [sflag:$0x1] =	stream.linear.gather [hbm4b:s0+s1], $0x80, $0x38;
	[tilespmem:$0x10400] =	vst v63  }
0xaa: {  	s0 =	sadd.s32 s3, s2;
	s2 =	sand.u32 $0x1FFFFFF0, s5;
	s5 =	spop (v2sf)  }
0xab: {  	[tilespmem:s23], [sflag:$0x1] =	stream.linear.gather [hbm4b:s0+s1], $0x80, $0x38;
	[tilespmem:$0x10400] =	vst v63  }
0xac: {  	s2 =	sadd.s32 s3, s2;
	s0 =	sadd.s32 $0x8B00, s22;
	s5 =	sand.u32 $0x1FFFFFF0, s5  }
0xad: {  	[tilespmem:s0], [sflag:$0x1] =	stream.linear.gather [hbm4b:s2+s1], $0x80, $0x38;
	[tilespmem:$0x10400] =	vst v63  }
0xae: {  	s5 =	sadd.s32 s3, s5;
	s0 =	sand.u32 $0xF0, s21;
	s2 =	sadd.s32 $0x8B80, s22  }
0xaf: {  	[tilespmem:s2], [sflag:$0x1] =	stream.linear.gather [hbm4b:s5+s1], $0x80, $0x38;
	[tilespmem:$0x10400] =	vst v63  }
0xb0: {  	v0 =	vld [tilespmem:s0+$0x100];
	_ =	sdelay $0x4  }
0xb1: {  	v0 =	vshll.u32 v0, $0x4  }
0xb2: {  	(v2sf) =	vpush v0, $0x0  }
0xb3: {  	(v2sf) =	vpush v0, $0x2  }
0xb4: {  	(v2sf) =	vpush v0, $0x1;
	_ =	sdelay $0x1  }
.Ltmp1:
0xb5: {  	(v2sf) =	vpush v0, $0x3;
	(pc) =	sbr.rel @p0 .LBB2_4-.Ltmp1, $2  }
0xb6: {  	(v2sf) =	vpush v0, $0x4;
	_ =	sdelay $0x2  }
0xb7: {  	s21 =	sadd.s32 $0x10, s21  }
0xb8: {  	(v2sf) =	vpush v0, $0x5;
	_ =	sdelay $0x1  }
0xb9: {  	s19 =	sshra.s32 s19, $0x2;
	(v2sf) =	vpush v0, $0x6  }
0xba: {  	s0 =	sadd.s32 $0x8480, s19;
	s2 =	sadd.s32 $0x8400, s19  }
0xbb: {  	s22 =	sadd.s32 $0x8980, s19;
	s21 =	sadd.s32 $0x8A00, s19;
	s20 =	sadd.s32 $0x8A80, s19;
	(v2sf) =	vpush v0, $0x7  }
0xbc: {  	s5 =	sadd.s32 $0x8800, s19;
	s6 =	sadd.s32 $0x8880, s19;
	s7 =	sadd.s32 $0x8900, s19  }
0xbd: {  	s13 =	sadd.s32 $0x8700, s19;
	s15 =	sadd.s32 $0x8780, s19;
	s16 =	spop (v2sf);
	(v2sf) =	vpush v0, $0x8  }
0xbe: {  	s23 =	sadd.s32 $0x8500, s19;
	s16 =	sand.u32 $0x1FFFFFF0, s16;
	s24 =	spop (v2sf)  }
0xbf: {  	s25 =	sadd.s32 $0x8680, s19;
	s16 =	sadd.s32 s3, s16;
	s26 =	spop (v2sf);
	(v2sf) =	vpush v0, $0x9  }
0xc0: {  	[tilespmem:s2], [sflag:$0x1] =	stream.linear.gather [hbm4b:s16+s1], $0x80, $0x38;
	[tilespmem:$0x10400] =	vst v63  }
0xc1: {  	s30 =	sand.u32 $0x1FFFFFF0, s24;
	s29 =	sand.u32 $0x1FFFFFF0, s26;
	s31 =	spop (v2sf);
	(v2sf) =	vpush v0, $0xA  }
0xc2: {  	s24 =	sadd.s32 $0x8580, s19;
	s2 =	sadd.s32 s3, s29;
	s28 =	spop (v2sf)  }
0xc3: {  	[tilespmem:s0], [sflag:$0x1] =	stream.linear.gather [hbm4b:s2+s1], $0x80, $0x38;
	(v2sf) =	vpush v0, $0xB;
	[tilespmem:$0x10400] =	vst v63  }
0xc4: {  	s26 =	sadd.s32 $0x8600, s19;
	s29 =	sadd.s32 s3, s30;
	s30 =	sand.u32 $0x1FFFFFF0, s31  }
0xc5: {  	(v2sf) =	vpush v0, $0xC;
	[tilespmem:s23], [sflag:$0x1] =	stream.linear.gather [hbm4b:s29+s1], $0x80, $0x38;
	[tilespmem:$0x10400] =	vst v63  }
0xc6: {  	s31 =	sand.u32 $0x1FFFFFF0, s28;
	s2 =	sadd.s32 s3, s30;
	s28 =	spop (v2sf)  }
0xc7: {  	[tilespmem:s24], [sflag:$0x1] =	stream.linear.gather [hbm4b:s2+s1], $0x80, $0x38;
	(v2sf) =	vpush v0, $0xD;
	[tilespmem:$0x10400] =	vst v63  }
0xc8: {  	s29 =	sadd.s32 s3, s31;
	s30 =	sand.u32 $0x1FFFFFF0, s28;
	s31 =	spop (v2sf)  }
0xc9: {  	(v2sf) =	vpush v0, $0xE;
	[tilespmem:s26], [sflag:$0x1] =	stream.linear.gather [hbm4b:s29+s1], $0x80, $0x38;
	[tilespmem:$0x10400] =	vst v63  }
0xca: {  	s2 =	sadd.s32 s3, s30;
	s23 =	sand.u32 $0x1FFFFFF0, s31;
	s24 =	spop (v2sf)  }
0xcb: {  	(v2sf) =	vpush v0, $0xF;
	[tilespmem:s25], [sflag:$0x1] =	stream.linear.gather [hbm4b:s2+s1], $0x80, $0x38;
	[tilespmem:$0x10400] =	vst v63  }
0xcc: {  	s26 =	sand.u32 $0x1FFFFFF0, s24;
	s25 =	sadd.s32 s3, s23;
	s28 =	spop (v2sf)  }
0xcd: {  	[tilespmem:s13], [sflag:$0x1] =	stream.linear.gather [hbm4b:s25+s1], $0x80, $0x38;
	[tilespmem:$0x10400] =	vst v63  }
0xce: {  	s29 =	sadd.s32 s3, s26;
	s30 =	sand.u32 $0x1FFFFFF0, s28;
	s31 =	spop (v2sf)  }
0xcf: {  	[tilespmem:s15], [sflag:$0x1] =	stream.linear.gather [hbm4b:s29+s1], $0x80, $0x38;
	[tilespmem:$0x10400] =	vst v63  }
0xd0: {  	s16 =	sadd.s32 s3, s30;
	s23 =	sand.u32 $0x1FFFFFF0, s31;
	s24 =	spop (v2sf)  }
0xd1: {  	[tilespmem:s5], [sflag:$0x1] =	stream.linear.gather [hbm4b:s16+s1], $0x80, $0x38;
	[tilespmem:$0x10400] =	vst v63  }
0xd2: {  	s25 =	sadd.s32 s3, s23;
	s26 =	sand.u32 $0x1FFFFFF0, s24;
	s28 =	spop (v2sf)  }
0xd3: {  	[tilespmem:s6], [sflag:$0x1] =	stream.linear.gather [hbm4b:s25+s1], $0x80, $0x38;
	[tilespmem:$0x10400] =	vst v63  }
0xd4: {  	s29 =	sadd.s32 s3, s26;
	s30 =	sand.u32 $0x1FFFFFF0, s28;
	s31 =	spop (v2sf)  }
0xd5: {  	[tilespmem:s7], [sflag:$0x1] =	stream.linear.gather [hbm4b:s29+s1], $0x80, $0x38;
	[tilespmem:$0x10400] =	vst v63  }
0xd6: {  	s6 =	sadd.s32 s3, s30;
	s7 =	sand.u32 $0x1FFFFFF0, s31;
	s13 =	spop (v2sf)  }
0xd7: {  	[tilespmem:s22], [sflag:$0x1] =	stream.linear.gather [hbm4b:s6+s1], $0x80, $0x38;
	[tilespmem:$0x10400] =	vst v63  }
0xd8: {  	s15 =	sadd.s32 s3, s7;
	s16 =	sand.u32 $0x1FFFFFF0, s13;
	s22 =	spop (v2sf)  }
0xd9: {  	[tilespmem:s21], [sflag:$0x1] =	stream.linear.gather [hbm4b:s15+s1], $0x80, $0x38;
	[tilespmem:$0x10400] =	vst v63  }
0xda: {  	s23 =	sadd.s32 s3, s16;
	s24 =	sand.u32 $0x1FFFFFF0, s22;
	s25 =	spop (v2sf)  }
0xdb: {  	[tilespmem:s20], [sflag:$0x1] =	stream.linear.gather [hbm4b:s23+s1], $0x80, $0x38;
	[tilespmem:$0x10400] =	vst v63  }
0xdc: {  	s26 =	sadd.s32 $0x8B00, s19;
	s2 =	sadd.s32 s3, s24;
	s5 =	sand.u32 $0x1FFFFFF0, s25  }
0xdd: {  	[tilespmem:s26], [sflag:$0x1] =	stream.linear.gather [hbm4b:s2+s1], $0x80, $0x38;
	[tilespmem:$0x10400] =	vst v63  }
0xde: {  	s28 =	sadd.s32 $0x8B80, s19;
	s29 =	sadd.s32 s3, s5  }
0xdf: {  	[tilespmem:s28], [sflag:$0x1] =	stream.linear.gather [hbm4b:s29+s1], $0x80, $0x38;
	[tilespmem:$0x10400] =	vst v63  }
0xe0: {  	_ =	swait.ge [sflag:s14], $0x8000  }
0xe1: {  	[sflag:s14] =	ssyncset.done $0x0  }
0xe2: {  	s30 =	simm.s32 $0x0;
	s31 =	simm.s32 $0x8400;
	[sflag:s14] =	ssyncadd.s32 $0xFFFF8000  }
0xe3: {  	[hbm4b:s8+s30] =	stream.linear.scatter [tilespmem:s31], [sflag:$0x2], $0x8000, $0x38;
	[tilespmem:$0x10400] =	vst v63  }
0xe4: {  	_ =	swait.ge [sflag:s17], $0x8000  }
0xe5: {  	[sflag:s17] =	ssyncset.done $0x0  }
0xe6: {  	s20 =	simm.s32 $0x200;
	[sflag:s17] =	ssyncadd.s32 $0xFFFF8000  }
0xe7: {  	v0 =	vld [tilespmem:s20+$0x0];
	_ =	sdelay $0x4  }
0xe8: {  	v0 =	vshll.u32 v0, $0x4  }
0xe9: {  	(v2sf) =	vpush v0, $0x0  }
0xea: {  	(v2sf) =	vpush v0, $0x1  }
0xeb: {  	(v2sf) =	vpush v0, $0x2;
	_ =	sdelay $0x1  }
0xec: {  	(v2sf) =	vpush v0, $0x4;
	_ =	sdelay $0x1  }
0xed: {  	(v2sf) =	vpush v0, $0x3  }
0xee: {  	(v2sf) =	vpush v0, $0x5  }
0xef: {  	s19 =	simm.s32 $0x0;
	s21 =	simm.s32 $0x2000;
	(v2sf) =	vpush v0, $0x6  }
.LBB2_6:
0xf0: {  	p0 =	sne.s32 s21, $0x1E000  }
0xf1: {  	s0 =	sadd.s32 $0x480, s19;
	s25 =	sadd.s32 $0x980, s19;
	s22 =	smov.u32 s21  }
0xf2: {  	s21 =	sadd.s32 $0x2000, s21;
	s29 =	sadd.s32 $0x780, s19;
	s23 =	sadd.s32 $0xA00, s19;
	(v2sf) =	vpush v0, $0x7  }
0xf3: {  	s31 =	sadd.s32 $0x680, s19;
	s28 =	sadd.s32 $0x800, s19;
	s24 =	sadd.s32 $0xA80, s19  }
0xf4: {  	s2 =	sadd.s32 $0x400, s19;
	s5 =	sadd.s32 $0x600, s19;
	(v2sf) =	vpush v0, $0x8  }
0xf5: {  	s6 =	sadd.s32 $0x700, s19;
	s20 =	sadd.s32 $0x10, s20  }
0xf6: {  	s7 =	sadd.s32 $0x500, s19;
	s26 =	sadd.s32 $0x900, s19;
	s13 =	spop (v2sf);
	(v2sf) =	vpush v0, $0x9  }
0xf7: {  	s30 =	sadd.s32 $0x880, s19;
	s13 =	sand.u32 $0x1FFFFFF0, s13;
	s15 =	spop (v2sf)  }
0xf8: {  	s13 =	sadd.s32 s4, s13;
	s15 =	sand.u32 $0x1FFFFFF0, s15;
	s16 =	spop (v2sf);
	(v2sf) =	vpush v0, $0xA  }
0xf9: {  	[tilespmem:s2], [sflag:$0x1] =	stream.linear.gather [hbm4b:s13+s1], $0x80, $0x38;
	[tilespmem:$0x10400] =	vst v63  }
0xfa: {  	s2 =	sadd.s32 s4, s15;
	s13 =	sadd.s32 $0x580, s19;
	s15 =	spop (v2sf);
	(v2sf) =	vpush v0, $0xB  }
0xfb: {  	[tilespmem:s0], [sflag:$0x1] =	stream.linear.gather [hbm4b:s2+s1], $0x80, $0x38;
	[tilespmem:$0x10400] =	vst v63  }
0xfc: {  	s0 =	sand.u32 $0x1FFFFFF0, s16;
	s2 =	sand.u32 $0x1FFFFFF0, s15;
	s15 =	spop (v2sf);
	(v2sf) =	vpush v0, $0xC  }
0xfd: {  	s0 =	sadd.s32 s4, s0;
	s15 =	sand.u32 $0x1FFFFFF0, s15;
	s16 =	spop (v2sf)  }
0xfe: {  	[tilespmem:s7], [sflag:$0x1] =	stream.linear.gather [hbm4b:s0+s1], $0x80, $0x38;
	(v2sf) =	vpush v0, $0xD;
	[tilespmem:$0x10400] =	vst v63  }
0xff: {  	s0 =	sadd.s32 s4, s15;
	s7 =	sand.u32 $0x1FFFFFF0, s16;
	s15 =	spop (v2sf)  }
0x100: {  	[tilespmem:s13], [sflag:$0x1] =	stream.linear.gather [hbm4b:s0+s1], $0x80, $0x38;
	(v2sf) =	vpush v0, $0xE;
	[tilespmem:$0x10400] =	vst v63  }
0x101: {  	s0 =	sadd.s32 s4, s2;
	s2 =	sand.u32 $0x1FFFFFF0, s15;
	s13 =	spop (v2sf)  }
0x102: {  	[tilespmem:s5], [sflag:$0x1] =	stream.linear.gather [hbm4b:s0+s1], $0x80, $0x38;
	(v2sf) =	vpush v0, $0xF;
	[tilespmem:$0x10400] =	vst v63  }
0x103: {  	s0 =	sadd.s32 s4, s7;
	s5 =	sand.u32 $0x1FFFFFF0, s13;
	s7 =	spop (v2sf)  }
0x104: {  	[tilespmem:s31], [sflag:$0x1] =	stream.linear.gather [hbm4b:s0+s1], $0x80, $0x38;
	[tilespmem:$0x10400] =	vst v63  }
0x105: {  	s0 =	sadd.s32 s4, s2;
	s2 =	sand.u32 $0x1FFFFFF0, s7;
	s7 =	spop (v2sf)  }
0x106: {  	[tilespmem:s6], [sflag:$0x1] =	stream.linear.gather [hbm4b:s0+s1], $0x80, $0x38;
	[tilespmem:$0x10400] =	vst v63  }
0x107: {  	s0 =	sadd.s32 s4, s5;
	s5 =	sand.u32 $0x1FFFFFF0, s7;
	s6 =	spop (v2sf)  }
0x108: {  	[tilespmem:s29], [sflag:$0x1] =	stream.linear.gather [hbm4b:s0+s1], $0x80, $0x38;
	[tilespmem:$0x10400] =	vst v63  }
0x109: {  	s0 =	sadd.s32 s4, s2;
	s2 =	sand.u32 $0x1FFFFFF0, s6;
	s6 =	spop (v2sf)  }
0x10a: {  	[tilespmem:s28], [sflag:$0x1] =	stream.linear.gather [hbm4b:s0+s1], $0x80, $0x38;
	[tilespmem:$0x10400] =	vst v63  }
0x10b: {  	s0 =	sadd.s32 s4, s5;
	s5 =	sand.u32 $0x1FFFFFF0, s6;
	s6 =	spop (v2sf)  }
0x10c: {  	[tilespmem:s30], [sflag:$0x1] =	stream.linear.gather [hbm4b:s0+s1], $0x80, $0x38;
	[tilespmem:$0x10400] =	vst v63  }
0x10d: {  	s0 =	sadd.s32 s4, s2;
	s2 =	sand.u32 $0x1FFFFFF0, s6;
	s6 =	spop (v2sf)  }
0x10e: {  	[tilespmem:s26], [sflag:$0x1] =	stream.linear.gather [hbm4b:s0+s1], $0x80, $0x38;
	[tilespmem:$0x10400] =	vst v63  }
0x10f: {  	s0 =	sadd.s32 s4, s5;
	s5 =	sand.u32 $0x1FFFFFF0, s6;
	s6 =	spop (v2sf)  }
0x110: {  	[tilespmem:s25], [sflag:$0x1] =	stream.linear.gather [hbm4b:s0+s1], $0x80, $0x38;
	[tilespmem:$0x10400] =	vst v63  }
0x111: {  	s0 =	sadd.s32 s4, s2;
	s2 =	sand.u32 $0x1FFFFFF0, s6;
	s6 =	spop (v2sf)  }
0x112: {  	[tilespmem:s23], [sflag:$0x1] =	stream.linear.gather [hbm4b:s0+s1], $0x80, $0x38;
	[tilespmem:$0x10400] =	vst v63  }
0x113: {  	s0 =	sadd.s32 s4, s5;
	s5 =	sand.u32 $0x1FFFFFF0, s6  }
0x114: {  	[tilespmem:s24], [sflag:$0x1] =	stream.linear.gather [hbm4b:s0+s1], $0x80, $0x38;
	[tilespmem:$0x10400] =	vst v63  }
0x115: {  	s2 =	sadd.s32 s4, s2;
	s0 =	sadd.s32 $0xB00, s19  }
0x116: {  	[tilespmem:s0], [sflag:$0x1] =	stream.linear.gather [hbm4b:s2+s1], $0x80, $0x38;
	[tilespmem:$0x10400] =	vst v63  }
0x117: {  	s0 =	sadd.s32 $0xB80, s19;
	s2 =	sadd.s32 s4, s5  }
0x118: {  	[tilespmem:s0], [sflag:$0x1] =	stream.linear.gather [hbm4b:s2+s1], $0x80, $0x38;
	[tilespmem:$0x10400] =	vst v63  }
0x119: {  	v0 =	vld [tilespmem:s20+$0x0];
	_ =	sdelay $0x4  }
0x11a: {  	v0 =	vshll.u32 v0, $0x4  }
0x11b: {  	(v2sf) =	vpush v0, $0x0  }
0x11c: {  	(v2sf) =	vpush v0, $0x1  }
0x11d: {  	(v2sf) =	vpush v0, $0x2;
	_ =	sdelay $0x1  }
0x11e: {  	(v2sf) =	vpush v0, $0x4  }
.Ltmp2:
0x11f: {  	(pc) =	sbr.rel @p0 .LBB2_6-.Ltmp2, $3  }
0x120: {  	(v2sf) =	vpush v0, $0x3  }
0x121: {  	(v2sf) =	vpush v0, $0x5;
	_ =	sdelay $0x1  }
0x122: {  	s19 =	sshra.s32 s22, $0x2;
	(v2sf) =	vpush v0, $0x6  }
0x123: {  	_ =	sdelay $0x1  }
0x124: {  	s0 =	sadd.s32 $0x480, s19;
	s22 =	sadd.s32 $0x980, s19  }
0x125: {  	s2 =	sadd.s32 $0x780, s19;
	s20 =	sadd.s32 $0xA00, s19;
	(v2sf) =	vpush v0, $0x7;
	s5 =	sadd.s32 $0x680, s19  }
0x126: {  	s6 =	sadd.s32 $0x800, s19;
	s21 =	sadd.s32 $0xA80, s19;
	s7 =	sadd.s32 $0x400, s19  }
0x127: {  	s13 =	sadd.s32 $0x600, s19;
	s15 =	sadd.s32 $0x700, s19;
	(v2sf) =	vpush v0, $0x8;
	s16 =	spop (v2sf)  }
0x128: {  	s23 =	sadd.s32 $0x500, s19;
	s16 =	sand.u32 $0x1FFFFFF0, s16;
	s24 =	spop (v2sf)  }
0x129: {  	(v2sf) =	vpush v0, $0x9;
	s16 =	sadd.s32 s4, s16;
	s24 =	sand.u32 $0x1FFFFFF0, s24;
	s25 =	spop (v2sf)  }
0x12a: {  	[tilespmem:s7], [sflag:$0x1] =	stream.linear.gather [hbm4b:s16+s1], $0x80, $0x38;
	[tilespmem:$0x10400] =	vst v63  }
0x12b: {  	s26 =	sadd.s32 $0x580, s19;
	(v2sf) =	vpush v0, $0xA;
	s30 =	sadd.s32 s4, s24;
	s31 =	spop (v2sf)  }
0x12c: {  	[tilespmem:s0], [sflag:$0x1] =	stream.linear.gather [hbm4b:s30+s1], $0x80, $0x38;
	[tilespmem:$0x10400] =	vst v63  }
0x12d: {  	s7 =	sadd.s32 $0x900, s19;
	s28 =	sand.u32 $0x1FFFFFF0, s25;
	(v2sf) =	vpush v0, $0xB;
	s29 =	spop (v2sf)  }
0x12e: {  	s16 =	sadd.s32 s4, s28;
	s0 =	sadd.s32 $0x880, s19;
	s25 =	sand.u32 $0x1FFFFFF0, s29  }
0x12f: {  	(v2sf) =	vpush v0, $0xC;
	[tilespmem:s23], [sflag:$0x1] =	stream.linear.gather [hbm4b:s16+s1], $0x80, $0x38;
	[tilespmem:$0x10400] =	vst v63  }
0x130: {  	s30 =	sand.u32 $0x1FFFFFF0, s31;
	s31 =	spop (v2sf);
	s28 =	sadd.s32 s4, s25  }
0x131: {  	(v2sf) =	vpush v0, $0xD;
	[tilespmem:s26], [sflag:$0x1] =	stream.linear.gather [hbm4b:s28+s1], $0x80, $0x38;
	[tilespmem:$0x10400] =	vst v63  }
0x132: {  	s16 =	sadd.s32 s4, s30;
	s23 =	sand.u32 $0x1FFFFFF0, s31;
	s29 =	spop (v2sf)  }
0x133: {  	(v2sf) =	vpush v0, $0xE;
	[tilespmem:s13], [sflag:$0x1] =	stream.linear.gather [hbm4b:s16+s1], $0x80, $0x38;
	[tilespmem:$0x10400] =	vst v63  }
0x134: {  	s23 =	sadd.s32 s4, s23;
	s30 =	sand.u32 $0x1FFFFFF0, s29;
	s31 =	spop (v2sf)  }
0x135: {  	(v2sf) =	vpush v0, $0xF;
	[tilespmem:s5], [sflag:$0x1] =	stream.linear.gather [hbm4b:s23+s1], $0x80, $0x38;
	[tilespmem:$0x10400] =	vst v63  }
0x136: {  	s24 =	sand.u32 $0x1FFFFFF0, s31;
	s25 =	spop (v2sf);
	s13 =	sadd.s32 s4, s30  }
0x137: {  	[tilespmem:s15], [sflag:$0x1] =	stream.linear.gather [hbm4b:s13+s1], $0x80, $0x38;
	[tilespmem:$0x10400] =	vst v63  }
0x138: {  	s26 =	sand.u32 $0x1FFFFFF0, s25;
	s5 =	sadd.s32 s4, s24;
	s28 =	spop (v2sf)  }
0x139: {  	[tilespmem:s2], [sflag:$0x1] =	stream.linear.gather [hbm4b:s5+s1], $0x80, $0x38;
	[tilespmem:$0x10400] =	vst v63  }
0x13a: {  	s13 =	sadd.s32 s4, s26;
	s29 =	sand.u32 $0x1FFFFFF0, s28;
	s30 =	spop (v2sf)  }
0x13b: {  	[tilespmem:s6], [sflag:$0x1] =	stream.linear.gather [hbm4b:s13+s1], $0x80, $0x38;
	[tilespmem:$0x10400] =	vst v63  }
0x13c: {  	s5 =	sand.u32 $0x1FFFFFF0, s30;
	s2 =	sadd.s32 s4, s29;
	s31 =	spop (v2sf)  }
0x13d: {  	[tilespmem:s0], [sflag:$0x1] =	stream.linear.gather [hbm4b:s2+s1], $0x80, $0x38;
	[tilespmem:$0x10400] =	vst v63  }
0x13e: {  	s5 =	sadd.s32 s4, s5;
	s13 =	sand.u32 $0x1FFFFFF0, s31;
	s15 =	spop (v2sf)  }
0x13f: {  	[tilespmem:s7], [sflag:$0x1] =	stream.linear.gather [hbm4b:s5+s1], $0x80, $0x38;
	[tilespmem:$0x10400] =	vst v63  }
0x140: {  	s0 =	sadd.s32 s4, s13;
	s2 =	sand.u32 $0x1FFFFFF0, s15;
	s16 =	spop (v2sf)  }
0x141: {  	[tilespmem:s22], [sflag:$0x1] =	stream.linear.gather [hbm4b:s0+s1], $0x80, $0x38;
	[tilespmem:$0x10400] =	vst v63  }
0x142: {  	s2 =	sadd.s32 s4, s2;
	s23 =	spop (v2sf);
	s22 =	sand.u32 $0x1FFFFFF0, s16  }
0x143: {  	[tilespmem:s20], [sflag:$0x1] =	stream.linear.gather [hbm4b:s2+s1], $0x80, $0x38;
	[tilespmem:$0x10400] =	vst v63  }
0x144: {  	s24 =	sand.u32 $0x1FFFFFF0, s23;
	s25 =	spop (v2sf);
	s0 =	sadd.s32 s4, s22  }
0x145: {  	[tilespmem:s21], [sflag:$0x1] =	stream.linear.gather [hbm4b:s0+s1], $0x80, $0x38;
	[tilespmem:$0x10400] =	vst v63  }
0x146: {  	s28 =	sadd.s32 $0xB00, s19;
	s26 =	sand.u32 $0x1FFFFFF0, s25;
	s2 =	sadd.s32 s4, s24  }
0x147: {  	[tilespmem:s28], [sflag:$0x1] =	stream.linear.gather [hbm4b:s2+s1], $0x80, $0x38;
	[tilespmem:$0x10400] =	vst v63  }
0x148: {  	s29 =	sadd.s32 $0xB80, s19;
	s0 =	sadd.s32 s4, s26  }
0x149: {  	[tilespmem:s29], [sflag:$0x1] =	stream.linear.gather [hbm4b:s0+s1], $0x80, $0x38;
	[tilespmem:$0x10400] =	vst v63  }
0x14a: {  	_ =	swait.ge [sflag:s14], $0x8000  }
0x14b: {  	[sflag:s14] =	ssyncset.done $0x0  }
0x14c: {  	s19 =	simm.s32 $0x0;
	s30 =	simm.s32 $0x400;
	[sflag:s14] =	ssyncadd.s32 $0xFFFF8000  }
0x14d: {  	[hbm4b:s9+s19] =	stream.linear.scatter [tilespmem:s30], [sflag:$0x2], $0x8000, $0x38;
	[tilespmem:$0x10400] =	vst v63  }
0x14e: {  	_ =	swait.ge [sflag:s17], $0x8000  }
0x14f: {  	[sflag:s17] =	ssyncset.done $0x0  }
0x150: {  	s31 =	sand.u32 $0xF0, s19;
	[sflag:s17] =	ssyncadd.s32 $0xFFFF8000  }
0x151: {  	v0 =	vld [tilespmem:s31+$0x300];
	_ =	sdelay $0x4  }
0x152: {  	v0 =	vshll.u32 v0, $0x4  }
0x153: {  	(v2sf) =	vpush v0, $0x0  }
0x154: {  	(v2sf) =	vpush v0, $0x2  }
0x155: {  	(v2sf) =	vpush v0, $0x1;
	_ =	sdelay $0x1  }
0x156: {  	(v2sf) =	vpush v0, $0x3  }
0x157: {  	(v2sf) =	vpush v0, $0x4;
	_ =	sdelay $0x2  }
0x158: {  	s20 =	simm.s32 $0x2000;
	s21 =	simm.s32 $0x10  }
.LBB2_8:
0x159: {  	p0 =	sne.s32 s20, $0x1E000;
	(v2sf) =	vpush v0, $0x5;
	s0 =	smov.u32 s20;
	s20 =	sadd.s32 $0x2000, s20  }
0x15a: {  	s22 =	sshra.s32 s19, $0x2;
	s19 =	smov.u32 s0  }
0x15b: {  	s0 =	sadd.s32 $0x8480, s22;
	(v2sf) =	vpush v0, $0x6  }
0x15c: {  	s2 =	sadd.s32 $0x8400, s22  }
0x15d: {  	s25 =	sadd.s32 $0x8980, s22;
	s24 =	sadd.s32 $0x8A00, s22;
	s23 =	sadd.s32 $0x8A80, s22;
	(v2sf) =	vpush v0, $0x7  }
0x15e: {  	s29 =	sadd.s32 $0x8800, s22;
	s28 =	sadd.s32 $0x8880, s22;
	s26 =	sadd.s32 $0x8900, s22  }
0x15f: {  	s5 =	sadd.s32 $0x8700, s22;
	s30 =	sadd.s32 $0x8780, s22;
	s6 =	spop (v2sf);
	(v2sf) =	vpush v0, $0x8  }
0x160: {  	s7 =	sadd.s32 $0x8500, s22;
	s6 =	sand.u32 $0x1FFFFFF0, s6;
	s13 =	spop (v2sf)  }
0x161: {  	s15 =	sadd.s32 $0x8680, s22;
	s6 =	sadd.s32 s4, s6;
	s16 =	spop (v2sf);
	(v2sf) =	vpush v0, $0x9  }
0x162: {  	[tilespmem:s2], [sflag:$0x1] =	stream.linear.gather [hbm4b:s6+s1], $0x80, $0x38;
	[tilespmem:$0x10400] =	vst v63  }
0x163: {  	s2 =	sand.u32 $0x1FFFFFF0, s16;
	s6 =	sand.u32 $0x1FFFFFF0, s13;
	s13 =	spop (v2sf);
	(v2sf) =	vpush v0, $0xA  }
0x164: {  	s16 =	sadd.s32 $0x8600, s22;
	s2 =	sadd.s32 s4, s2;
	s31 =	spop (v2sf)  }
0x165: {  	[tilespmem:s0], [sflag:$0x1] =	stream.linear.gather [hbm4b:s2+s1], $0x80, $0x38;
	(v2sf) =	vpush v0, $0xB;
	[tilespmem:$0x10400] =	vst v63  }
0x166: {  	s0 =	sadd.s32 s4, s6;
	s2 =	sand.u32 $0x1FFFFFF0, s13;
	s6 =	sand.u32 $0x1FFFFFF0, s31  }
0x167: {  	[tilespmem:s7], [sflag:$0x1] =	stream.linear.gather [hbm4b:s0+s1], $0x80, $0x38;
	(v2sf) =	vpush v0, $0xC;
	[tilespmem:$0x10400] =	vst v63  }
0x168: {  	s2 =	sadd.s32 s4, s2;
	s0 =	sadd.s32 $0x8580, s22;
	s7 =	spop (v2sf)  }
0x169: {  	[tilespmem:s0], [sflag:$0x1] =	stream.linear.gather [hbm4b:s2+s1], $0x80, $0x38;
	(v2sf) =	vpush v0, $0xD;
	[tilespmem:$0x10400] =	vst v63  }
0x16a: {  	s0 =	sadd.s32 s4, s6;
	s2 =	sand.u32 $0x1FFFFFF0, s7;
	s6 =	spop (v2sf)  }
0x16b: {  	[tilespmem:s16], [sflag:$0x1] =	stream.linear.gather [hbm4b:s0+s1], $0x80, $0x38;
	(v2sf) =	vpush v0, $0xE;
	[tilespmem:$0x10400] =	vst v63  }
0x16c: {  	s0 =	sadd.s32 s4, s2;
	s2 =	sand.u32 $0x1FFFFFF0, s6;
	s6 =	spop (v2sf)  }
0x16d: {  	[tilespmem:s15], [sflag:$0x1] =	stream.linear.gather [hbm4b:s0+s1], $0x80, $0x38;
	(v2sf) =	vpush v0, $0xF;
	[tilespmem:$0x10400] =	vst v63  }
0x16e: {  	s0 =	sadd.s32 s4, s2;
	s2 =	sand.u32 $0x1FFFFFF0, s6;
	s6 =	spop (v2sf)  }
0x16f: {  	[tilespmem:s5], [sflag:$0x1] =	stream.linear.gather [hbm4b:s0+s1], $0x80, $0x38;
	[tilespmem:$0x10400] =	vst v63  }
0x170: {  	s0 =	sadd.s32 s4, s2;
	s2 =	sand.u32 $0x1FFFFFF0, s6;
	s5 =	spop (v2sf)  }
0x171: {  	[tilespmem:s30], [sflag:$0x1] =	stream.linear.gather [hbm4b:s0+s1], $0x80, $0x38;
	[tilespmem:$0x10400] =	vst v63  }
0x172: {  	s0 =	sadd.s32 s4, s2;
	s2 =	sand.u32 $0x1FFFFFF0, s5;
	s5 =	spop (v2sf)  }
0x173: {  	[tilespmem:s29], [sflag:$0x1] =	stream.linear.gather [hbm4b:s0+s1], $0x80, $0x38;
	[tilespmem:$0x10400] =	vst v63  }
0x174: {  	s0 =	sadd.s32 s4, s2;
	s2 =	sand.u32 $0x1FFFFFF0, s5;
	s5 =	spop (v2sf)  }
0x175: {  	[tilespmem:s28], [sflag:$0x1] =	stream.linear.gather [hbm4b:s0+s1], $0x80, $0x38;
	[tilespmem:$0x10400] =	vst v63  }
0x176: {  	s0 =	sadd.s32 s4, s2;
	s2 =	sand.u32 $0x1FFFFFF0, s5;
	s5 =	spop (v2sf)  }
0x177: {  	[tilespmem:s26], [sflag:$0x1] =	stream.linear.gather [hbm4b:s0+s1], $0x80, $0x38;
	[tilespmem:$0x10400] =	vst v63  }
0x178: {  	s0 =	sadd.s32 s4, s2;
	s2 =	sand.u32 $0x1FFFFFF0, s5;
	s5 =	spop (v2sf)  }
0x179: {  	[tilespmem:s25], [sflag:$0x1] =	stream.linear.gather [hbm4b:s0+s1], $0x80, $0x38;
	[tilespmem:$0x10400] =	vst v63  }
0x17a: {  	s0 =	sadd.s32 s4, s2;
	s2 =	sand.u32 $0x1FFFFFF0, s5;
	s5 =	spop (v2sf)  }
0x17b: {  	[tilespmem:s24], [sflag:$0x1] =	stream.linear.gather [hbm4b:s0+s1], $0x80, $0x38;
	[tilespmem:$0x10400] =	vst v63  }
0x17c: {  	s0 =	sadd.s32 s4, s2;
	s2 =	sand.u32 $0x1FFFFFF0, s5;
	s5 =	spop (v2sf)  }
0x17d: {  	[tilespmem:s23], [sflag:$0x1] =	stream.linear.gather [hbm4b:s0+s1], $0x80, $0x38;
	[tilespmem:$0x10400] =	vst v63  }
0x17e: {  	s2 =	sadd.s32 s4, s2;
	s0 =	sadd.s32 $0x8B00, s22;
	s5 =	sand.u32 $0x1FFFFFF0, s5  }
0x17f: {  	[tilespmem:s0], [sflag:$0x1] =	stream.linear.gather [hbm4b:s2+s1], $0x80, $0x38;
	[tilespmem:$0x10400] =	vst v63  }
0x180: {  	s5 =	sadd.s32 s4, s5;
	s0 =	sand.u32 $0xF0, s21;
	s2 =	sadd.s32 $0x8B80, s22  }
0x181: {  	[tilespmem:s2], [sflag:$0x1] =	stream.linear.gather [hbm4b:s5+s1], $0x80, $0x38;
	[tilespmem:$0x10400] =	vst v63  }
0x182: {  	v0 =	vld [tilespmem:s0+$0x300];
	_ =	sdelay $0x4  }
0x183: {  	v0 =	vshll.u32 v0, $0x4  }
0x184: {  	(v2sf) =	vpush v0, $0x0  }
0x185: {  	(v2sf) =	vpush v0, $0x2  }
0x186: {  	(v2sf) =	vpush v0, $0x1;
	_ =	sdelay $0x1  }
.Ltmp3:
0x187: {  	(v2sf) =	vpush v0, $0x3;
	(pc) =	sbr.rel @p0 .LBB2_8-.Ltmp3, $2  }
0x188: {  	(v2sf) =	vpush v0, $0x4;
	_ =	sdelay $0x2  }
0x189: {  	s21 =	sadd.s32 $0x10, s21  }
0x18a: {  	(v2sf) =	vpush v0, $0x5;
	_ =	sdelay $0x1  }
0x18b: {  	s19 =	sshra.s32 s19, $0x2;
	(v2sf) =	vpush v0, $0x6  }
0x18c: {  	s0 =	sadd.s32 $0x8480, s19;
	s2 =	sadd.s32 $0x8400, s19  }
0x18d: {  	s22 =	sadd.s32 $0x8980, s19;
	s21 =	sadd.s32 $0x8A00, s19;
	s20 =	sadd.s32 $0x8A80, s19;
	(v2sf) =	vpush v0, $0x7  }
0x18e: {  	s5 =	sadd.s32 $0x8800, s19;
	s6 =	sadd.s32 $0x8880, s19;
	s7 =	sadd.s32 $0x8900, s19  }
0x18f: {  	s13 =	sadd.s32 $0x8700, s19;
	s15 =	sadd.s32 $0x8780, s19;
	s16 =	spop (v2sf);
	(v2sf) =	vpush v0, $0x8  }
0x190: {  	s23 =	sadd.s32 $0x8500, s19;
	s16 =	sand.u32 $0x1FFFFFF0, s16;
	s24 =	spop (v2sf)  }
0x191: {  	s25 =	sadd.s32 $0x8680, s19;
	s16 =	sadd.s32 s4, s16;
	s26 =	spop (v2sf);
	(v2sf) =	vpush v0, $0x9  }
0x192: {  	[tilespmem:s2], [sflag:$0x1] =	stream.linear.gather [hbm4b:s16+s1], $0x80, $0x38;
	[tilespmem:$0x10400] =	vst v63  }
0x193: {  	s30 =	sand.u32 $0x1FFFFFF0, s24;
	s29 =	sand.u32 $0x1FFFFFF0, s26;
	s31 =	spop (v2sf);
	(v2sf) =	vpush v0, $0xA  }
0x194: {  	s26 =	sadd.s32 $0x8600, s19;
	s2 =	sadd.s32 s4, s29;
	s28 =	spop (v2sf)  }
0x195: {  	[tilespmem:s0], [sflag:$0x1] =	stream.linear.gather [hbm4b:s2+s1], $0x80, $0x38;
	(v2sf) =	vpush v0, $0xB;
	[tilespmem:$0x10400] =	vst v63  }
0x196: {  	s16 =	sadd.s32 s4, s30;
	s30 =	sadd.s32 $0x8580, s19;
	s24 =	sand.u32 $0x1FFFFFF0, s31  }
0x197: {  	(v2sf) =	vpush v0, $0xC;
	[tilespmem:s23], [sflag:$0x1] =	stream.linear.gather [hbm4b:s16+s1], $0x80, $0x38;
	[tilespmem:$0x10400] =	vst v63  }
0x198: {  	s29 =	sand.u32 $0x1FFFFFF0, s28;
	s2 =	sadd.s32 s4, s24;
	s31 =	spop (v2sf)  }
0x199: {  	[tilespmem:s30], [sflag:$0x1] =	stream.linear.gather [hbm4b:s2+s1], $0x80, $0x38;
	(v2sf) =	vpush v0, $0xD;
	[tilespmem:$0x10400] =	vst v63  }
0x19a: {  	s2 =	sadd.s32 s4, s29;
	s16 =	sand.u32 $0x1FFFFFF0, s31;
	s23 =	spop (v2sf)  }
0x19b: {  	(v2sf) =	vpush v0, $0xE;
	[tilespmem:s26], [sflag:$0x1] =	stream.linear.gather [hbm4b:s2+s1], $0x80, $0x38;
	[tilespmem:$0x10400] =	vst v63  }
0x19c: {  	s24 =	sadd.s32 s4, s16;
	s26 =	sand.u32 $0x1FFFFFF0, s23;
	s28 =	spop (v2sf)  }
0x19d: {  	(v2sf) =	vpush v0, $0xF;
	[tilespmem:s25], [sflag:$0x1] =	stream.linear.gather [hbm4b:s24+s1], $0x80, $0x38;
	[tilespmem:$0x10400] =	vst v63  }
0x19e: {  	s29 =	sadd.s32 s4, s26;
	s30 =	sand.u32 $0x1FFFFFF0, s28;
	s31 =	spop (v2sf)  }
0x19f: {  	[tilespmem:s13], [sflag:$0x1] =	stream.linear.gather [hbm4b:s29+s1], $0x80, $0x38;
	[tilespmem:$0x10400] =	vst v63  }
0x1a0: {  	s13 =	sadd.s32 s4, s30;
	s23 =	sand.u32 $0x1FFFFFF0, s31;
	s24 =	spop (v2sf)  }
0x1a1: {  	[tilespmem:s15], [sflag:$0x1] =	stream.linear.gather [hbm4b:s13+s1], $0x80, $0x38;
	[tilespmem:$0x10400] =	vst v63  }
0x1a2: {  	s25 =	sadd.s32 s4, s23;
	s26 =	sand.u32 $0x1FFFFFF0, s24;
	s28 =	spop (v2sf)  }
0x1a3: {  	[tilespmem:s5], [sflag:$0x1] =	stream.linear.gather [hbm4b:s25+s1], $0x80, $0x38;
	[tilespmem:$0x10400] =	vst v63  }
0x1a4: {  	s29 =	sadd.s32 s4, s26;
	s30 =	sand.u32 $0x1FFFFFF0, s28;
	s31 =	spop (v2sf)  }
0x1a5: {  	[tilespmem:s6], [sflag:$0x1] =	stream.linear.gather [hbm4b:s29+s1], $0x80, $0x38;
	[tilespmem:$0x10400] =	vst v63  }
0x1a6: {  	s2 =	sadd.s32 s4, s30;
	s5 =	sand.u32 $0x1FFFFFF0, s31;
	s6 =	spop (v2sf)  }
0x1a7: {  	[tilespmem:s7], [sflag:$0x1] =	stream.linear.gather [hbm4b:s2+s1], $0x80, $0x38;
	[tilespmem:$0x10400] =	vst v63  }
0x1a8: {  	s13 =	sand.u32 $0x1FFFFFF0, s6;
	s7 =	sadd.s32 s4, s5;
	s15 =	spop (v2sf)  }
0x1a9: {  	[tilespmem:s22], [sflag:$0x1] =	stream.linear.gather [hbm4b:s7+s1], $0x80, $0x38;
	[tilespmem:$0x10400] =	vst v63  }
0x1aa: {  	s16 =	sadd.s32 s4, s13;
	s22 =	sand.u32 $0x1FFFFFF0, s15;
	s23 =	spop (v2sf)  }
0x1ab: {  	[tilespmem:s21], [sflag:$0x1] =	stream.linear.gather [hbm4b:s16+s1], $0x80, $0x38;
	[tilespmem:$0x10400] =	vst v63  }
0x1ac: {  	s24 =	sadd.s32 s4, s22;
	s25 =	sand.u32 $0x1FFFFFF0, s23;
	s26 =	spop (v2sf)  }
0x1ad: {  	[tilespmem:s20], [sflag:$0x1] =	stream.linear.gather [hbm4b:s24+s1], $0x80, $0x38;
	[tilespmem:$0x10400] =	vst v63  }
0x1ae: {  	s28 =	sadd.s32 $0x8B00, s19;
	s2 =	sadd.s32 s4, s25;
	s5 =	sand.u32 $0x1FFFFFF0, s26  }
0x1af: {  	[tilespmem:s28], [sflag:$0x1] =	stream.linear.gather [hbm4b:s2+s1], $0x80, $0x38;
	[tilespmem:$0x10400] =	vst v63  }
0x1b0: {  	s29 =	sadd.s32 $0x8B80, s19;
	s30 =	sadd.s32 s4, s5  }
0x1b1: {  	[tilespmem:s29], [sflag:$0x1] =	stream.linear.gather [hbm4b:s30+s1], $0x80, $0x38;
	[tilespmem:$0x10400] =	vst v63  }
0x1b2: {  	_ =	swait.ge [sflag:s14], $0x8000  }
0x1b3: {  	[sflag:s14] =	ssyncset.done $0x0  }
0x1b4: {  	s18 =	sadd.s32 $0x1, s18;
	s31 =	simm.s32 $0x8400;
	[sflag:s14] =	ssyncadd.s32 $0xFFFF8000  }
0x1b5: {  	[hbm4b:s10+s1] =	stream.linear.scatter [tilespmem:s31], [sflag:$0x2], $0x8000, $0x38;
	[tilespmem:$0x10400] =	vst v63  }
0x1b6: {  	p0 =	sne.s32 s18, s11;
	_ =	swait.ge [sflag:s17], $0x8000  }
.Ltmp4:
0x1b7: {  	[sflag:s17] =	ssyncset.done $0x0;
	(pc) =	sbr.rel @p0 .LBB2_1-.Ltmp4, $4  }
0x1b8: {  	[sflag:s17] =	ssyncadd.s32 $0xFFFF8000  }
0x1b9: {  	_ =	swait.ge [sflag:s17], $0x8000  }
0x1ba: {  	[sflag:s17] =	ssyncset.done $0x0  }
0x1bb: {  	[sflag:s17] =	ssyncadd.s32 $0xFFFF8000  }
0x1bc: {  	_ =	sfence.sel $0x180000  }
0x1bd: {  	[bflag:$0x0] =	sbarrier.arrive $0xFFFF  }
0x1be: {  	_ =	strace $0x90000047  }
0x1bf: {  	s0 =	stileid.u32;
	[bflag:$0x2] =	sbarrier.arrive $0xFFFF  }
0x1c0: {  	p0 =	sne.s32 s0, $0x0;
	s0 =	rddreg [dreg:$0x3]  }
0x1c1: {  	s0 =	sadd.s32 @!p0 $0x100000, s0  }
0x1c2: {  	[sflag:s0] =	ssyncadd.tile.s32 @!p0 $0x1;
	_ =	shalt  }
.Lfunc_end2:
_tile_overlayer_lowered:
.L_overlay_start_2:
0x1c3: {  	(tag) =	ssettag $0x2  }
0x1c4: {  	s0 =	rddreg [dreg:$0x0];
	s2 =	stileid.u32  }
0x1c5: {  	s1 =	rddreg [dreg:$0x1];
	p0 =	sne.s32 s2, $0x0  }
0x1c6: {  	s3 =	rddreg [dreg:$0x2];
	[bflag:$0x3] =	sbarrier.arrive $0xFFFF;
	s2 =	simm.s32 @!p0 $0x1C03  }
0x1c7: {  	[timem:s3], [sflag:s2] =	dma.local @!p0 [hbm:s0], s1  }
0x1c8: {  	s0 =	simm.s32 @!p0 $0x3  }
0x1c9: {  	_ =	swait.ge @!p0 [sflag:s0], s1  }
0x1ca: {  	s1 =	ssub.s32 @!p0 $0x0, s1;
	[sflag:s0] =	ssyncset.done @!p0 $0x0  }
0x1cb: {  	[sflag:s0] =	ssyncadd.s32 @!p0 s1  }
0x1cc: {  	[bflag:$0x3] =	sbarrier.arrive $0xFFFF  }
0x1cd: {  	_ =	shalt  }

</sc_bundles>
